<compile_context>
chip_gen: v7x
topology: tpu7x:2x2x1
jax: 0.10.2.dev20260603
libtpu: 0.0.44.dev20260713+nightly
codegen_flags: <defaults>
</compile_context>

<pallas_src>
import functools

import jax
import jax.numpy as jnp
from jax import lax
from jax.experimental import pallas as pl
from jax.experimental.pallas import tpu as pltpu
from jax.experimental.pallas import tpu_sc as plsc

B, C, N, S, D = 8, 3, 8192, 2048, 256
ST = 512
K = 3



def _lex_lt(va, ia, vb, ib):
    return (va < vb) | ((va == vb) & (ia < ib))


def _merge3(A, B):
    (av1, ai1, av2, ai2, av3, ai3) = A
    (bv1, bi1, bv2, bi2, bv3, bi3) = B
    t1 = _lex_lt(av1, ai1, bv1, bi1)
    m1v = jnp.where(t1, av1, bv1)
    m1i = jnp.where(t1, ai1, bi1)
    cav = jnp.where(t1, av2, av1)
    cai = jnp.where(t1, ai2, ai1)
    cbv = jnp.where(t1, bv1, bv2)
    cbi = jnp.where(t1, bi1, bi2)
    nav = jnp.where(t1, av3, av2)
    nai = jnp.where(t1, ai3, ai2)
    nbv = jnp.where(t1, bv2, bv3)
    nbi = jnp.where(t1, bi2, bi3)
    t2 = _lex_lt(cav, cai, cbv, cbi)
    m2v = jnp.where(t2, cav, cbv)
    m2i = jnp.where(t2, cai, cbi)
    cav2 = jnp.where(t2, nav, cav)
    cai2 = jnp.where(t2, nai, cai)
    cbv2 = jnp.where(t2, cbv, nbv)
    cbi2 = jnp.where(t2, cbi, nbi)
    t3 = _lex_lt(cav2, cai2, cbv2, cbi2)
    m3v = jnp.where(t3, cav2, cbv2)
    m3i = jnp.where(t3, cai2, cbi2)
    return (m1v, m1i, m2v, m2i, m3v, m3i)


NSPLIT = 1
NW_ = N // NSPLIT


def _top3_body(x1_ref, x2t_ref, idx_ref, w_ref):
    b = pl.program_id(0)
    x1 = x1_ref[0]
    x2 = x2t_ref[0]

    n2 = jnp.sum(x2 * x2, axis=1, keepdims=True)
    iota = lax.broadcasted_iota(jnp.int32, (ST, NW_), 1).astype(jnp.float32)
    inf = jnp.float32(jnp.inf)
    bigf = jnp.float32(NW_)

    best = None
    for h in range(NSPLIT):
        x1h = x1[:, h * NW_:(h + 1) * NW_]
        mm = lax.dot_general(x2, x1h, (((1,), (0,)), ((), ())),
                             preferred_element_type=jnp.float32)
        d = -2.0 * mm
        d = d + n2
        sq = x1h * x1h
        n1 = (sq[0:1, :] + sq[1:2, :]) + sq[2:3, :]
        d = d + n1

        offs = jnp.float32(h * NW_)
        tri = []
        for k in range(K):
            m = jnp.min(d, axis=1, keepdims=True)
            af = jnp.min(jnp.where(d == m, iota, bigf), axis=1,
                         keepdims=True)
            tri.extend((m, af + offs))
            if k < K - 1:
                d = jnp.where(iota == af, inf, d)
        best = tuple(tri) if best is None else _merge3(best, tuple(tri))

    mins = [best[0], best[2], best[4]]
    amins = [best[1].astype(jnp.int32), best[3].astype(jnp.int32),
             best[5].astype(jnp.int32)]

    r = [1.0 / (m + 1e-08) for m in mins]
    norm = r[0] + r[1] + r[2]
    w = [rk / norm for rk in r]

    lane = lax.broadcasted_iota(jnp.int32, (ST, 8), 1)
    boffs = b * N
    iv = jnp.broadcast_to(amins[0] + boffs, (ST, 8))
    iv = jnp.where(lane == 1, jnp.broadcast_to(amins[1] + boffs, (ST, 8)), iv)
    iv = jnp.where(lane == 2, jnp.broadcast_to(amins[2] + boffs, (ST, 8)), iv)
    iv = jnp.where(lane >= 3, 0, iv)
    idx_ref[0] = iv

    wv = jnp.broadcast_to(w[0], (ST, 8))
    wv = jnp.where(lane == 1, jnp.broadcast_to(w[1], (ST, 8)), wv)
    wv = jnp.where(lane == 2, jnp.broadcast_to(w[2], (ST, 8)), wv)
    wv = jnp.where(lane >= 3, jnp.float32(0.0), wv)
    w_ref[0] = wv


def _top3(xyz1, xyz2t):
    nb = xyz1.shape[0]
    return pl.pallas_call(
        _top3_body,
        grid=(nb, S // ST),
        in_specs=[
            pl.BlockSpec((1, C, N), lambda b, s: (b, 0, 0)),
            pl.BlockSpec((1, ST, C), lambda b, s: (b, s, 0)),
        ],
        out_specs=[
            pl.BlockSpec((1, ST, 8), lambda b, s: (b, s, 0)),
            pl.BlockSpec((1, ST, 8), lambda b, s: (b, s, 0)),
        ],
        out_shape=[
            jax.ShapeDtypeStruct((nb, S, 8), jnp.int32),
            jax.ShapeDtypeStruct((nb, S, 8), jnp.float32),
        ],
    )(xyz1, xyz2t)



BS = B * S
NW = 32
QPW = BS // NW
QC = 32
RPC = QC * K
NCH = QPW // QC


def _sc_combine(table, idx, w):
    nq = idx.shape[0] // K
    qpw = nq // NW
    nch = qpw // QC

    def body(table_hbm, idx_hbm, w_hbm, out_hbm,
             idx_v, w_v, rows_v, out_v, sem0, sem1, semo0, semo1):
        wid = lax.axis_index("s") * 2 + lax.axis_index("c")
        q_base = wid * qpw
        r_base = q_base * K
        sems = (sem0, sem1)
        semos = (semo0, semo1)

        pltpu.sync_copy(idx_hbm.at[pl.ds(r_base, qpw * K)], idx_v)
        pltpu.sync_copy(w_hbm.at[pl.ds(r_base, qpw * K)],
                        w_v.at[pl.ds(0, qpw * K)])
        pltpu.async_copy(table_hbm.at[idx_v.at[pl.ds(0, RPC)]],
                         rows_v.at[0], sem0)

        def pair(ch, carry):
            for sub in range(2):
                ci = ch * 2 + sub
                p = sub

                @pl.when(ci + 1 < nch)
                def _():
                    pltpu.async_copy(
                        table_hbm.at[idx_v.at[pl.ds((ci + 1) * RPC, RPC)]],
                        rows_v.at[1 - p], sems[1 - p])

                pltpu.make_async_copy(table_hbm.at[pl.ds(0, RPC)],
                                      rows_v.at[p], sems[p]).wait()

                @pl.when(ch > 0)
                def _():
                    pltpu.make_async_copy(
                        out_v.at[p], out_hbm.at[pl.ds(0, QC)],
                        semos[p]).wait()

                def qbody(q, c2):
                    wvec = w_v[pl.ds(ci * RPC + q * K, 16)]
                    w0 = wvec[0]
                    w1 = wvec[1]
                    w2 = wvec[2]
                    for dc in range(D // 16):
                        sl = pl.ds(dc * 16, 16)
                        acc = rows_v[p, q * K + 0, sl] * w0
                        acc = acc + rows_v[p, q * K + 1, sl] * w1
                        acc = acc + rows_v[p, q * K + 2, sl] * w2
                        out_v[p, q, sl] = acc
                    return c2

                lax.fori_loop(0, QC, qbody, 0)
                pltpu.async_copy(out_v.at[p],
                                 out_hbm.at[pl.ds(q_base + ci * QC, QC)],
                                 semos[p])
            return carry

        lax.fori_loop(0, nch // 2, pair, 0)
        for p in range(2):
            pltpu.make_async_copy(out_v.at[p], out_hbm.at[pl.ds(0, QC)],
                                  semos[p]).wait()

    mesh = plsc.VectorSubcoreMesh(core_axis_name="c", subcore_axis_name="s")
    fn = functools.partial(
        pl.kernel,
        out_type=jax.ShapeDtypeStruct((nq, D), jnp.float32),
        mesh=mesh,
        scratch_types=[
            pltpu.VMEM((qpw * K,), jnp.int32),
            pltpu.VMEM((qpw * K + 16,), jnp.float32),
            pltpu.VMEM((2, RPC, D), jnp.float32),
            pltpu.VMEM((2, QC, D), jnp.float32),
            pltpu.SemaphoreType.DMA,
            pltpu.SemaphoreType.DMA,
            pltpu.SemaphoreType.DMA,
            pltpu.SemaphoreType.DMA,
        ],
    )(body)
    return fn(table, idx, w)




def kernel(xyz1, xyz2, points1):
    x2t = jnp.transpose(xyz2, (0, 2, 1))
    table = jnp.transpose(points1, (0, 2, 1)).reshape(B * N, D)
    idx8, w8 = _top3(xyz1, x2t)
    idx3 = idx8[:, :, :K].reshape(-1)
    w3 = w8[:, :, :K].reshape(-1)
    out_rows = _sc_combine(table, idx3, w3)
    return jnp.transpose(out_rows.reshape(B, S, D), (0, 2, 1))

# --- scband reference (transcript-rebuilt; emitter-appended) ---
"""Pipeline reference for scband-point-net-feature-inter-49237505082104 (READ-ONLY COPY).

The authoritative reference and input builder live on the scoring server;
editing this copy changes nothing except your own understanding.
"""

import jax, jax.numpy as jnp
import numpy as np


def square_distance(src, dst):
    # src: [B, N, C], dst: [B, M, C] -> [B, N, M]
    B, N, _ = src.shape
    _, M, _ = dst.shape
    dist = -2.0 * jnp.matmul(src, jnp.transpose(dst, (0, 2, 1)))
    dist = dist + jnp.sum(src ** 2, axis=-1).reshape(B, N, 1)
    dist = dist + jnp.sum(dst ** 2, axis=-1).reshape(B, 1, M)
    return dist


def setup_inputs(seed: int = 0) -> dict:
    key = jax.random.key(seed)
    k1, k2, k3 = jax.random.split(key, 3)
    xyz1 = jax.random.normal(k1, (8, 3, 8192), dtype=jnp.float32)
    xyz2 = jax.random.normal(k2, (8, 3, 2048), dtype=jnp.float32)
    points1 = jax.random.normal(k3, (8, 256, 8192), dtype=jnp.float32)
    return {"xyz1": xyz1, "xyz2": xyz2, "points1": points1}


def reference(xyz1, xyz2, points1):
    # xyz1: [B, C, N], xyz2: [B, C, S], points1: [B, D, N]
    xyz1 = jnp.transpose(xyz1, (0, 2, 1))      # [B, N, C]
    xyz2 = jnp.transpose(xyz2, (0, 2, 1))      # [B, S, C]
    points1 = jnp.transpose(points1, (0, 2, 1))  # [B, N, D]
    B, N, C = xyz1.shape
    _, S, _ = xyz2.shape
    D = points1.shape[-1]

    dists = square_distance(xyz2, xyz1)        # [B, S, N]
    order = jnp.argsort(dists, axis=-1)        # [B, S, N]
    sorted_d = jnp.take_along_axis(dists, order, axis=-1)
    dists3 = sorted_d[:, :, :3]                # [B, S, 3]
    idx3 = order[:, :, :3]                     # [B, S, 3]

    dist_recip = 1.0 / (dists3 + 1e-08)
    norm = jnp.sum(dist_recip, axis=2, keepdims=True)
    weight = dist_recip / norm                 # [B, S, 3]

    # index_points: gather points1[b, idx3[b, s, k], :]
    gathered = jnp.take_along_axis(points1, idx3.reshape(B, S * 3, 1), axis=1)
    gathered = gathered.reshape(B, S, 3, D)

    interpolated = jnp.sum(gathered * weight.reshape(B, S, 3, 1), axis=2)  # [B, S, D]
    interpolated = jnp.transpose(interpolated, (0, 2, 1))                   # [B, D, S]
    return interpolated

if __name__ == "__main__":
    import jax
    _d = setup_inputs()
    print(jax.jit(kernel)(*tuple(_d.values())))

</pallas_src>

<mosaic_0001>
#map = affine_map<(d0, d1) -> (0, 0)>
#map1 = affine_map<(d0, d1) -> (0)>
module attributes {stable_mosaic.version = 14 : i64} {
  func.func @body(%arg0: i32, %arg1: i32, %arg2: memref<65536x256xf32, #tpu.memory_space<hbm>>, %arg3: memref<49152xi32, #tpu.memory_space<hbm>>, %arg4: memref<49152xf32, #tpu.memory_space<hbm>>, %arg5: memref<16384x256xf32, #tpu.memory_space<hbm>>, %arg6: memref<1536xi32, #tpu.memory_space<vmem>>, %arg7: memref<1552xf32, #tpu.memory_space<vmem>>, %arg8: memref<2x96x256xf32, #tpu.memory_space<vmem>>, %arg9: memref<2x32x256xf32, #tpu.memory_space<vmem>>, %arg10: memref<!tpu.dma_semaphore, #tpu.memory_space<semaphore_mem>>, %arg11: memref<!tpu.dma_semaphore, #tpu.memory_space<semaphore_mem>>, %arg12: memref<!tpu.dma_semaphore, #tpu.memory_space<semaphore_mem>>, %arg13: memref<!tpu.dma_semaphore, #tpu.memory_space<semaphore_mem>>) attributes {dimension_semantics = [#tpu.dimension_semantics<core_parallel>, #tpu.dimension_semantics<subcore_parallel>], iteration_bounds = array<i64: 2, 16>, scalar_prefetch = 0 : i64, scratch_operands = 8 : i64, tpu.core_type = #tpu.core_type<sc_vector_subcore>, window_params = [{transform_indices = #map}, {transform_indices = #map1}, {transform_indices = #map1}, {transform_indices = #map}]} {
    %mul3A = arith.constant 2 : i32
    %mul3A_0 = arith.muli %arg1, %mul3A : i32
    %add3A = arith.addi %mul3A_0, %arg0 : i32
    %mul3A_1 = arith.constant 512 : i32
    %mul3A_2 = arith.muli %add3A, %mul3A_1 : i32
    %mul3A_3 = arith.constant 3 : i32
    %mul3A_4 = arith.muli %mul3A_2, %mul3A_3 : i32
    "tpu.region"() ({
      %run_scoped3A = tpu.sem_alloc : memref<!tpu.dma_semaphore, #tpu.memory_space<semaphore_mem>>
      %dma_start3A_48 = tpu.memref_slice %arg3[%mul3A_4] : memref<49152xi32, #tpu.memory_space<hbm>> -> memref<1536xi32, #tpu.memory_space<hbm>>
      %dma_start3A_49 = tpu.memref_slice %arg3[%mul3A_4] : memref<49152xi32, #tpu.memory_space<hbm>> -> memref<1536xi32, #tpu.memory_space<hbm>>
      tpu.enqueue_dma source(%dma_start3A_49 : memref<1536xi32, #tpu.memory_space<hbm>>) target(%arg6 : memref<1536xi32, #tpu.memory_space<vmem>>) target_semaphore(%run_scoped3A : memref<!tpu.dma_semaphore, #tpu.memory_space<semaphore_mem>>)
      %dma_wait3A_50 = tpu.memref_slice %arg3[%mul3A_4] : memref<49152xi32, #tpu.memory_space<hbm>> -> memref<1536xi32, #tpu.memory_space<hbm>>
      %dma_wait3A_51 = tpu.memref_slice %arg3[%mul3A_4] : memref<49152xi32, #tpu.memory_space<hbm>> -> memref<1536xi32, #tpu.memory_space<hbm>>
      tpu.wait_dma2 semaphore(%run_scoped3A : memref<!tpu.dma_semaphore, #tpu.memory_space<semaphore_mem>>) src(%dma_wait3A_51 : memref<1536xi32, #tpu.memory_space<hbm>>) dst(%arg6 : memref<1536xi32, #tpu.memory_space<vmem>>)
      tpu.yield
    }) : () -> ()
    "tpu.region"() ({
      %run_scoped3A = tpu.sem_alloc : memref<!tpu.dma_semaphore, #tpu.memory_space<semaphore_mem>>
      %dma_start3A_48 = arith.constant 0 : i32
      %dma_start3A_49 = tpu.memref_slice %arg7[%dma_start3A_48] : memref<1552xf32, #tpu.memory_space<vmem>> -> memref<1536xf32, #tpu.memory_space<vmem>>
      %dma_start3A_50 = tpu.memref_slice %arg4[%mul3A_4] : memref<49152xf32, #tpu.memory_space<hbm>> -> memref<1536xf32, #tpu.memory_space<hbm>>
      %dma_start3A_51 = arith.constant 0 : i32
      %dma_start3A_52 = tpu.memref_slice %arg7[%dma_start3A_51] : memref<1552xf32, #tpu.memory_space<vmem>> -> memref<1536xf32, #tpu.memory_space<vmem>>
      %dma_start3A_53 = tpu.memref_slice %arg4[%mul3A_4] : memref<49152xf32, #tpu.memory_space<hbm>> -> memref<1536xf32, #tpu.memory_space<hbm>>
      tpu.enqueue_dma source(%dma_start3A_53 : memref<1536xf32, #tpu.memory_space<hbm>>) target(%dma_start3A_52 : memref<1536xf32, #tpu.memory_space<vmem>>) target_semaphore(%run_scoped3A : memref<!tpu.dma_semaphore, #tpu.memory_space<semaphore_mem>>)
      %dma_wait3A_54 = arith.constant 0 : i32
      %dma_wait3A_55 = tpu.memref_slice %arg7[%dma_wait3A_54] : memref<1552xf32, #tpu.memory_space<vmem>> -> memref<1536xf32, #tpu.memory_space<vmem>>
      %dma_wait3A_56 = tpu.memref_slice %arg4[%mul3A_4] : memref<49152xf32, #tpu.memory_space<hbm>> -> memref<1536xf32, #tpu.memory_space<hbm>>
      %dma_wait3A_57 = arith.constant 0 : i32
      %dma_wait3A_58 = tpu.memref_slice %arg7[%dma_wait3A_57] : memref<1552xf32, #tpu.memory_space<vmem>> -> memref<1536xf32, #tpu.memory_space<vmem>>
      %dma_wait3A_59 = tpu.memref_slice %arg4[%mul3A_4] : memref<49152xf32, #tpu.memory_space<hbm>> -> memref<1536xf32, #tpu.memory_space<hbm>>
      tpu.wait_dma2 semaphore(%run_scoped3A : memref<!tpu.dma_semaphore, #tpu.memory_space<semaphore_mem>>) src(%dma_wait3A_59 : memref<1536xf32, #tpu.memory_space<hbm>>) dst(%dma_wait3A_58 : memref<1536xf32, #tpu.memory_space<vmem>>)
      tpu.yield
    }) : () -> ()
    %dma_start3A = arith.constant 0 : i32
    %dma_start3A_5 = arith.constant 0 : i32
    %dma_start3A_6 = arith.constant 0 : i32
    %dma_start3A_7 = tpu.memref_slice %arg8[%dma_start3A, %dma_start3A_5, %dma_start3A_6] : memref<2x96x256xf32, #tpu.memory_space<vmem>> -> memref<1x96x256xf32, #tpu.memory_space<vmem>>
    %dma_start3A_8 = tpu.memref_squeeze %dma_start3A_7 : memref<1x96x256xf32, #tpu.memory_space<vmem>> -> memref<96x256xf32, #tpu.memory_space<vmem>>
    %dma_start3A_9 = arith.constant 0 : i32
    %dma_start3A_10 = tpu.memref_slice %arg6[%dma_start3A_9] : memref<1536xi32, #tpu.memory_space<vmem>> -> memref<96xi32, #tpu.memory_space<vmem>>
    %dma_start3A_11 = arith.constant 0 : i32
    %dma_start3A_12 = arith.constant 0 : i32
    %dma_start3A_13 = tpu.memref_slice %arg2[%dma_start3A_11, %dma_start3A_12] : memref<65536x256xf32, #tpu.memory_space<hbm>> -> memref<65536x256xf32, #tpu.memory_space<hbm>>
    tpu.enqueue_indirect_dma source(%dma_start3A_13 : memref<65536x256xf32, #tpu.memory_space<hbm>>) target(%dma_start3A_8 : memref<96x256xf32, #tpu.memory_space<vmem>>) offsets(%dma_start3A_10 : memref<96xi32, #tpu.memory_space<vmem>>) semaphore(%arg10 : memref<!tpu.dma_semaphore, #tpu.memory_space<semaphore_mem>>)
    %scan3A = arith.constant 0 : i32
    %scan3A_14 = arith.constant 0 : i32
    %scan3A_15 = arith.constant 8 : i32
    %scan3A_16 = arith.addi %scan3A_14, %scan3A_15 : i32
    %scan3A_17 = arith.constant 1 : i32
    scf.for %scan3A_48 = %scan3A_14 to %scan3A_16 step %scan3A_17  : i32 {
      %mul3A_49 = arith.constant 2 : i32
      %mul3A_50 = arith.muli %scan3A_48, %mul3A_49 : i32
      %add3A_51 = arith.constant 0 : i32
      %add3A_52 = arith.addi %mul3A_50, %add3A_51 : i32
      %add3A_53 = arith.constant 1 : i32
      %add3A_54 = arith.addi %add3A_52, %add3A_53 : i32
      %lt3A = arith.constant 16 : i32
      %lt3A_55 = arith.cmpi slt, %add3A_54, %lt3A : i32
      %convert_element_type3A = arith.extui %lt3A_55 : i1 to i32
      %cond3A = arith.constant 0 : i32
      %cond3A_56 = arith.cmpi ne, %convert_element_type3A, %cond3A : i32
      scf.if %cond3A_56 {
        %add3A_151 = arith.constant 1 : i32
        %add3A_152 = arith.addi %add3A_52, %add3A_151 : i32
        %mul3A_153 = arith.constant 96 : i32
        %mul3A_154 = arith.muli %add3A_152, %mul3A_153 : i32
        %dma_start3A_155 = arith.constant 1 : i32
        %dma_start3A_156 = arith.constant 0 : i32
        %dma_start3A_157 = arith.constant 0 : i32
        %dma_start3A_158 = tpu.memref_slice %arg8[%dma_start3A_155, %dma_start3A_156, %dma_start3A_157] : memref<2x96x256xf32, #tpu.memory_space<vmem>> -> memref<1x96x256xf32, #tpu.memory_space<vmem>>
        %dma_start3A_159 = tpu.memref_squeeze %dma_start3A_158 : memref<1x96x256xf32, #tpu.memory_space<vmem>> -> memref<96x256xf32, #tpu.memory_space<vmem>>
        %dma_start3A_160 = tpu.memref_slice %arg6[%mul3A_154] : memref<1536xi32, #tpu.memory_space<vmem>> -> memref<96xi32, #tpu.memory_space<vmem>>
        %dma_start3A_161 = arith.constant 0 : i32
        %dma_start3A_162 = arith.constant 0 : i32
        %dma_start3A_163 = tpu.memref_slice %arg2[%dma_start3A_161, %dma_start3A_162] : memref<65536x256xf32, #tpu.memory_space<hbm>> -> memref<65536x256xf32, #tpu.memory_space<hbm>>
        tpu.enqueue_indirect_dma source(%dma_start3A_163 : memref<65536x256xf32, #tpu.memory_space<hbm>>) target(%dma_start3A_159 : memref<96x256xf32, #tpu.memory_space<vmem>>) offsets(%dma_start3A_160 : memref<96xi32, #tpu.memory_space<vmem>>) semaphore(%arg11 : memref<!tpu.dma_semaphore, #tpu.memory_space<semaphore_mem>>)
      } else {
      }
      %dma_wait3A_57 = arith.constant 0 : i32
      %dma_wait3A_58 = arith.constant 0 : i32
      %dma_wait3A_59 = arith.constant 0 : i32
      %dma_wait3A_60 = tpu.memref_slice %arg8[%dma_wait3A_57, %dma_wait3A_58, %dma_wait3A_59] : memref<2x96x256xf32, #tpu.memory_space<vmem>> -> memref<1x96x256xf32, #tpu.memory_space<vmem>>
      %dma_wait3A_61 = tpu.memref_squeeze %dma_wait3A_60 : memref<1x96x256xf32, #tpu.memory_space<vmem>> -> memref<96x256xf32, #tpu.memory_space<vmem>>
      %dma_wait3A_62 = arith.constant 0 : i32
      %dma_wait3A_63 = arith.constant 0 : i32
      %dma_wait3A_64 = tpu.memref_slice %arg2[%dma_wait3A_62, %dma_wait3A_63] : memref<65536x256xf32, #tpu.memory_space<hbm>> -> memref<96x256xf32, #tpu.memory_space<hbm>>
      %dma_wait3A_65 = arith.constant 0 : i32
      %dma_wait3A_66 = arith.constant 0 : i32
      %dma_wait3A_67 = tpu.memref_slice %arg8[%dma_wait3A_57, %dma_wait3A_65, %dma_wait3A_66] : memref<2x96x256xf32, #tpu.memory_space<vmem>> -> memref<1x96x256xf32, #tpu.memory_space<vmem>>
      %dma_wait3A_68 = tpu.memref_squeeze %dma_wait3A_67 : memref<1x96x256xf32, #tpu.memory_space<vmem>> -> memref<96x256xf32, #tpu.memory_space<vmem>>
      %dma_wait3A_69 = arith.constant 0 : i32
      %dma_wait3A_70 = arith.constant 0 : i32
      %dma_wait3A_71 = tpu.memref_slice %arg2[%dma_wait3A_69, %dma_wait3A_70] : memref<65536x256xf32, #tpu.memory_space<hbm>> -> memref<96x256xf32, #tpu.memory_space<hbm>>
      tpu.wait_dma2 semaphore(%arg10 : memref<!tpu.dma_semaphore, #tpu.memory_space<semaphore_mem>>) src(%dma_wait3A_71 : memref<96x256xf32, #tpu.memory_space<hbm>>) dst(%dma_wait3A_68 : memref<96x256xf32, #tpu.memory_space<vmem>>)
      %gt3A = arith.constant 0 : i32
      %gt3A_72 = arith.cmpi sgt, %scan3A_48, %gt3A : i32
      %convert_element_type3A_73 = arith.extui %gt3A_72 : i1 to i32
      %cond3A_74 = arith.constant 0 : i32
      %cond3A_75 = arith.cmpi ne, %convert_element_type3A_73, %cond3A_74 : i32
      scf.if %cond3A_75 {
        %dma_wait3A_151 = arith.constant 0 : i32
        %dma_wait3A_152 = arith.constant 0 : i32
        %dma_wait3A_153 = arith.constant 0 : i32
        %dma_wait3A_154 = tpu.memref_slice %arg9[%dma_wait3A_151, %dma_wait3A_152, %dma_wait3A_153] : memref<2x32x256xf32, #tpu.memory_space<vmem>> -> memref<1x32x256xf32, #tpu.memory_space<vmem>>
        %dma_wait3A_155 = tpu.memref_squeeze %dma_wait3A_154 : memref<1x32x256xf32, #tpu.memory_space<vmem>> -> memref<32x256xf32, #tpu.memory_space<vmem>>
        %dma_wait3A_156 = arith.constant 0 : i32
        %dma_wait3A_157 = arith.constant 0 : i32
        %dma_wait3A_158 = tpu.memref_slice %arg5[%dma_wait3A_156, %dma_wait3A_157] : memref<16384x256xf32, #tpu.memory_space<hbm>> -> memref<32x256xf32, #tpu.memory_space<hbm>>
        %dma_wait3A_159 = arith.constant 0 : i32
        %dma_wait3A_160 = arith.constant 0 : i32
        %dma_wait3A_161 = tpu.memref_slice %arg5[%dma_wait3A_159, %dma_wait3A_160] : memref<16384x256xf32, #tpu.memory_space<hbm>> -> memref<32x256xf32, #tpu.memory_space<hbm>>
        %dma_wait3A_162 = arith.constant 0 : i32
        %dma_wait3A_163 = arith.constant 0 : i32
        %dma_wait3A_164 = tpu.memref_slice %arg9[%dma_wait3A_151, %dma_wait3A_162, %dma_wait3A_163] : memref<2x32x256xf32, #tpu.memory_space<vmem>> -> memref<1x32x256xf32, #tpu.memory_space<vmem>>
        %dma_wait3A_165 = tpu.memref_squeeze %dma_wait3A_164 : memref<1x32x256xf32, #tpu.memory_space<vmem>> -> memref<32x256xf32, #tpu.memory_space<vmem>>
        tpu.wait_dma2 semaphore(%arg12 : memref<!tpu.dma_semaphore, #tpu.memory_space<semaphore_mem>>) src(%dma_wait3A_165 : memref<32x256xf32, #tpu.memory_space<vmem>>) dst(%dma_wait3A_161 : memref<32x256xf32, #tpu.memory_space<hbm>>)
      } else {
      }
      %scan3A_76 = arith.constant 0 : i32
      %scan3A_77 = arith.constant 0 : i32
      %scan3A_78 = arith.constant 32 : i32
      %scan3A_79 = arith.addi %scan3A_77, %scan3A_78 : i32
      %scan3A_80 = arith.constant 1 : i32
      scf.for %scan3A_151 = %scan3A_77 to %scan3A_79 step %scan3A_80  : i32 {
        %mul3A_152 = arith.constant 96 : i32
        %mul3A_153 = arith.muli %add3A_52, %mul3A_152 : i32
        %mul3A_154 = arith.constant 3 : i32
        %mul3A_155 = arith.muli %scan3A_151, %mul3A_154 : i32
        %add3A_156 = arith.addi %mul3A_153, %mul3A_155 : i32
        %get3A = arith.index_cast %add3A_156 : i32 to index
        %get3A_157 = tpu.vector_load %arg7[%get3A] {strides = array<i32>} : memref<1552xf32, #tpu.memory_space<vmem>>, vector<16xf32>,
        %get3A_158 = vector.shape_cast %get3A_157 : vector<16xf32> to vector<16xf32>
        %slice3A = vector.extract_strided_slice %get3A_158 {offsets = [0], sizes = [1], strides = [1]} : vector<16xf32> to vector<1xf32>
        %squeeze3A = vector.extract %slice3A[0] : f32 from vector<1xf32>
        %slice3A_159 = vector.extract_strided_slice %get3A_158 {offsets = [1], sizes = [1], strides = [1]} : vector<16xf32> to vector<1xf32>
        %squeeze3A_160 = vector.extract %slice3A_159[0] : f32 from vector<1xf32>
        %slice3A_161 = vector.extract_strided_slice %get3A_158 {offsets = [2], sizes = [1], strides = [1]} : vector<16xf32> to vector<1xf32>
        %squeeze3A_162 = vector.extract %slice3A_161[0] : f32 from vector<1xf32>
        %mul3A_163 = arith.constant 3 : i32
        %mul3A_164 = arith.muli %scan3A_151, %mul3A_163 : i32
        %add3A_165 = arith.constant 0 : i32
        %add3A_166 = arith.addi %mul3A_164, %add3A_165 : i32
        %get3A_167 = arith.constant 0 : i32
        %get3A_168 = arith.index_cast %get3A_167 : i32 to index
        %get3A_169 = arith.index_cast %add3A_166 : i32 to index
        %get3A_170 = arith.constant 0 : index
        %get3A_171 = tpu.vector_load %arg8[%get3A_168, %get3A_169, %get3A_170] {strides = array<i32>} : memref<2x96x256xf32, #tpu.memory_space<vmem>>, vector<1x1x16xf32>,
        %get3A_172 = vector.shape_cast %get3A_171 : vector<1x1x16xf32> to vector<16xf32>
        %mul3A_173 = vector.broadcast %squeeze3A : f32 to vector<16xf32>
        %mul3A_174 = arith.mulf %get3A_172, %mul3A_173 : vector<16xf32>
        %mul3A_175 = arith.constant 3 : i32
        %mul3A_176 = arith.muli %scan3A_151, %mul3A_175 : i32
        %add3A_177 = arith.constant 1 : i32
        %add3A_178 = arith.addi %mul3A_176, %add3A_177 : i32
        %get3A_179 = arith.constant 0 : i32
        %get3A_180 = arith.index_cast %get3A_179 : i32 to index
        %get3A_181 = arith.index_cast %add3A_178 : i32 to index
        %get3A_182 = arith.constant 0 : index
        %get3A_183 = tpu.vector_load %arg8[%get3A_180, %get3A_181, %get3A_182] {strides = array<i32>} : memref<2x96x256xf32, #tpu.memory_space<vmem>>, vector<1x1x16xf32>,
        %get3A_184 = vector.shape_cast %get3A_183 : vector<1x1x16xf32> to vector<16xf32>
        %mul3A_185 = vector.broadcast %squeeze3A_160 : f32 to vector<16xf32>
        %mul3A_186 = arith.mulf %get3A_184, %mul3A_185 : vector<16xf32>
        %add3A_187 = arith.addf %mul3A_174, %mul3A_186 : vector<16xf32>
        %mul3A_188 = arith.constant 3 : i32
        %mul3A_189 = arith.muli %scan3A_151, %mul3A_188 : i32
        %add3A_190 = arith.constant 2 : i32
        %add3A_191 = arith.addi %mul3A_189, %add3A_190 : i32
        %get3A_192 = arith.constant 0 : i32
        %get3A_193 = arith.index_cast %get3A_192 : i32 to index
        %get3A_194 = arith.index_cast %add3A_191 : i32 to index
        %get3A_195 = arith.constant 0 : index
        %get3A_196 = tpu.vector_load %arg8[%get3A_193, %get3A_194, %get3A_195] {strides = array<i32>} : memref<2x96x256xf32, #tpu.memory_space<vmem>>, vector<1x1x16xf32>,
        %get3A_197 = vector.shape_cast %get3A_196 : vector<1x1x16xf32> to vector<16xf32>
        %mul3A_198 = vector.broadcast %squeeze3A_162 : f32 to vector<16xf32>
        %mul3A_199 = arith.mulf %get3A_197, %mul3A_198 : vector<16xf32>
        %add3A_200 = arith.addf %add3A_187, %mul3A_199 : vector<16xf32>
        %swap3A = arith.constant 0 : i32
        %swap3A_201 = arith.index_cast %swap3A : i32 to index
        %swap3A_202 = arith.index_cast %scan3A_151 : i32 to index
        %swap3A_203 = arith.constant 0 : index
        %swap3A_204 = tpu.vector_load %arg9[%swap3A_201, %swap3A_202, %swap3A_203] {strides = array<i32>} : memref<2x32x256xf32, #tpu.memory_space<vmem>>, vector<1x1x16xf32>,
        %swap3A_205 = vector.shape_cast %swap3A_204 : vector<1x1x16xf32> to vector<16xf32>
        %swap3A_206 = vector.shape_cast %add3A_200 : vector<16xf32> to vector<1x1x16xf32>
        tpu.vector_store %arg9[%swap3A_201, %swap3A_202, %swap3A_203], %swap3A_206 {strides = array<i32>} : memref<2x32x256xf32, #tpu.memory_space<vmem>>, vector<1x1x16xf32>,
        %mul3A_207 = arith.constant 3 : i32
        %mul3A_208 = arith.muli %scan3A_151, %mul3A_207 : i32
        %add3A_209 = arith.constant 0 : i32
        %add3A_210 = arith.addi %mul3A_208, %add3A_209 : i32
        %get3A_211 = arith.constant 0 : i32
        %get3A_212 = arith.index_cast %get3A_211 : i32 to index
        %get3A_213 = arith.index_cast %add3A_210 : i32 to index
        %get3A_214 = arith.constant 16 : index
        %get3A_215 = tpu.vector_load %arg8[%get3A_212, %get3A_213, %get3A_214] {strides = array<i32>} : memref<2x96x256xf32, #tpu.memory_space<vmem>>, vector<1x1x16xf32>,
        %get3A_216 = vector.shape_cast %get3A_215 : vector<1x1x16xf32> to vector<16xf32>
        %mul3A_217 = vector.broadcast %squeeze3A : f32 to vector<16xf32>
        %mul3A_218 = arith.mulf %get3A_216, %mul3A_217 : vector<16xf32>
        %mul3A_219 = arith.constant 3 : i32
        %mul3A_220 = arith.muli %scan3A_151, %mul3A_219 : i32
        %add3A_221 = arith.constant 1 : i32
        %add3A_222 = arith.addi %mul3A_220, %add3A_221 : i32
        %get3A_223 = arith.constant 0 : i32
        %get3A_224 = arith.index_cast %get3A_223 : i32 to index
        %get3A_225 = arith.index_cast %add3A_222 : i32 to index
        %get3A_226 = arith.constant 16 : index
        %get3A_227 = tpu.vector_load %arg8[%get3A_224, %get3A_225, %get3A_226] {strides = array<i32>} : memref<2x96x256xf32, #tpu.memory_space<vmem>>, vector<1x1x16xf32>,
        %get3A_228 = vector.shape_cast %get3A_227 : vector<1x1x16xf32> to vector<16xf32>
        %mul3A_229 = vector.broadcast %squeeze3A_160 : f32 to vector<16xf32>
        %mul3A_230 = arith.mulf %get3A_228, %mul3A_229 : vector<16xf32>
        %add3A_231 = arith.addf %mul3A_218, %mul3A_230 : vector<16xf32>
        %mul3A_232 = arith.constant 3 : i32
        %mul3A_233 = arith.muli %scan3A_151, %mul3A_232 : i32
        %add3A_234 = arith.constant 2 : i32
        %add3A_235 = arith.addi %mul3A_233, %add3A_234 : i32
        %get3A_236 = arith.constant 0 : i32
        %get3A_237 = arith.index_cast %get3A_236 : i32 to index
        %get3A_238 = arith.index_cast %add3A_235 : i32 to index
        %get3A_239 = arith.constant 16 : index
        %get3A_240 = tpu.vector_load %arg8[%get3A_237, %get3A_238, %get3A_239] {strides = array<i32>} : memref<2x96x256xf32, #tpu.memory_space<vmem>>, vector<1x1x16xf32>,
        %get3A_241 = vector.shape_cast %get3A_240 : vector<1x1x16xf32> to vector<16xf32>
        %mul3A_242 = vector.broadcast %squeeze3A_162 : f32 to vector<16xf32>
        %mul3A_243 = arith.mulf %get3A_241, %mul3A_242 : vector<16xf32>
        %add3A_244 = arith.addf %add3A_231, %mul3A_243 : vector<16xf32>
        %swap3A_245 = arith.constant 0 : i32
        %swap3A_246 = arith.index_cast %swap3A_245 : i32 to index
        %swap3A_247 = arith.index_cast %scan3A_151 : i32 to index
        %swap3A_248 = arith.constant 16 : index
        %swap3A_249 = tpu.vector_load %arg9[%swap3A_246, %swap3A_247, %swap3A_248] {strides = array<i32>} : memref<2x32x256xf32, #tpu.memory_space<vmem>>, vector<1x1x16xf32>,
        %swap3A_250 = vector.shape_cast %swap3A_249 : vector<1x1x16xf32> to vector<16xf32>
        %swap3A_251 = vector.shape_cast %add3A_244 : vector<16xf32> to vector<1x1x16xf32>
        tpu.vector_store %arg9[%swap3A_246, %swap3A_247, %swap3A_248], %swap3A_251 {strides = array<i32>} : memref<2x32x256xf32, #tpu.memory_space<vmem>>, vector<1x1x16xf32>,
        %mul3A_252 = arith.constant 3 : i32
        %mul3A_253 = arith.muli %scan3A_151, %mul3A_252 : i32
        %add3A_254 = arith.constant 0 : i32
        %add3A_255 = arith.addi %mul3A_253, %add3A_254 : i32
        %get3A_256 = arith.constant 0 : i32
        %get3A_257 = arith.index_cast %get3A_256 : i32 to index
        %get3A_258 = arith.index_cast %add3A_255 : i32 to index
        %get3A_259 = arith.constant 32 : index
        %get3A_260 = tpu.vector_load %arg8[%get3A_257, %get3A_258, %get3A_259] {strides = array<i32>} : memref<2x96x256xf32, #tpu.memory_space<vmem>>, vector<1x1x16xf32>,
        %get3A_261 = vector.shape_cast %get3A_260 : vector<1x1x16xf32> to vector<16xf32>
        %mul3A_262 = vector.broadcast %squeeze3A : f32 to vector<16xf32>
        %mul3A_263 = arith.mulf %get3A_261, %mul3A_262 : vector<16xf32>
        %mul3A_264 = arith.constant 3 : i32
        %mul3A_265 = arith.muli %scan3A_151, %mul3A_264 : i32
        %add3A_266 = arith.constant 1 : i32
        %add3A_267 = arith.addi %mul3A_265, %add3A_266 : i32
        %get3A_268 = arith.constant 0 : i32
        %get3A_269 = arith.index_cast %get3A_268 : i32 to index
        %get3A_270 = arith.index_cast %add3A_267 : i32 to index
        %get3A_271 = arith.constant 32 : index
        %get3A_272 = tpu.vector_load %arg8[%get3A_269, %get3A_270, %get3A_271] {strides = array<i32>} : memref<2x96x256xf32, #tpu.memory_space<vmem>>, vector<1x1x16xf32>,
        %get3A_273 = vector.shape_cast %get3A_272 : vector<1x1x16xf32> to vector<16xf32>
        %mul3A_274 = vector.broadcast %squeeze3A_160 : f32 to vector<16xf32>
        %mul3A_275 = arith.mulf %get3A_273, %mul3A_274 : vector<16xf32>
        %add3A_276 = arith.addf %mul3A_263, %mul3A_275 : vector<16xf32>
        %mul3A_277 = arith.constant 3 : i32
        %mul3A_278 = arith.muli %scan3A_151, %mul3A_277 : i32
        %add3A_279 = arith.constant 2 : i32
        %add3A_280 = arith.addi %mul3A_278, %add3A_279 : i32
        %get3A_281 = arith.constant 0 : i32
        %get3A_282 = arith.index_cast %get3A_281 : i32 to index
        %get3A_283 = arith.index_cast %add3A_280 : i32 to index
        %get3A_284 = arith.constant 32 : index
        %get3A_285 = tpu.vector_load %arg8[%get3A_282, %get3A_283, %get3A_284] {strides = array<i32>} : memref<2x96x256xf32, #tpu.memory_space<vmem>>, vector<1x1x16xf32>,
        %get3A_286 = vector.shape_cast %get3A_285 : vector<1x1x16xf32> to vector<16xf32>
        %mul3A_287 = vector.broadcast %squeeze3A_162 : f32 to vector<16xf32>
        %mul3A_288 = arith.mulf %get3A_286, %mul3A_287 : vector<16xf32>
        %add3A_289 = arith.addf %add3A_276, %mul3A_288 : vector<16xf32>
        %swap3A_290 = arith.constant 0 : i32
        %swap3A_291 = arith.index_cast %swap3A_290 : i32 to index
        %swap3A_292 = arith.index_cast %scan3A_151 : i32 to index
        %swap3A_293 = arith.constant 32 : index
        %swap3A_294 = tpu.vector_load %arg9[%swap3A_291, %swap3A_292, %swap3A_293] {strides = array<i32>} : memref<2x32x256xf32, #tpu.memory_space<vmem>>, vector<1x1x16xf32>,
        %swap3A_295 = vector.shape_cast %swap3A_294 : vector<1x1x16xf32> to vector<16xf32>
        %swap3A_296 = vector.shape_cast %add3A_289 : vector<16xf32> to vector<1x1x16xf32>
        tpu.vector_store %arg9[%swap3A_291, %swap3A_292, %swap3A_293], %swap3A_296 {strides = array<i32>} : memref<2x32x256xf32, #tpu.memory_space<vmem>>, vector<1x1x16xf32>,
        %mul3A_297 = arith.constant 3 : i32
        %mul3A_298 = arith.muli %scan3A_151, %mul3A_297 : i32
        %add3A_299 = arith.constant 0 : i32
        %add3A_300 = arith.addi %mul3A_298, %add3A_299 : i32
        %get3A_301 = arith.constant 0 : i32
        %get3A_302 = arith.index_cast %get3A_301 : i32 to index
        %get3A_303 = arith.index_cast %add3A_300 : i32 to index
        %get3A_304 = arith.constant 48 : index
        %get3A_305 = tpu.vector_load %arg8[%get3A_302, %get3A_303, %get3A_304] {strides = array<i32>} : memref<2x96x256xf32, #tpu.memory_space<vmem>>, vector<1x1x16xf32>,
        %get3A_306 = vector.shape_cast %get3A_305 : vector<1x1x16xf32> to vector<16xf32>
        %mul3A_307 = vector.broadcast %squeeze3A : f32 to vector<16xf32>
        %mul3A_308 = arith.mulf %get3A_306, %mul3A_307 : vector<16xf32>
        %mul3A_309 = arith.constant 3 : i32
        %mul3A_310 = arith.muli %scan3A_151, %mul3A_309 : i32
        %add3A_311 = arith.constant 1 : i32
        %add3A_312 = arith.addi %mul3A_310, %add3A_311 : i32
        %get3A_313 = arith.constant 0 : i32
        %get3A_314 = arith.index_cast %get3A_313 : i32 to index
        %get3A_315 = arith.index_cast %add3A_312 : i32 to index
        %get3A_316 = arith.constant 48 : index
        %get3A_317 = tpu.vector_load %arg8[%get3A_314, %get3A_315, %get3A_316] {strides = array<i32>} : memref<2x96x256xf32, #tpu.memory_space<vmem>>, vector<1x1x16xf32>,
        %get3A_318 = vector.shape_cast %get3A_317 : vector<1x1x16xf32> to vector<16xf32>
        %mul3A_319 = vector.broadcast %squeeze3A_160 : f32 to vector<16xf32>
        %mul3A_320 = arith.mulf %get3A_318, %mul3A_319 : vector<16xf32>
        %add3A_321 = arith.addf %mul3A_308, %mul3A_320 : vector<16xf32>
        %mul3A_322 = arith.constant 3 : i32
        %mul3A_323 = arith.muli %scan3A_151, %mul3A_322 : i32
        %add3A_324 = arith.constant 2 : i32
        %add3A_325 = arith.addi %mul3A_323, %add3A_324 : i32
        %get3A_326 = arith.constant 0 : i32
        %get3A_327 = arith.index_cast %get3A_326 : i32 to index
        %get3A_328 = arith.index_cast %add3A_325 : i32 to index
        %get3A_329 = arith.constant 48 : index
        %get3A_330 = tpu.vector_load %arg8[%get3A_327, %get3A_328, %get3A_329] {strides = array<i32>} : memref<2x96x256xf32, #tpu.memory_space<vmem>>, vector<1x1x16xf32>,
        %get3A_331 = vector.shape_cast %get3A_330 : vector<1x1x16xf32> to vector<16xf32>
        %mul3A_332 = vector.broadcast %squeeze3A_162 : f32 to vector<16xf32>
        %mul3A_333 = arith.mulf %get3A_331, %mul3A_332 : vector<16xf32>
        %add3A_334 = arith.addf %add3A_321, %mul3A_333 : vector<16xf32>
        %swap3A_335 = arith.constant 0 : i32
        %swap3A_336 = arith.index_cast %swap3A_335 : i32 to index
        %swap3A_337 = arith.index_cast %scan3A_151 : i32 to index
        %swap3A_338 = arith.constant 48 : index
        %swap3A_339 = tpu.vector_load %arg9[%swap3A_336, %swap3A_337, %swap3A_338] {strides = array<i32>} : memref<2x32x256xf32, #tpu.memory_space<vmem>>, vector<1x1x16xf32>,
        %swap3A_340 = vector.shape_cast %swap3A_339 : vector<1x1x16xf32> to vector<16xf32>
        %swap3A_341 = vector.shape_cast %add3A_334 : vector<16xf32> to vector<1x1x16xf32>
        tpu.vector_store %arg9[%swap3A_336, %swap3A_337, %swap3A_338], %swap3A_341 {strides = array<i32>} : memref<2x32x256xf32, #tpu.memory_space<vmem>>, vector<1x1x16xf32>,
        %mul3A_342 = arith.constant 3 : i32
        %mul3A_343 = arith.muli %scan3A_151, %mul3A_342 : i32
        %add3A_344 = arith.constant 0 : i32
        %add3A_345 = arith.addi %mul3A_343, %add3A_344 : i32
        %get3A_346 = arith.constant 0 : i32
        %get3A_347 = arith.index_cast %get3A_346 : i32 to index
        %get3A_348 = arith.index_cast %add3A_345 : i32 to index
        %get3A_349 = arith.constant 64 : index
        %get3A_350 = tpu.vector_load %arg8[%get3A_347, %get3A_348, %get3A_349] {strides = array<i32>} : memref<2x96x256xf32, #tpu.memory_space<vmem>>, vector<1x1x16xf32>,
        %get3A_351 = vector.shape_cast %get3A_350 : vector<1x1x16xf32> to vector<16xf32>
        %mul3A_352 = vector.broadcast %squeeze3A : f32 to vector<16xf32>
        %mul3A_353 = arith.mulf %get3A_351, %mul3A_352 : vector<16xf32>
        %mul3A_354 = arith.constant 3 : i32
        %mul3A_355 = arith.muli %scan3A_151, %mul3A_354 : i32
        %add3A_356 = arith.constant 1 : i32
        %add3A_357 = arith.addi %mul3A_355, %add3A_356 : i32
        %get3A_358 = arith.constant 0 : i32
        %get3A_359 = arith.index_cast %get3A_358 : i32 to index
        %get3A_360 = arith.index_cast %add3A_357 : i32 to index
        %get3A_361 = arith.constant 64 : index
        %get3A_362 = tpu.vector_load %arg8[%get3A_359, %get3A_360, %get3A_361] {strides = array<i32>} : memref<2x96x256xf32, #tpu.memory_space<vmem>>, vector<1x1x16xf32>,
        %get3A_363 = vector.shape_cast %get3A_362 : vector<1x1x16xf32> to vector<16xf32>
        %mul3A_364 = vector.broadcast %squeeze3A_160 : f32 to vector<16xf32>
        %mul3A_365 = arith.mulf %get3A_363, %mul3A_364 : vector<16xf32>
        %add3A_366 = arith.addf %mul3A_353, %mul3A_365 : vector<16xf32>
        %mul3A_367 = arith.constant 3 : i32
        %mul3A_368 = arith.muli %scan3A_151, %mul3A_367 : i32
        %add3A_369 = arith.constant 2 : i32
        %add3A_370 = arith.addi %mul3A_368, %add3A_369 : i32
        %get3A_371 = arith.constant 0 : i32
        %get3A_372 = arith.index_cast %get3A_371 : i32 to index
        %get3A_373 = arith.index_cast %add3A_370 : i32 to index
        %get3A_374 = arith.constant 64 : index
        %get3A_375 = tpu.vector_load %arg8[%get3A_372, %get3A_373, %get3A_374] {strides = array<i32>} : memref<2x96x256xf32, #tpu.memory_space<vmem>>, vector<1x1x16xf32>,
        %get3A_376 = vector.shape_cast %get3A_375 : vector<1x1x16xf32> to vector<16xf32>
        %mul3A_377 = vector.broadcast %squeeze3A_162 : f32 to vector<16xf32>
        %mul3A_378 = arith.mulf %get3A_376, %mul3A_377 : vector<16xf32>
        %add3A_379 = arith.addf %add3A_366, %mul3A_378 : vector<16xf32>
        %swap3A_380 = arith.constant 0 : i32
        %swap3A_381 = arith.index_cast %swap3A_380 : i32 to index
        %swap3A_382 = arith.index_cast %scan3A_151 : i32 to index
        %swap3A_383 = arith.constant 64 : index
        %swap3A_384 = tpu.vector_load %arg9[%swap3A_381, %swap3A_382, %swap3A_383] {strides = array<i32>} : memref<2x32x256xf32, #tpu.memory_space<vmem>>, vector<1x1x16xf32>,
        %swap3A_385 = vector.shape_cast %swap3A_384 : vector<1x1x16xf32> to vector<16xf32>
        %swap3A_386 = vector.shape_cast %add3A_379 : vector<16xf32> to vector<1x1x16xf32>
        tpu.vector_store %arg9[%swap3A_381, %swap3A_382, %swap3A_383], %swap3A_386 {strides = array<i32>} : memref<2x32x256xf32, #tpu.memory_space<vmem>>, vector<1x1x16xf32>,
        %mul3A_387 = arith.constant 3 : i32
        %mul3A_388 = arith.muli %scan3A_151, %mul3A_387 : i32
        %add3A_389 = arith.constant 0 : i32
        %add3A_390 = arith.addi %mul3A_388, %add3A_389 : i32
        %get3A_391 = arith.constant 0 : i32
        %get3A_392 = arith.index_cast %get3A_391 : i32 to index
        %get3A_393 = arith.index_cast %add3A_390 : i32 to index
        %get3A_394 = arith.constant 80 : index
        %get3A_395 = tpu.vector_load %arg8[%get3A_392, %get3A_393, %get3A_394] {strides = array<i32>} : memref<2x96x256xf32, #tpu.memory_space<vmem>>, vector<1x1x16xf32>,
        %get3A_396 = vector.shape_cast %get3A_395 : vector<1x1x16xf32> to vector<16xf32>
        %mul3A_397 = vector.broadcast %squeeze3A : f32 to vector<16xf32>
        %mul3A_398 = arith.mulf %get3A_396, %mul3A_397 : vector<16xf32>
        %mul3A_399 = arith.constant 3 : i32
        %mul3A_400 = arith.muli %scan3A_151, %mul3A_399 : i32
        %add3A_401 = arith.constant 1 : i32
        %add3A_402 = arith.addi %mul3A_400, %add3A_401 : i32
        %get3A_403 = arith.constant 0 : i32
        %get3A_404 = arith.index_cast %get3A_403 : i32 to index
        %get3A_405 = arith.index_cast %add3A_402 : i32 to index
        %get3A_406 = arith.constant 80 : index
        %get3A_407 = tpu.vector_load %arg8[%get3A_404, %get3A_405, %get3A_406] {strides = array<i32>} : memref<2x96x256xf32, #tpu.memory_space<vmem>>, vector<1x1x16xf32>,
        %get3A_408 = vector.shape_cast %get3A_407 : vector<1x1x16xf32> to vector<16xf32>
        %mul3A_409 = vector.broadcast %squeeze3A_160 : f32 to vector<16xf32>
        %mul3A_410 = arith.mulf %get3A_408, %mul3A_409 : vector<16xf32>
        %add3A_411 = arith.addf %mul3A_398, %mul3A_410 : vector<16xf32>
        %mul3A_412 = arith.constant 3 : i32
        %mul3A_413 = arith.muli %scan3A_151, %mul3A_412 : i32
        %add3A_414 = arith.constant 2 : i32
        %add3A_415 = arith.addi %mul3A_413, %add3A_414 : i32
        %get3A_416 = arith.constant 0 : i32
        %get3A_417 = arith.index_cast %get3A_416 : i32 to index
        %get3A_418 = arith.index_cast %add3A_415 : i32 to index
        %get3A_419 = arith.constant 80 : index
        %get3A_420 = tpu.vector_load %arg8[%get3A_417, %get3A_418, %get3A_419] {strides = array<i32>} : memref<2x96x256xf32, #tpu.memory_space<vmem>>, vector<1x1x16xf32>,
        %get3A_421 = vector.shape_cast %get3A_420 : vector<1x1x16xf32> to vector<16xf32>
        %mul3A_422 = vector.broadcast %squeeze3A_162 : f32 to vector<16xf32>
        %mul3A_423 = arith.mulf %get3A_421, %mul3A_422 : vector<16xf32>
        %add3A_424 = arith.addf %add3A_411, %mul3A_423 : vector<16xf32>
        %swap3A_425 = arith.constant 0 : i32
        %swap3A_426 = arith.index_cast %swap3A_425 : i32 to index
        %swap3A_427 = arith.index_cast %scan3A_151 : i32 to index
        %swap3A_428 = arith.constant 80 : index
        %swap3A_429 = tpu.vector_load %arg9[%swap3A_426, %swap3A_427, %swap3A_428] {strides = array<i32>} : memref<2x32x256xf32, #tpu.memory_space<vmem>>, vector<1x1x16xf32>,
        %swap3A_430 = vector.shape_cast %swap3A_429 : vector<1x1x16xf32> to vector<16xf32>
        %swap3A_431 = vector.shape_cast %add3A_424 : vector<16xf32> to vector<1x1x16xf32>
        tpu.vector_store %arg9[%swap3A_426, %swap3A_427, %swap3A_428], %swap3A_431 {strides = array<i32>} : memref<2x32x256xf32, #tpu.memory_space<vmem>>, vector<1x1x16xf32>,
        %mul3A_432 = arith.constant 3 : i32
        %mul3A_433 = arith.muli %scan3A_151, %mul3A_432 : i32
        %add3A_434 = arith.constant 0 : i32
        %add3A_435 = arith.addi %mul3A_433, %add3A_434 : i32
        %get3A_436 = arith.constant 0 : i32
        %get3A_437 = arith.index_cast %get3A_436 : i32 to index
        %get3A_438 = arith.index_cast %add3A_435 : i32 to index
        %get3A_439 = arith.constant 96 : index
        %get3A_440 = tpu.vector_load %arg8[%get3A_437, %get3A_438, %get3A_439] {strides = array<i32>} : memref<2x96x256xf32, #tpu.memory_space<vmem>>, vector<1x1x16xf32>,
        %get3A_441 = vector.shape_cast %get3A_440 : vector<1x1x16xf32> to vector<16xf32>
        %mul3A_442 = vector.broadcast %squeeze3A : f32 to vector<16xf32>
        %mul3A_443 = arith.mulf %get3A_441, %mul3A_442 : vector<16xf32>
        %mul3A_444 = arith.constant 3 : i32
        %mul3A_445 = arith.muli %scan3A_151, %mul3A_444 : i32
        %add3A_446 = arith.constant 1 : i32
        %add3A_447 = arith.addi %mul3A_445, %add3A_446 : i32
        %get3A_448 = arith.constant 0 : i32
        %get3A_449 = arith.index_cast %get3A_448 : i32 to index
        %get3A_450 = arith.index_cast %add3A_447 : i32 to index
        %get3A_451 = arith.constant 96 : index
        %get3A_452 = tpu.vector_load %arg8[%get3A_449, %get3A_450, %get3A_451] {strides = array<i32>} : memref<2x96x256xf32, #tpu.memory_space<vmem>>, vector<1x1x16xf32>,
        %get3A_453 = vector.shape_cast %get3A_452 : vector<1x1x16xf32> to vector<16xf32>
        %mul3A_454 = vector.broadcast %squeeze3A_160 : f32 to vector<16xf32>
        %mul3A_455 = arith.mulf %get3A_453, %mul3A_454 : vector<16xf32>
        %add3A_456 = arith.addf %mul3A_443, %mul3A_455 : vector<16xf32>
        %mul3A_457 = arith.constant 3 : i32
        %mul3A_458 = arith.muli %scan3A_151, %mul3A_457 : i32
        %add3A_459 = arith.constant 2 : i32
        %add3A_460 = arith.addi %mul3A_458, %add3A_459 : i32
        %get3A_461 = arith.constant 0 : i32
        %get3A_462 = arith.index_cast %get3A_461 : i32 to index
        %get3A_463 = arith.index_cast %add3A_460 : i32 to index
        %get3A_464 = arith.constant 96 : index
        %get3A_465 = tpu.vector_load %arg8[%get3A_462, %get3A_463, %get3A_464] {strides = array<i32>} : memref<2x96x256xf32, #tpu.memory_space<vmem>>, vector<1x1x16xf32>,
        %get3A_466 = vector.shape_cast %get3A_465 : vector<1x1x16xf32> to vector<16xf32>
        %mul3A_467 = vector.broadcast %squeeze3A_162 : f32 to vector<16xf32>
        %mul3A_468 = arith.mulf %get3A_466, %mul3A_467 : vector<16xf32>
        %add3A_469 = arith.addf %add3A_456, %mul3A_468 : vector<16xf32>
        %swap3A_470 = arith.constant 0 : i32
        %swap3A_471 = arith.index_cast %swap3A_470 : i32 to index
        %swap3A_472 = arith.index_cast %scan3A_151 : i32 to index
        %swap3A_473 = arith.constant 96 : index
        %swap3A_474 = tpu.vector_load %arg9[%swap3A_471, %swap3A_472, %swap3A_473] {strides = array<i32>} : memref<2x32x256xf32, #tpu.memory_space<vmem>>, vector<1x1x16xf32>,
        %swap3A_475 = vector.shape_cast %swap3A_474 : vector<1x1x16xf32> to vector<16xf32>
        %swap3A_476 = vector.shape_cast %add3A_469 : vector<16xf32> to vector<1x1x16xf32>
        tpu.vector_store %arg9[%swap3A_471, %swap3A_472, %swap3A_473], %swap3A_476 {strides = array<i32>} : memref<2x32x256xf32, #tpu.memory_space<vmem>>, vector<1x1x16xf32>,
        %mul3A_477 = arith.constant 3 : i32
        %mul3A_478 = arith.muli %scan3A_151, %mul3A_477 : i32
        %add3A_479 = arith.constant 0 : i32
        %add3A_480 = arith.addi %mul3A_478, %add3A_479 : i32
        %get3A_481 = arith.constant 0 : i32
        %get3A_482 = arith.index_cast %get3A_481 : i32 to index
        %get3A_483 = arith.index_cast %add3A_480 : i32 to index
        %get3A_484 = arith.constant 112 : index
        %get3A_485 = tpu.vector_load %arg8[%get3A_482, %get3A_483, %get3A_484] {strides = array<i32>} : memref<2x96x256xf32, #tpu.memory_space<vmem>>, vector<1x1x16xf32>,
        %get3A_486 = vector.shape_cast %get3A_485 : vector<1x1x16xf32> to vector<16xf32>
        %mul3A_487 = vector.broadcast %squeeze3A : f32 to vector<16xf32>
        %mul3A_488 = arith.mulf %get3A_486, %mul3A_487 : vector<16xf32>
        %mul3A_489 = arith.constant 3 : i32
        %mul3A_490 = arith.muli %scan3A_151, %mul3A_489 : i32
        %add3A_491 = arith.constant 1 : i32
        %add3A_492 = arith.addi %mul3A_490, %add3A_491 : i32
        %get3A_493 = arith.constant 0 : i32
        %get3A_494 = arith.index_cast %get3A_493 : i32 to index
        %get3A_495 = arith.index_cast %add3A_492 : i32 to index
        %get3A_496 = arith.constant 112 : index
        %get3A_497 = tpu.vector_load %arg8[%get3A_494, %get3A_495, %get3A_496] {strides = array<i32>} : memref<2x96x256xf32, #tpu.memory_space<vmem>>, vector<1x1x16xf32>,
        %get3A_498 = vector.shape_cast %get3A_497 : vector<1x1x16xf32> to vector<16xf32>
        %mul3A_499 = vector.broadcast %squeeze3A_160 : f32 to vector<16xf32>
        %mul3A_500 = arith.mulf %get3A_498, %mul3A_499 : vector<16xf32>
        %add3A_501 = arith.addf %mul3A_488, %mul3A_500 : vector<16xf32>
        %mul3A_502 = arith.constant 3 : i32
        %mul3A_503 = arith.muli %scan3A_151, %mul3A_502 : i32
        %add3A_504 = arith.constant 2 : i32
        %add3A_505 = arith.addi %mul3A_503, %add3A_504 : i32
        %get3A_506 = arith.constant 0 : i32
        %get3A_507 = arith.index_cast %get3A_506 : i32 to index
        %get3A_508 = arith.index_cast %add3A_505 : i32 to index
        %get3A_509 = arith.constant 112 : index
        %get3A_510 = tpu.vector_load %arg8[%get3A_507, %get3A_508, %get3A_509] {strides = array<i32>} : memref<2x96x256xf32, #tpu.memory_space<vmem>>, vector<1x1x16xf32>,
        %get3A_511 = vector.shape_cast %get3A_510 : vector<1x1x16xf32> to vector<16xf32>
        %mul3A_512 = vector.broadcast %squeeze3A_162 : f32 to vector<16xf32>
        %mul3A_513 = arith.mulf %get3A_511, %mul3A_512 : vector<16xf32>
        %add3A_514 = arith.addf %add3A_501, %mul3A_513 : vector<16xf32>
        %swap3A_515 = arith.constant 0 : i32
        %swap3A_516 = arith.index_cast %swap3A_515 : i32 to index
        %swap3A_517 = arith.index_cast %scan3A_151 : i32 to index
        %swap3A_518 = arith.constant 112 : index
        %swap3A_519 = tpu.vector_load %arg9[%swap3A_516, %swap3A_517, %swap3A_518] {strides = array<i32>} : memref<2x32x256xf32, #tpu.memory_space<vmem>>, vector<1x1x16xf32>,
        %swap3A_520 = vector.shape_cast %swap3A_519 : vector<1x1x16xf32> to vector<16xf32>
        %swap3A_521 = vector.shape_cast %add3A_514 : vector<16xf32> to vector<1x1x16xf32>
        tpu.vector_store %arg9[%swap3A_516, %swap3A_517, %swap3A_518], %swap3A_521 {strides = array<i32>} : memref<2x32x256xf32, #tpu.memory_space<vmem>>, vector<1x1x16xf32>,
        %mul3A_522 = arith.constant 3 : i32
        %mul3A_523 = arith.muli %scan3A_151, %mul3A_522 : i32
        %add3A_524 = arith.constant 0 : i32
        %add3A_525 = arith.addi %mul3A_523, %add3A_524 : i32
        %get3A_526 = arith.constant 0 : i32
        %get3A_527 = arith.index_cast %get3A_526 : i32 to index
        %get3A_528 = arith.index_cast %add3A_525 : i32 to index
        %get3A_529 = arith.constant 128 : index
        %get3A_530 = tpu.vector_load %arg8[%get3A_527, %get3A_528, %get3A_529] {strides = array<i32>} : memref<2x96x256xf32, #tpu.memory_space<vmem>>, vector<1x1x16xf32>,
        %get3A_531 = vector.shape_cast %get3A_530 : vector<1x1x16xf32> to vector<16xf32>
        %mul3A_532 = vector.broadcast %squeeze3A : f32 to vector<16xf32>
        %mul3A_533 = arith.mulf %get3A_531, %mul3A_532 : vector<16xf32>
        %mul3A_534 = arith.constant 3 : i32
        %mul3A_535 = arith.muli %scan3A_151, %mul3A_534 : i32
        %add3A_536 = arith.constant 1 : i32
        %add3A_537 = arith.addi %mul3A_535, %add3A_536 : i32
        %get3A_538 = arith.constant 0 : i32
        %get3A_539 = arith.index_cast %get3A_538 : i32 to index
        %get3A_540 = arith.index_cast %add3A_537 : i32 to index
        %get3A_541 = arith.constant 128 : index
        %get3A_542 = tpu.vector_load %arg8[%get3A_539, %get3A_540, %get3A_541] {strides = array<i32>} : memref<2x96x256xf32, #tpu.memory_space<vmem>>, vector<1x1x16xf32>,
        %get3A_543 = vector.shape_cast %get3A_542 : vector<1x1x16xf32> to vector<16xf32>
        %mul3A_544 = vector.broadcast %squeeze3A_160 : f32 to vector<16xf32>
        %mul3A_545 = arith.mulf %get3A_543, %mul3A_544 : vector<16xf32>
        %add3A_546 = arith.addf %mul3A_533, %mul3A_545 : vector<16xf32>
        %mul3A_547 = arith.constant 3 : i32
        %mul3A_548 = arith.muli %scan3A_151, %mul3A_547 : i32
        %add3A_549 = arith.constant 2 : i32
        %add3A_550 = arith.addi %mul3A_548, %add3A_549 : i32
        %get3A_551 = arith.constant 0 : i32
        %get3A_552 = arith.index_cast %get3A_551 : i32 to index
        %get3A_553 = arith.index_cast %add3A_550 : i32 to index
        %get3A_554 = arith.constant 128 : index
        %get3A_555 = tpu.vector_load %arg8[%get3A_552, %get3A_553, %get3A_554] {strides = array<i32>} : memref<2x96x256xf32, #tpu.memory_space<vmem>>, vector<1x1x16xf32>,
        %get3A_556 = vector.shape_cast %get3A_555 : vector<1x1x16xf32> to vector<16xf32>
        %mul3A_557 = vector.broadcast %squeeze3A_162 : f32 to vector<16xf32>
        %mul3A_558 = arith.mulf %get3A_556, %mul3A_557 : vector<16xf32>
        %add3A_559 = arith.addf %add3A_546, %mul3A_558 : vector<16xf32>
        %swap3A_560 = arith.constant 0 : i32
        %swap3A_561 = arith.index_cast %swap3A_560 : i32 to index
        %swap3A_562 = arith.index_cast %scan3A_151 : i32 to index
        %swap3A_563 = arith.constant 128 : index
        %swap3A_564 = tpu.vector_load %arg9[%swap3A_561, %swap3A_562, %swap3A_563] {strides = array<i32>} : memref<2x32x256xf32, #tpu.memory_space<vmem>>, vector<1x1x16xf32>,
        %swap3A_565 = vector.shape_cast %swap3A_564 : vector<1x1x16xf32> to vector<16xf32>
        %swap3A_566 = vector.shape_cast %add3A_559 : vector<16xf32> to vector<1x1x16xf32>
        tpu.vector_store %arg9[%swap3A_561, %swap3A_562, %swap3A_563], %swap3A_566 {strides = array<i32>} : memref<2x32x256xf32, #tpu.memory_space<vmem>>, vector<1x1x16xf32>,
        %mul3A_567 = arith.constant 3 : i32
        %mul3A_568 = arith.muli %scan3A_151, %mul3A_567 : i32
        %add3A_569 = arith.constant 0 : i32
        %add3A_570 = arith.addi %mul3A_568, %add3A_569 : i32
        %get3A_571 = arith.constant 0 : i32
        %get3A_572 = arith.index_cast %get3A_571 : i32 to index
        %get3A_573 = arith.index_cast %add3A_570 : i32 to index
        %get3A_574 = arith.constant 144 : index
        %get3A_575 = tpu.vector_load %arg8[%get3A_572, %get3A_573, %get3A_574] {strides = array<i32>} : memref<2x96x256xf32, #tpu.memory_space<vmem>>, vector<1x1x16xf32>,
        %get3A_576 = vector.shape_cast %get3A_575 : vector<1x1x16xf32> to vector<16xf32>
        %mul3A_577 = vector.broadcast %squeeze3A : f32 to vector<16xf32>
        %mul3A_578 = arith.mulf %get3A_576, %mul3A_577 : vector<16xf32>
        %mul3A_579 = arith.constant 3 : i32
        %mul3A_580 = arith.muli %scan3A_151, %mul3A_579 : i32
        %add3A_581 = arith.constant 1 : i32
        %add3A_582 = arith.addi %mul3A_580, %add3A_581 : i32
        %get3A_583 = arith.constant 0 : i32
        %get3A_584 = arith.index_cast %get3A_583 : i32 to index
        %get3A_585 = arith.index_cast %add3A_582 : i32 to index
        %get3A_586 = arith.constant 144 : index
        %get3A_587 = tpu.vector_load %arg8[%get3A_584, %get3A_585, %get3A_586] {strides = array<i32>} : memref<2x96x256xf32, #tpu.memory_space<vmem>>, vector<1x1x16xf32>,
        %get3A_588 = vector.shape_cast %get3A_587 : vector<1x1x16xf32> to vector<16xf32>
        %mul3A_589 = vector.broadcast %squeeze3A_160 : f32 to vector<16xf32>
        %mul3A_590 = arith.mulf %get3A_588, %mul3A_589 : vector<16xf32>
        %add3A_591 = arith.addf %mul3A_578, %mul3A_590 : vector<16xf32>
        %mul3A_592 = arith.constant 3 : i32
        %mul3A_593 = arith.muli %scan3A_151, %mul3A_592 : i32
        %add3A_594 = arith.constant 2 : i32
        %add3A_595 = arith.addi %mul3A_593, %add3A_594 : i32
        %get3A_596 = arith.constant 0 : i32
        %get3A_597 = arith.index_cast %get3A_596 : i32 to index
        %get3A_598 = arith.index_cast %add3A_595 : i32 to index
        %get3A_599 = arith.constant 144 : index
        %get3A_600 = tpu.vector_load %arg8[%get3A_597, %get3A_598, %get3A_599] {strides = array<i32>} : memref<2x96x256xf32, #tpu.memory_space<vmem>>, vector<1x1x16xf32>,
        %get3A_601 = vector.shape_cast %get3A_600 : vector<1x1x16xf32> to vector<16xf32>
        %mul3A_602 = vector.broadcast %squeeze3A_162 : f32 to vector<16xf32>
        %mul3A_603 = arith.mulf %get3A_601, %mul3A_602 : vector<16xf32>
        %add3A_604 = arith.addf %add3A_591, %mul3A_603 : vector<16xf32>
        %swap3A_605 = arith.constant 0 : i32
        %swap3A_606 = arith.index_cast %swap3A_605 : i32 to index
        %swap3A_607 = arith.index_cast %scan3A_151 : i32 to index
        %swap3A_608 = arith.constant 144 : index
        %swap3A_609 = tpu.vector_load %arg9[%swap3A_606, %swap3A_607, %swap3A_608] {strides = array<i32>} : memref<2x32x256xf32, #tpu.memory_space<vmem>>, vector<1x1x16xf32>,
        %swap3A_610 = vector.shape_cast %swap3A_609 : vector<1x1x16xf32> to vector<16xf32>
        %swap3A_611 = vector.shape_cast %add3A_604 : vector<16xf32> to vector<1x1x16xf32>
        tpu.vector_store %arg9[%swap3A_606, %swap3A_607, %swap3A_608], %swap3A_611 {strides = array<i32>} : memref<2x32x256xf32, #tpu.memory_space<vmem>>, vector<1x1x16xf32>,
        %mul3A_612 = arith.constant 3 : i32
        %mul3A_613 = arith.muli %scan3A_151, %mul3A_612 : i32
        %add3A_614 = arith.constant 0 : i32
        %add3A_615 = arith.addi %mul3A_613, %add3A_614 : i32
        %get3A_616 = arith.constant 0 : i32
        %get3A_617 = arith.index_cast %get3A_616 : i32 to index
        %get3A_618 = arith.index_cast %add3A_615 : i32 to index
        %get3A_619 = arith.constant 160 : index
        %get3A_620 = tpu.vector_load %arg8[%get3A_617, %get3A_618, %get3A_619] {strides = array<i32>} : memref<2x96x256xf32, #tpu.memory_space<vmem>>, vector<1x1x16xf32>,
        %get3A_621 = vector.shape_cast %get3A_620 : vector<1x1x16xf32> to vector<16xf32>
        %mul3A_622 = vector.broadcast %squeeze3A : f32 to vector<16xf32>
        %mul3A_623 = arith.mulf %get3A_621, %mul3A_622 : vector<16xf32>
        %mul3A_624 = arith.constant 3 : i32
        %mul3A_625 = arith.muli %scan3A_151, %mul3A_624 : i32
        %add3A_626 = arith.constant 1 : i32
        %add3A_627 = arith.addi %mul3A_625, %add3A_626 : i32
        %get3A_628 = arith.constant 0 : i32
        %get3A_629 = arith.index_cast %get3A_628 : i32 to index
        %get3A_630 = arith.index_cast %add3A_627 : i32 to index
        %get3A_631 = arith.constant 160 : index
        %get3A_632 = tpu.vector_load %arg8[%get3A_629, %get3A_630, %get3A_631] {strides = array<i32>} : memref<2x96x256xf32, #tpu.memory_space<vmem>>, vector<1x1x16xf32>,
        %get3A_633 = vector.shape_cast %get3A_632 : vector<1x1x16xf32> to vector<16xf32>
        %mul3A_634 = vector.broadcast %squeeze3A_160 : f32 to vector<16xf32>
        %mul3A_635 = arith.mulf %get3A_633, %mul3A_634 : vector<16xf32>
        %add3A_636 = arith.addf %mul3A_623, %mul3A_635 : vector<16xf32>
        %mul3A_637 = arith.constant 3 : i32
        %mul3A_638 = arith.muli %scan3A_151, %mul3A_637 : i32
        %add3A_639 = arith.constant 2 : i32
        %add3A_640 = arith.addi %mul3A_638, %add3A_639 : i32
        %get3A_641 = arith.constant 0 : i32
        %get3A_642 = arith.index_cast %get3A_641 : i32 to index
        %get3A_643 = arith.index_cast %add3A_640 : i32 to index
        %get3A_644 = arith.constant 160 : index
        %get3A_645 = tpu.vector_load %arg8[%get3A_642, %get3A_643, %get3A_644] {strides = array<i32>} : memref<2x96x256xf32, #tpu.memory_space<vmem>>, vector<1x1x16xf32>,
        %get3A_646 = vector.shape_cast %get3A_645 : vector<1x1x16xf32> to vector<16xf32>
        %mul3A_647 = vector.broadcast %squeeze3A_162 : f32 to vector<16xf32>
        %mul3A_648 = arith.mulf %get3A_646, %mul3A_647 : vector<16xf32>
        %add3A_649 = arith.addf %add3A_636, %mul3A_648 : vector<16xf32>
        %swap3A_650 = arith.constant 0 : i32
        %swap3A_651 = arith.index_cast %swap3A_650 : i32 to index
        %swap3A_652 = arith.index_cast %scan3A_151 : i32 to index
        %swap3A_653 = arith.constant 160 : index
        %swap3A_654 = tpu.vector_load %arg9[%swap3A_651, %swap3A_652, %swap3A_653] {strides = array<i32>} : memref<2x32x256xf32, #tpu.memory_space<vmem>>, vector<1x1x16xf32>,
        %swap3A_655 = vector.shape_cast %swap3A_654 : vector<1x1x16xf32> to vector<16xf32>
        %swap3A_656 = vector.shape_cast %add3A_649 : vector<16xf32> to vector<1x1x16xf32>
        tpu.vector_store %arg9[%swap3A_651, %swap3A_652, %swap3A_653], %swap3A_656 {strides = array<i32>} : memref<2x32x256xf32, #tpu.memory_space<vmem>>, vector<1x1x16xf32>,
        %mul3A_657 = arith.constant 3 : i32
        %mul3A_658 = arith.muli %scan3A_151, %mul3A_657 : i32
        %add3A_659 = arith.constant 0 : i32
        %add3A_660 = arith.addi %mul3A_658, %add3A_659 : i32
        %get3A_661 = arith.constant 0 : i32
        %get3A_662 = arith.index_cast %get3A_661 : i32 to index
        %get3A_663 = arith.index_cast %add3A_660 : i32 to index
        %get3A_664 = arith.constant 176 : index
        %get3A_665 = tpu.vector_load %arg8[%get3A_662, %get3A_663, %get3A_664] {strides = array<i32>} : memref<2x96x256xf32, #tpu.memory_space<vmem>>, vector<1x1x16xf32>,
        %get3A_666 = vector.shape_cast %get3A_665 : vector<1x1x16xf32> to vector<16xf32>
        %mul3A_667 = vector.broadcast %squeeze3A : f32 to vector<16xf32>
        %mul3A_668 = arith.mulf %get3A_666, %mul3A_667 : vector<16xf32>
        %mul3A_669 = arith.constant 3 : i32
        %mul3A_670 = arith.muli %scan3A_151, %mul3A_669 : i32
        %add3A_671 = arith.constant 1 : i32
        %add3A_672 = arith.addi %mul3A_670, %add3A_671 : i32
        %get3A_673 = arith.constant 0 : i32
        %get3A_674 = arith.index_cast %get3A_673 : i32 to index
        %get3A_675 = arith.index_cast %add3A_672 : i32 to index
        %get3A_676 = arith.constant 176 : index
        %get3A_677 = tpu.vector_load %arg8[%get3A_674, %get3A_675, %get3A_676] {strides = array<i32>} : memref<2x96x256xf32, #tpu.memory_space<vmem>>, vector<1x1x16xf32>,
        %get3A_678 = vector.shape_cast %get3A_677 : vector<1x1x16xf32> to vector<16xf32>
        %mul3A_679 = vector.broadcast %squeeze3A_160 : f32 to vector<16xf32>
        %mul3A_680 = arith.mulf %get3A_678, %mul3A_679 : vector<16xf32>
        %add3A_681 = arith.addf %mul3A_668, %mul3A_680 : vector<16xf32>
        %mul3A_682 = arith.constant 3 : i32
        %mul3A_683 = arith.muli %scan3A_151, %mul3A_682 : i32
        %add3A_684 = arith.constant 2 : i32
        %add3A_685 = arith.addi %mul3A_683, %add3A_684 : i32
        %get3A_686 = arith.constant 0 : i32
        %get3A_687 = arith.index_cast %get3A_686 : i32 to index
        %get3A_688 = arith.index_cast %add3A_685 : i32 to index
        %get3A_689 = arith.constant 176 : index
        %get3A_690 = tpu.vector_load %arg8[%get3A_687, %get3A_688, %get3A_689] {strides = array<i32>} : memref<2x96x256xf32, #tpu.memory_space<vmem>>, vector<1x1x16xf32>,
        %get3A_691 = vector.shape_cast %get3A_690 : vector<1x1x16xf32> to vector<16xf32>
        %mul3A_692 = vector.broadcast %squeeze3A_162 : f32 to vector<16xf32>
        %mul3A_693 = arith.mulf %get3A_691, %mul3A_692 : vector<16xf32>
        %add3A_694 = arith.addf %add3A_681, %mul3A_693 : vector<16xf32>
        %swap3A_695 = arith.constant 0 : i32
        %swap3A_696 = arith.index_cast %swap3A_695 : i32 to index
        %swap3A_697 = arith.index_cast %scan3A_151 : i32 to index
        %swap3A_698 = arith.constant 176 : index
        %swap3A_699 = tpu.vector_load %arg9[%swap3A_696, %swap3A_697, %swap3A_698] {strides = array<i32>} : memref<2x32x256xf32, #tpu.memory_space<vmem>>, vector<1x1x16xf32>,
        %swap3A_700 = vector.shape_cast %swap3A_699 : vector<1x1x16xf32> to vector<16xf32>
        %swap3A_701 = vector.shape_cast %add3A_694 : vector<16xf32> to vector<1x1x16xf32>
        tpu.vector_store %arg9[%swap3A_696, %swap3A_697, %swap3A_698], %swap3A_701 {strides = array<i32>} : memref<2x32x256xf32, #tpu.memory_space<vmem>>, vector<1x1x16xf32>,
        %mul3A_702 = arith.constant 3 : i32
        %mul3A_703 = arith.muli %scan3A_151, %mul3A_702 : i32
        %add3A_704 = arith.constant 0 : i32
        %add3A_705 = arith.addi %mul3A_703, %add3A_704 : i32
        %get3A_706 = arith.constant 0 : i32
        %get3A_707 = arith.index_cast %get3A_706 : i32 to index
        %get3A_708 = arith.index_cast %add3A_705 : i32 to index
        %get3A_709 = arith.constant 192 : index
        %get3A_710 = tpu.vector_load %arg8[%get3A_707, %get3A_708, %get3A_709] {strides = array<i32>} : memref<2x96x256xf32, #tpu.memory_space<vmem>>, vector<1x1x16xf32>,
        %get3A_711 = vector.shape_cast %get3A_710 : vector<1x1x16xf32> to vector<16xf32>
        %mul3A_712 = vector.broadcast %squeeze3A : f32 to vector<16xf32>
        %mul3A_713 = arith.mulf %get3A_711, %mul3A_712 : vector<16xf32>
        %mul3A_714 = arith.constant 3 : i32
        %mul3A_715 = arith.muli %scan3A_151, %mul3A_714 : i32
        %add3A_716 = arith.constant 1 : i32
        %add3A_717 = arith.addi %mul3A_715, %add3A_716 : i32
        %get3A_718 = arith.constant 0 : i32
        %get3A_719 = arith.index_cast %get3A_718 : i32 to index
        %get3A_720 = arith.index_cast %add3A_717 : i32 to index
        %get3A_721 = arith.constant 192 : index
        %get3A_722 = tpu.vector_load %arg8[%get3A_719, %get3A_720, %get3A_721] {strides = array<i32>} : memref<2x96x256xf32, #tpu.memory_space<vmem>>, vector<1x1x16xf32>,
        %get3A_723 = vector.shape_cast %get3A_722 : vector<1x1x16xf32> to vector<16xf32>
        %mul3A_724 = vector.broadcast %squeeze3A_160 : f32 to vector<16xf32>
        %mul3A_725 = arith.mulf %get3A_723, %mul3A_724 : vector<16xf32>
        %add3A_726 = arith.addf %mul3A_713, %mul3A_725 : vector<16xf32>
        %mul3A_727 = arith.constant 3 : i32
        %mul3A_728 = arith.muli %scan3A_151, %mul3A_727 : i32
        %add3A_729 = arith.constant 2 : i32
        %add3A_730 = arith.addi %mul3A_728, %add3A_729 : i32
        %get3A_731 = arith.constant 0 : i32
        %get3A_732 = arith.index_cast %get3A_731 : i32 to index
        %get3A_733 = arith.index_cast %add3A_730 : i32 to index
        %get3A_734 = arith.constant 192 : index
        %get3A_735 = tpu.vector_load %arg8[%get3A_732, %get3A_733, %get3A_734] {strides = array<i32>} : memref<2x96x256xf32, #tpu.memory_space<vmem>>, vector<1x1x16xf32>,
        %get3A_736 = vector.shape_cast %get3A_735 : vector<1x1x16xf32> to vector<16xf32>
        %mul3A_737 = vector.broadcast %squeeze3A_162 : f32 to vector<16xf32>
        %mul3A_738 = arith.mulf %get3A_736, %mul3A_737 : vector<16xf32>
        %add3A_739 = arith.addf %add3A_726, %mul3A_738 : vector<16xf32>
        %swap3A_740 = arith.constant 0 : i32
        %swap3A_741 = arith.index_cast %swap3A_740 : i32 to index
        %swap3A_742 = arith.index_cast %scan3A_151 : i32 to index
        %swap3A_743 = arith.constant 192 : index
        %swap3A_744 = tpu.vector_load %arg9[%swap3A_741, %swap3A_742, %swap3A_743] {strides = array<i32>} : memref<2x32x256xf32, #tpu.memory_space<vmem>>, vector<1x1x16xf32>,
        %swap3A_745 = vector.shape_cast %swap3A_744 : vector<1x1x16xf32> to vector<16xf32>
        %swap3A_746 = vector.shape_cast %add3A_739 : vector<16xf32> to vector<1x1x16xf32>
        tpu.vector_store %arg9[%swap3A_741, %swap3A_742, %swap3A_743], %swap3A_746 {strides = array<i32>} : memref<2x32x256xf32, #tpu.memory_space<vmem>>, vector<1x1x16xf32>,
        %mul3A_747 = arith.constant 3 : i32
        %mul3A_748 = arith.muli %scan3A_151, %mul3A_747 : i32
        %add3A_749 = arith.constant 0 : i32
        %add3A_750 = arith.addi %mul3A_748, %add3A_749 : i32
        %get3A_751 = arith.constant 0 : i32
        %get3A_752 = arith.index_cast %get3A_751 : i32 to index
        %get3A_753 = arith.index_cast %add3A_750 : i32 to index
        %get3A_754 = arith.constant 208 : index
        %get3A_755 = tpu.vector_load %arg8[%get3A_752, %get3A_753, %get3A_754] {strides = array<i32>} : memref<2x96x256xf32, #tpu.memory_space<vmem>>, vector<1x1x16xf32>,
        %get3A_756 = vector.shape_cast %get3A_755 : vector<1x1x16xf32> to vector<16xf32>
        %mul3A_757 = vector.broadcast %squeeze3A : f32 to vector<16xf32>
        %mul3A_758 = arith.mulf %get3A_756, %mul3A_757 : vector<16xf32>
        %mul3A_759 = arith.constant 3 : i32
        %mul3A_760 = arith.muli %scan3A_151, %mul3A_759 : i32
        %add3A_761 = arith.constant 1 : i32
        %add3A_762 = arith.addi %mul3A_760, %add3A_761 : i32
        %get3A_763 = arith.constant 0 : i32
        %get3A_764 = arith.index_cast %get3A_763 : i32 to index
        %get3A_765 = arith.index_cast %add3A_762 : i32 to index
        %get3A_766 = arith.constant 208 : index
        %get3A_767 = tpu.vector_load %arg8[%get3A_764, %get3A_765, %get3A_766] {strides = array<i32>} : memref<2x96x256xf32, #tpu.memory_space<vmem>>, vector<1x1x16xf32>,
        %get3A_768 = vector.shape_cast %get3A_767 : vector<1x1x16xf32> to vector<16xf32>
        %mul3A_769 = vector.broadcast %squeeze3A_160 : f32 to vector<16xf32>
        %mul3A_770 = arith.mulf %get3A_768, %mul3A_769 : vector<16xf32>
        %add3A_771 = arith.addf %mul3A_758, %mul3A_770 : vector<16xf32>
        %mul3A_772 = arith.constant 3 : i32
        %mul3A_773 = arith.muli %scan3A_151, %mul3A_772 : i32
        %add3A_774 = arith.constant 2 : i32
        %add3A_775 = arith.addi %mul3A_773, %add3A_774 : i32
        %get3A_776 = arith.constant 0 : i32
        %get3A_777 = arith.index_cast %get3A_776 : i32 to index
        %get3A_778 = arith.index_cast %add3A_775 : i32 to index
        %get3A_779 = arith.constant 208 : index
        %get3A_780 = tpu.vector_load %arg8[%get3A_777, %get3A_778, %get3A_779] {strides = array<i32>} : memref<2x96x256xf32, #tpu.memory_space<vmem>>, vector<1x1x16xf32>,
        %get3A_781 = vector.shape_cast %get3A_780 : vector<1x1x16xf32> to vector<16xf32>
        %mul3A_782 = vector.broadcast %squeeze3A_162 : f32 to vector<16xf32>
        %mul3A_783 = arith.mulf %get3A_781, %mul3A_782 : vector<16xf32>
        %add3A_784 = arith.addf %add3A_771, %mul3A_783 : vector<16xf32>
        %swap3A_785 = arith.constant 0 : i32
        %swap3A_786 = arith.index_cast %swap3A_785 : i32 to index
        %swap3A_787 = arith.index_cast %scan3A_151 : i32 to index
        %swap3A_788 = arith.constant 208 : index
        %swap3A_789 = tpu.vector_load %arg9[%swap3A_786, %swap3A_787, %swap3A_788] {strides = array<i32>} : memref<2x32x256xf32, #tpu.memory_space<vmem>>, vector<1x1x16xf32>,
        %swap3A_790 = vector.shape_cast %swap3A_789 : vector<1x1x16xf32> to vector<16xf32>
        %swap3A_791 = vector.shape_cast %add3A_784 : vector<16xf32> to vector<1x1x16xf32>
        tpu.vector_store %arg9[%swap3A_786, %swap3A_787, %swap3A_788], %swap3A_791 {strides = array<i32>} : memref<2x32x256xf32, #tpu.memory_space<vmem>>, vector<1x1x16xf32>,
        %mul3A_792 = arith.constant 3 : i32
        %mul3A_793 = arith.muli %scan3A_151, %mul3A_792 : i32
        %add3A_794 = arith.constant 0 : i32
        %add3A_795 = arith.addi %mul3A_793, %add3A_794 : i32
        %get3A_796 = arith.constant 0 : i32
        %get3A_797 = arith.index_cast %get3A_796 : i32 to index
        %get3A_798 = arith.index_cast %add3A_795 : i32 to index
        %get3A_799 = arith.constant 224 : index
        %get3A_800 = tpu.vector_load %arg8[%get3A_797, %get3A_798, %get3A_799] {strides = array<i32>} : memref<2x96x256xf32, #tpu.memory_space<vmem>>, vector<1x1x16xf32>,
        %get3A_801 = vector.shape_cast %get3A_800 : vector<1x1x16xf32> to vector<16xf32>
        %mul3A_802 = vector.broadcast %squeeze3A : f32 to vector<16xf32>
        %mul3A_803 = arith.mulf %get3A_801, %mul3A_802 : vector<16xf32>
        %mul3A_804 = arith.constant 3 : i32
        %mul3A_805 = arith.muli %scan3A_151, %mul3A_804 : i32
        %add3A_806 = arith.constant 1 : i32
        %add3A_807 = arith.addi %mul3A_805, %add3A_806 : i32
        %get3A_808 = arith.constant 0 : i32
        %get3A_809 = arith.index_cast %get3A_808 : i32 to index
        %get3A_810 = arith.index_cast %add3A_807 : i32 to index
        %get3A_811 = arith.constant 224 : index
        %get3A_812 = tpu.vector_load %arg8[%get3A_809, %get3A_810, %get3A_811] {strides = array<i32>} : memref<2x96x256xf32, #tpu.memory_space<vmem>>, vector<1x1x16xf32>,
        %get3A_813 = vector.shape_cast %get3A_812 : vector<1x1x16xf32> to vector<16xf32>
        %mul3A_814 = vector.broadcast %squeeze3A_160 : f32 to vector<16xf32>
        %mul3A_815 = arith.mulf %get3A_813, %mul3A_814 : vector<16xf32>
        %add3A_816 = arith.addf %mul3A_803, %mul3A_815 : vector<16xf32>
        %mul3A_817 = arith.constant 3 : i32
        %mul3A_818 = arith.muli %scan3A_151, %mul3A_817 : i32
        %add3A_819 = arith.constant 2 : i32
        %add3A_820 = arith.addi %mul3A_818, %add3A_819 : i32
        %get3A_821 = arith.constant 0 : i32
        %get3A_822 = arith.index_cast %get3A_821 : i32 to index
        %get3A_823 = arith.index_cast %add3A_820 : i32 to index
        %get3A_824 = arith.constant 224 : index
        %get3A_825 = tpu.vector_load %arg8[%get3A_822, %get3A_823, %get3A_824] {strides = array<i32>} : memref<2x96x256xf32, #tpu.memory_space<vmem>>, vector<1x1x16xf32>,
        %get3A_826 = vector.shape_cast %get3A_825 : vector<1x1x16xf32> to vector<16xf32>
        %mul3A_827 = vector.broadcast %squeeze3A_162 : f32 to vector<16xf32>
        %mul3A_828 = arith.mulf %get3A_826, %mul3A_827 : vector<16xf32>
        %add3A_829 = arith.addf %add3A_816, %mul3A_828 : vector<16xf32>
        %swap3A_830 = arith.constant 0 : i32
        %swap3A_831 = arith.index_cast %swap3A_830 : i32 to index
        %swap3A_832 = arith.index_cast %scan3A_151 : i32 to index
        %swap3A_833 = arith.constant 224 : index
        %swap3A_834 = tpu.vector_load %arg9[%swap3A_831, %swap3A_832, %swap3A_833] {strides = array<i32>} : memref<2x32x256xf32, #tpu.memory_space<vmem>>, vector<1x1x16xf32>,
        %swap3A_835 = vector.shape_cast %swap3A_834 : vector<1x1x16xf32> to vector<16xf32>
        %swap3A_836 = vector.shape_cast %add3A_829 : vector<16xf32> to vector<1x1x16xf32>
        tpu.vector_store %arg9[%swap3A_831, %swap3A_832, %swap3A_833], %swap3A_836 {strides = array<i32>} : memref<2x32x256xf32, #tpu.memory_space<vmem>>, vector<1x1x16xf32>,
        %mul3A_837 = arith.constant 3 : i32
        %mul3A_838 = arith.muli %scan3A_151, %mul3A_837 : i32
        %add3A_839 = arith.constant 0 : i32
        %add3A_840 = arith.addi %mul3A_838, %add3A_839 : i32
        %get3A_841 = arith.constant 0 : i32
        %get3A_842 = arith.index_cast %get3A_841 : i32 to index
        %get3A_843 = arith.index_cast %add3A_840 : i32 to index
        %get3A_844 = arith.constant 240 : index
        %get3A_845 = tpu.vector_load %arg8[%get3A_842, %get3A_843, %get3A_844] {strides = array<i32>} : memref<2x96x256xf32, #tpu.memory_space<vmem>>, vector<1x1x16xf32>,
        %get3A_846 = vector.shape_cast %get3A_845 : vector<1x1x16xf32> to vector<16xf32>
        %mul3A_847 = vector.broadcast %squeeze3A : f32 to vector<16xf32>
        %mul3A_848 = arith.mulf %get3A_846, %mul3A_847 : vector<16xf32>
        %mul3A_849 = arith.constant 3 : i32
        %mul3A_850 = arith.muli %scan3A_151, %mul3A_849 : i32
        %add3A_851 = arith.constant 1 : i32
        %add3A_852 = arith.addi %mul3A_850, %add3A_851 : i32
        %get3A_853 = arith.constant 0 : i32
        %get3A_854 = arith.index_cast %get3A_853 : i32 to index
        %get3A_855 = arith.index_cast %add3A_852 : i32 to index
        %get3A_856 = arith.constant 240 : index
        %get3A_857 = tpu.vector_load %arg8[%get3A_854, %get3A_855, %get3A_856] {strides = array<i32>} : memref<2x96x256xf32, #tpu.memory_space<vmem>>, vector<1x1x16xf32>,
        %get3A_858 = vector.shape_cast %get3A_857 : vector<1x1x16xf32> to vector<16xf32>
        %mul3A_859 = vector.broadcast %squeeze3A_160 : f32 to vector<16xf32>
        %mul3A_860 = arith.mulf %get3A_858, %mul3A_859 : vector<16xf32>
        %add3A_861 = arith.addf %mul3A_848, %mul3A_860 : vector<16xf32>
        %mul3A_862 = arith.constant 3 : i32
        %mul3A_863 = arith.muli %scan3A_151, %mul3A_862 : i32
        %add3A_864 = arith.constant 2 : i32
        %add3A_865 = arith.addi %mul3A_863, %add3A_864 : i32
        %get3A_866 = arith.constant 0 : i32
        %get3A_867 = arith.index_cast %get3A_866 : i32 to index
        %get3A_868 = arith.index_cast %add3A_865 : i32 to index
        %get3A_869 = arith.constant 240 : index
        %get3A_870 = tpu.vector_load %arg8[%get3A_867, %get3A_868, %get3A_869] {strides = array<i32>} : memref<2x96x256xf32, #tpu.memory_space<vmem>>, vector<1x1x16xf32>,
        %get3A_871 = vector.shape_cast %get3A_870 : vector<1x1x16xf32> to vector<16xf32>
        %mul3A_872 = vector.broadcast %squeeze3A_162 : f32 to vector<16xf32>
        %mul3A_873 = arith.mulf %get3A_871, %mul3A_872 : vector<16xf32>
        %add3A_874 = arith.addf %add3A_861, %mul3A_873 : vector<16xf32>
        %swap3A_875 = arith.constant 0 : i32
        %swap3A_876 = arith.index_cast %swap3A_875 : i32 to index
        %swap3A_877 = arith.index_cast %scan3A_151 : i32 to index
        %swap3A_878 = arith.constant 240 : index
        %swap3A_879 = tpu.vector_load %arg9[%swap3A_876, %swap3A_877, %swap3A_878] {strides = array<i32>} : memref<2x32x256xf32, #tpu.memory_space<vmem>>, vector<1x1x16xf32>,
        %swap3A_880 = vector.shape_cast %swap3A_879 : vector<1x1x16xf32> to vector<16xf32>
        %swap3A_881 = vector.shape_cast %add3A_874 : vector<16xf32> to vector<1x1x16xf32>
        tpu.vector_store %arg9[%swap3A_876, %swap3A_877, %swap3A_878], %swap3A_881 {strides = array<i32>} : memref<2x32x256xf32, #tpu.memory_space<vmem>>, vector<1x1x16xf32>,
      }
      %scan3A_81 = arith.constant 32 : i32
      %mul3A_82 = arith.constant 32 : i32
      %mul3A_83 = arith.muli %add3A_52, %mul3A_82 : i32
      %add3A_84 = arith.addi %mul3A_2, %mul3A_83 : i32
      %dma_start3A_85 = arith.constant 0 : i32
      %dma_start3A_86 = arith.constant 0 : i32
      %dma_start3A_87 = arith.constant 0 : i32
      %dma_start3A_88 = tpu.memref_slice %arg9[%dma_start3A_85, %dma_start3A_86, %dma_start3A_87] : memref<2x32x256xf32, #tpu.memory_space<vmem>> -> memref<1x32x256xf32, #tpu.memory_space<vmem>>
      %dma_start3A_89 = tpu.memref_squeeze %dma_start3A_88 : memref<1x32x256xf32, #tpu.memory_space<vmem>> -> memref<32x256xf32, #tpu.memory_space<vmem>>
      %dma_start3A_90 = arith.constant 0 : i32
      %dma_start3A_91 = tpu.memref_slice %arg5[%add3A_84, %dma_start3A_90] : memref<16384x256xf32, #tpu.memory_space<hbm>> -> memref<32x256xf32, #tpu.memory_space<hbm>>
      %dma_start3A_92 = arith.constant 0 : i32
      %dma_start3A_93 = tpu.memref_slice %arg5[%add3A_84, %dma_start3A_92] : memref<16384x256xf32, #tpu.memory_space<hbm>> -> memref<32x256xf32, #tpu.memory_space<hbm>>
      %dma_start3A_94 = arith.constant 0 : i32
      %dma_start3A_95 = arith.constant 0 : i32
      %dma_start3A_96 = tpu.memref_slice %arg9[%dma_start3A_85, %dma_start3A_94, %dma_start3A_95] : memref<2x32x256xf32, #tpu.memory_space<vmem>> -> memref<1x32x256xf32, #tpu.memory_space<vmem>>
      %dma_start3A_97 = tpu.memref_squeeze %dma_start3A_96 : memref<1x32x256xf32, #tpu.memory_space<vmem>> -> memref<32x256xf32, #tpu.memory_space<vmem>>
      tpu.enqueue_dma source(%dma_start3A_97 : memref<32x256xf32, #tpu.memory_space<vmem>>) target(%dma_start3A_93 : memref<32x256xf32, #tpu.memory_space<hbm>>) target_semaphore(%arg12 : memref<!tpu.dma_semaphore, #tpu.memory_space<semaphore_mem>>)
      %mul3A_98 = arith.constant 2 : i32
      %mul3A_99 = arith.muli %scan3A_48, %mul3A_98 : i32
      %add3A_100 = arith.constant 1 : i32
      %add3A_101 = arith.addi %mul3A_99, %add3A_100 : i32
      %add3A_102 = arith.constant 1 : i32
      %add3A_103 = arith.addi %add3A_101, %add3A_102 : i32
      %lt3A_104 = arith.constant 16 : i32
      %lt3A_105 = arith.cmpi slt, %add3A_103, %lt3A_104 : i32
      %convert_element_type3A_106 = arith.extui %lt3A_105 : i1 to i32
      %cond3A_107 = arith.constant 0 : i32
      %cond3A_108 = arith.cmpi ne, %convert_element_type3A_106, %cond3A_107 : i32
      scf.if %cond3A_108 {
        %add3A_151 = arith.constant 1 : i32
        %add3A_152 = arith.addi %add3A_101, %add3A_151 : i32
        %mul3A_153 = arith.constant 96 : i32
        %mul3A_154 = arith.muli %add3A_152, %mul3A_153 : i32
        %dma_start3A_155 = arith.constant 0 : i32
        %dma_start3A_156 = arith.constant 0 : i32
        %dma_start3A_157 = arith.constant 0 : i32
        %dma_start3A_158 = tpu.memref_slice %arg8[%dma_start3A_155, %dma_start3A_156, %dma_start3A_157] : memref<2x96x256xf32, #tpu.memory_space<vmem>> -> memref<1x96x256xf32, #tpu.memory_space<vmem>>
        %dma_start3A_159 = tpu.memref_squeeze %dma_start3A_158 : memref<1x96x256xf32, #tpu.memory_space<vmem>> -> memref<96x256xf32, #tpu.memory_space<vmem>>
        %dma_start3A_160 = tpu.memref_slice %arg6[%mul3A_154] : memref<1536xi32, #tpu.memory_space<vmem>> -> memref<96xi32, #tpu.memory_space<vmem>>
        %dma_start3A_161 = arith.constant 0 : i32
        %dma_start3A_162 = arith.constant 0 : i32
        %dma_start3A_163 = tpu.memref_slice %arg2[%dma_start3A_161, %dma_start3A_162] : memref<65536x256xf32, #tpu.memory_space<hbm>> -> memref<65536x256xf32, #tpu.memory_space<hbm>>
        tpu.enqueue_indirect_dma source(%dma_start3A_163 : memref<65536x256xf32, #tpu.memory_space<hbm>>) target(%dma_start3A_159 : memref<96x256xf32, #tpu.memory_space<vmem>>) offsets(%dma_start3A_160 : memref<96xi32, #tpu.memory_space<vmem>>) semaphore(%arg10 : memref<!tpu.dma_semaphore, #tpu.memory_space<semaphore_mem>>)
      } else {
      }
      %dma_wait3A_109 = arith.constant 1 : i32
      %dma_wait3A_110 = arith.constant 0 : i32
      %dma_wait3A_111 = arith.constant 0 : i32
      %dma_wait3A_112 = tpu.memref_slice %arg8[%dma_wait3A_109, %dma_wait3A_110, %dma_wait3A_111] : memref<2x96x256xf32, #tpu.memory_space<vmem>> -> memref<1x96x256xf32, #tpu.memory_space<vmem>>
      %dma_wait3A_113 = tpu.memref_squeeze %dma_wait3A_112 : memref<1x96x256xf32, #tpu.memory_space<vmem>> -> memref<96x256xf32, #tpu.memory_space<vmem>>
      %dma_wait3A_114 = arith.constant 0 : i32
      %dma_wait3A_115 = arith.constant 0 : i32
      %dma_wait3A_116 = tpu.memref_slice %arg2[%dma_wait3A_114, %dma_wait3A_115] : memref<65536x256xf32, #tpu.memory_space<hbm>> -> memref<96x256xf32, #tpu.memory_space<hbm>>
      %dma_wait3A_117 = arith.constant 0 : i32
      %dma_wait3A_118 = arith.constant 0 : i32
      %dma_wait3A_119 = tpu.memref_slice %arg8[%dma_wait3A_109, %dma_wait3A_117, %dma_wait3A_118] : memref<2x96x256xf32, #tpu.memory_space<vmem>> -> memref<1x96x256xf32, #tpu.memory_space<vmem>>
      %dma_wait3A_120 = tpu.memref_squeeze %dma_wait3A_119 : memref<1x96x256xf32, #tpu.memory_space<vmem>> -> memref<96x256xf32, #tpu.memory_space<vmem>>
      %dma_wait3A_121 = arith.constant 0 : i32
      %dma_wait3A_122 = arith.constant 0 : i32
      %dma_wait3A_123 = tpu.memref_slice %arg2[%dma_wait3A_121, %dma_wait3A_122] : memref<65536x256xf32, #tpu.memory_space<hbm>> -> memref<96x256xf32, #tpu.memory_space<hbm>>
      tpu.wait_dma2 semaphore(%arg11 : memref<!tpu.dma_semaphore, #tpu.memory_space<semaphore_mem>>) src(%dma_wait3A_123 : memref<96x256xf32, #tpu.memory_space<hbm>>) dst(%dma_wait3A_120 : memref<96x256xf32, #tpu.memory_space<vmem>>)
      %gt3A_124 = arith.constant 0 : i32
      %gt3A_125 = arith.cmpi sgt, %scan3A_48, %gt3A_124 : i32
      %convert_element_type3A_126 = arith.extui %gt3A_125 : i1 to i32
      %cond3A_127 = arith.constant 0 : i32
      %cond3A_128 = arith.cmpi ne, %convert_element_type3A_126, %cond3A_127 : i32
      scf.if %cond3A_128 {
        %dma_wait3A_151 = arith.constant 1 : i32
        %dma_wait3A_152 = arith.constant 0 : i32
        %dma_wait3A_153 = arith.constant 0 : i32
        %dma_wait3A_154 = tpu.memref_slice %arg9[%dma_wait3A_151, %dma_wait3A_152, %dma_wait3A_153] : memref<2x32x256xf32, #tpu.memory_space<vmem>> -> memref<1x32x256xf32, #tpu.memory_space<vmem>>
        %dma_wait3A_155 = tpu.memref_squeeze %dma_wait3A_154 : memref<1x32x256xf32, #tpu.memory_space<vmem>> -> memref<32x256xf32, #tpu.memory_space<vmem>>
        %dma_wait3A_156 = arith.constant 0 : i32
        %dma_wait3A_157 = arith.constant 0 : i32
        %dma_wait3A_158 = tpu.memref_slice %arg5[%dma_wait3A_156, %dma_wait3A_157] : memref<16384x256xf32, #tpu.memory_space<hbm>> -> memref<32x256xf32, #tpu.memory_space<hbm>>
        %dma_wait3A_159 = arith.constant 0 : i32
        %dma_wait3A_160 = arith.constant 0 : i32
        %dma_wait3A_161 = tpu.memref_slice %arg5[%dma_wait3A_159, %dma_wait3A_160] : memref<16384x256xf32, #tpu.memory_space<hbm>> -> memref<32x256xf32, #tpu.memory_space<hbm>>
        %dma_wait3A_162 = arith.constant 0 : i32
        %dma_wait3A_163 = arith.constant 0 : i32
        %dma_wait3A_164 = tpu.memref_slice %arg9[%dma_wait3A_151, %dma_wait3A_162, %dma_wait3A_163] : memref<2x32x256xf32, #tpu.memory_space<vmem>> -> memref<1x32x256xf32, #tpu.memory_space<vmem>>
        %dma_wait3A_165 = tpu.memref_squeeze %dma_wait3A_164 : memref<1x32x256xf32, #tpu.memory_space<vmem>> -> memref<32x256xf32, #tpu.memory_space<vmem>>
        tpu.wait_dma2 semaphore(%arg13 : memref<!tpu.dma_semaphore, #tpu.memory_space<semaphore_mem>>) src(%dma_wait3A_165 : memref<32x256xf32, #tpu.memory_space<vmem>>) dst(%dma_wait3A_161 : memref<32x256xf32, #tpu.memory_space<hbm>>)
      } else {
      }
      %scan3A_129 = arith.constant 0 : i32
      %scan3A_130 = arith.constant 0 : i32
      %scan3A_131 = arith.constant 32 : i32
      %scan3A_132 = arith.addi %scan3A_130, %scan3A_131 : i32
      %scan3A_133 = arith.constant 1 : i32
      scf.for %scan3A_151 = %scan3A_130 to %scan3A_132 step %scan3A_133  : i32 {
        %mul3A_152 = arith.constant 96 : i32
        %mul3A_153 = arith.muli %add3A_101, %mul3A_152 : i32
        %mul3A_154 = arith.constant 3 : i32
        %mul3A_155 = arith.muli %scan3A_151, %mul3A_154 : i32
        %add3A_156 = arith.addi %mul3A_153, %mul3A_155 : i32
        %get3A = arith.index_cast %add3A_156 : i32 to index
        %get3A_157 = tpu.vector_load %arg7[%get3A] {strides = array<i32>} : memref<1552xf32, #tpu.memory_space<vmem>>, vector<16xf32>,
        %get3A_158 = vector.shape_cast %get3A_157 : vector<16xf32> to vector<16xf32>
        %slice3A = vector.extract_strided_slice %get3A_158 {offsets = [0], sizes = [1], strides = [1]} : vector<16xf32> to vector<1xf32>
        %squeeze3A = vector.extract %slice3A[0] : f32 from vector<1xf32>
        %slice3A_159 = vector.extract_strided_slice %get3A_158 {offsets = [1], sizes = [1], strides = [1]} : vector<16xf32> to vector<1xf32>
        %squeeze3A_160 = vector.extract %slice3A_159[0] : f32 from vector<1xf32>
        %slice3A_161 = vector.extract_strided_slice %get3A_158 {offsets = [2], sizes = [1], strides = [1]} : vector<16xf32> to vector<1xf32>
        %squeeze3A_162 = vector.extract %slice3A_161[0] : f32 from vector<1xf32>
        %mul3A_163 = arith.constant 3 : i32
        %mul3A_164 = arith.muli %scan3A_151, %mul3A_163 : i32
        %add3A_165 = arith.constant 0 : i32
        %add3A_166 = arith.addi %mul3A_164, %add3A_165 : i32
        %get3A_167 = arith.constant 1 : i32
        %get3A_168 = arith.index_cast %get3A_167 : i32 to index
        %get3A_169 = arith.index_cast %add3A_166 : i32 to index
        %get3A_170 = arith.constant 0 : index
        %get3A_171 = tpu.vector_load %arg8[%get3A_168, %get3A_169, %get3A_170] {strides = array<i32>} : memref<2x96x256xf32, #tpu.memory_space<vmem>>, vector<1x1x16xf32>,
        %get3A_172 = vector.shape_cast %get3A_171 : vector<1x1x16xf32> to vector<16xf32>
        %mul3A_173 = vector.broadcast %squeeze3A : f32 to vector<16xf32>
        %mul3A_174 = arith.mulf %get3A_172, %mul3A_173 : vector<16xf32>
        %mul3A_175 = arith.constant 3 : i32
        %mul3A_176 = arith.muli %scan3A_151, %mul3A_175 : i32
        %add3A_177 = arith.constant 1 : i32
        %add3A_178 = arith.addi %mul3A_176, %add3A_177 : i32
        %get3A_179 = arith.constant 1 : i32
        %get3A_180 = arith.index_cast %get3A_179 : i32 to index
        %get3A_181 = arith.index_cast %add3A_178 : i32 to index
        %get3A_182 = arith.constant 0 : index
        %get3A_183 = tpu.vector_load %arg8[%get3A_180, %get3A_181, %get3A_182] {strides = array<i32>} : memref<2x96x256xf32, #tpu.memory_space<vmem>>, vector<1x1x16xf32>,
        %get3A_184 = vector.shape_cast %get3A_183 : vector<1x1x16xf32> to vector<16xf32>
        %mul3A_185 = vector.broadcast %squeeze3A_160 : f32 to vector<16xf32>
        %mul3A_186 = arith.mulf %get3A_184, %mul3A_185 : vector<16xf32>
        %add3A_187 = arith.addf %mul3A_174, %mul3A_186 : vector<16xf32>
        %mul3A_188 = arith.constant 3 : i32
        %mul3A_189 = arith.muli %scan3A_151, %mul3A_188 : i32
        %add3A_190 = arith.constant 2 : i32
        %add3A_191 = arith.addi %mul3A_189, %add3A_190 : i32
        %get3A_192 = arith.constant 1 : i32
        %get3A_193 = arith.index_cast %get3A_192 : i32 to index
        %get3A_194 = arith.index_cast %add3A_191 : i32 to index
        %get3A_195 = arith.constant 0 : index
        %get3A_196 = tpu.vector_load %arg8[%get3A_193, %get3A_194, %get3A_195] {strides = array<i32>} : memref<2x96x256xf32, #tpu.memory_space<vmem>>, vector<1x1x16xf32>,
        %get3A_197 = vector.shape_cast %get3A_196 : vector<1x1x16xf32> to vector<16xf32>
        %mul3A_198 = vector.broadcast %squeeze3A_162 : f32 to vector<16xf32>
        %mul3A_199 = arith.mulf %get3A_197, %mul3A_198 : vector<16xf32>
        %add3A_200 = arith.addf %add3A_187, %mul3A_199 : vector<16xf32>
        %swap3A = arith.constant 1 : i32
        %swap3A_201 = arith.index_cast %swap3A : i32 to index
        %swap3A_202 = arith.index_cast %scan3A_151 : i32 to index
        %swap3A_203 = arith.constant 0 : index
        %swap3A_204 = tpu.vector_load %arg9[%swap3A_201, %swap3A_202, %swap3A_203] {strides = array<i32>} : memref<2x32x256xf32, #tpu.memory_space<vmem>>, vector<1x1x16xf32>,
        %swap3A_205 = vector.shape_cast %swap3A_204 : vector<1x1x16xf32> to vector<16xf32>
        %swap3A_206 = vector.shape_cast %add3A_200 : vector<16xf32> to vector<1x1x16xf32>
        tpu.vector_store %arg9[%swap3A_201, %swap3A_202, %swap3A_203], %swap3A_206 {strides = array<i32>} : memref<2x32x256xf32, #tpu.memory_space<vmem>>, vector<1x1x16xf32>,
        %mul3A_207 = arith.constant 3 : i32
        %mul3A_208 = arith.muli %scan3A_151, %mul3A_207 : i32
        %add3A_209 = arith.constant 0 : i32
        %add3A_210 = arith.addi %mul3A_208, %add3A_209 : i32
        %get3A_211 = arith.constant 1 : i32
        %get3A_212 = arith.index_cast %get3A_211 : i32 to index
        %get3A_213 = arith.index_cast %add3A_210 : i32 to index
        %get3A_214 = arith.constant 16 : index
        %get3A_215 = tpu.vector_load %arg8[%get3A_212, %get3A_213, %get3A_214] {strides = array<i32>} : memref<2x96x256xf32, #tpu.memory_space<vmem>>, vector<1x1x16xf32>,
        %get3A_216 = vector.shape_cast %get3A_215 : vector<1x1x16xf32> to vector<16xf32>
        %mul3A_217 = vector.broadcast %squeeze3A : f32 to vector<16xf32>
        %mul3A_218 = arith.mulf %get3A_216, %mul3A_217 : vector<16xf32>
        %mul3A_219 = arith.constant 3 : i32
        %mul3A_220 = arith.muli %scan3A_151, %mul3A_219 : i32
        %add3A_221 = arith.constant 1 : i32
        %add3A_222 = arith.addi %mul3A_220, %add3A_221 : i32
        %get3A_223 = arith.constant 1 : i32
        %get3A_224 = arith.index_cast %get3A_223 : i32 to index
        %get3A_225 = arith.index_cast %add3A_222 : i32 to index
        %get3A_226 = arith.constant 16 : index
        %get3A_227 = tpu.vector_load %arg8[%get3A_224, %get3A_225, %get3A_226] {strides = array<i32>} : memref<2x96x256xf32, #tpu.memory_space<vmem>>, vector<1x1x16xf32>,
        %get3A_228 = vector.shape_cast %get3A_227 : vector<1x1x16xf32> to vector<16xf32>
        %mul3A_229 = vector.broadcast %squeeze3A_160 : f32 to vector<16xf32>
        %mul3A_230 = arith.mulf %get3A_228, %mul3A_229 : vector<16xf32>
        %add3A_231 = arith.addf %mul3A_218, %mul3A_230 : vector<16xf32>
        %mul3A_232 = arith.constant 3 : i32
        %mul3A_233 = arith.muli %scan3A_151, %mul3A_232 : i32
        %add3A_234 = arith.constant 2 : i32
        %add3A_235 = arith.addi %mul3A_233, %add3A_234 : i32
        %get3A_236 = arith.constant 1 : i32
        %get3A_237 = arith.index_cast %get3A_236 : i32 to index
        %get3A_238 = arith.index_cast %add3A_235 : i32 to index
        %get3A_239 = arith.constant 16 : index
        %get3A_240 = tpu.vector_load %arg8[%get3A_237, %get3A_238, %get3A_239] {strides = array<i32>} : memref<2x96x256xf32, #tpu.memory_space<vmem>>, vector<1x1x16xf32>,
        %get3A_241 = vector.shape_cast %get3A_240 : vector<1x1x16xf32> to vector<16xf32>
        %mul3A_242 = vector.broadcast %squeeze3A_162 : f32 to vector<16xf32>
        %mul3A_243 = arith.mulf %get3A_241, %mul3A_242 : vector<16xf32>
        %add3A_244 = arith.addf %add3A_231, %mul3A_243 : vector<16xf32>
        %swap3A_245 = arith.constant 1 : i32
        %swap3A_246 = arith.index_cast %swap3A_245 : i32 to index
        %swap3A_247 = arith.index_cast %scan3A_151 : i32 to index
        %swap3A_248 = arith.constant 16 : index
        %swap3A_249 = tpu.vector_load %arg9[%swap3A_246, %swap3A_247, %swap3A_248] {strides = array<i32>} : memref<2x32x256xf32, #tpu.memory_space<vmem>>, vector<1x1x16xf32>,
        %swap3A_250 = vector.shape_cast %swap3A_249 : vector<1x1x16xf32> to vector<16xf32>
        %swap3A_251 = vector.shape_cast %add3A_244 : vector<16xf32> to vector<1x1x16xf32>
        tpu.vector_store %arg9[%swap3A_246, %swap3A_247, %swap3A_248], %swap3A_251 {strides = array<i32>} : memref<2x32x256xf32, #tpu.memory_space<vmem>>, vector<1x1x16xf32>,
        %mul3A_252 = arith.constant 3 : i32
        %mul3A_253 = arith.muli %scan3A_151, %mul3A_252 : i32
        %add3A_254 = arith.constant 0 : i32
        %add3A_255 = arith.addi %mul3A_253, %add3A_254 : i32
        %get3A_256 = arith.constant 1 : i32
        %get3A_257 = arith.index_cast %get3A_256 : i32 to index
        %get3A_258 = arith.index_cast %add3A_255 : i32 to index
        %get3A_259 = arith.constant 32 : index
        %get3A_260 = tpu.vector_load %arg8[%get3A_257, %get3A_258, %get3A_259] {strides = array<i32>} : memref<2x96x256xf32, #tpu.memory_space<vmem>>, vector<1x1x16xf32>,
        %get3A_261 = vector.shape_cast %get3A_260 : vector<1x1x16xf32> to vector<16xf32>
        %mul3A_262 = vector.broadcast %squeeze3A : f32 to vector<16xf32>
        %mul3A_263 = arith.mulf %get3A_261, %mul3A_262 : vector<16xf32>
        %mul3A_264 = arith.constant 3 : i32
        %mul3A_265 = arith.muli %scan3A_151, %mul3A_264 : i32
        %add3A_266 = arith.constant 1 : i32
        %add3A_267 = arith.addi %mul3A_265, %add3A_266 : i32
        %get3A_268 = arith.constant 1 : i32
        %get3A_269 = arith.index_cast %get3A_268 : i32 to index
        %get3A_270 = arith.index_cast %add3A_267 : i32 to index
        %get3A_271 = arith.constant 32 : index
        %get3A_272 = tpu.vector_load %arg8[%get3A_269, %get3A_270, %get3A_271] {strides = array<i32>} : memref<2x96x256xf32, #tpu.memory_space<vmem>>, vector<1x1x16xf32>,
        %get3A_273 = vector.shape_cast %get3A_272 : vector<1x1x16xf32> to vector<16xf32>
        %mul3A_274 = vector.broadcast %squeeze3A_160 : f32 to vector<16xf32>
        %mul3A_275 = arith.mulf %get3A_273, %mul3A_274 : vector<16xf32>
        %add3A_276 = arith.addf %mul3A_263, %mul3A_275 : vector<16xf32>
        %mul3A_277 = arith.constant 3 : i32
        %mul3A_278 = arith.muli %scan3A_151, %mul3A_277 : i32
        %add3A_279 = arith.constant 2 : i32
        %add3A_280 = arith.addi %mul3A_278, %add3A_279 : i32
        %get3A_281 = arith.constant 1 : i32
        %get3A_282 = arith.index_cast %get3A_281 : i32 to index
        %get3A_283 = arith.index_cast %add3A_280 : i32 to index
        %get3A_284 = arith.constant 32 : index
        %get3A_285 = tpu.vector_load %arg8[%get3A_282, %get3A_283, %get3A_284] {strides = array<i32>} : memref<2x96x256xf32, #tpu.memory_space<vmem>>, vector<1x1x16xf32>,
        %get3A_286 = vector.shape_cast %get3A_285 : vector<1x1x16xf32> to vector<16xf32>
        %mul3A_287 = vector.broadcast %squeeze3A_162 : f32 to vector<16xf32>
        %mul3A_288 = arith.mulf %get3A_286, %mul3A_287 : vector<16xf32>
        %add3A_289 = arith.addf %add3A_276, %mul3A_288 : vector<16xf32>
        %swap3A_290 = arith.constant 1 : i32
        %swap3A_291 = arith.index_cast %swap3A_290 : i32 to index
        %swap3A_292 = arith.index_cast %scan3A_151 : i32 to index
        %swap3A_293 = arith.constant 32 : index
        %swap3A_294 = tpu.vector_load %arg9[%swap3A_291, %swap3A_292, %swap3A_293] {strides = array<i32>} : memref<2x32x256xf32, #tpu.memory_space<vmem>>, vector<1x1x16xf32>,
        %swap3A_295 = vector.shape_cast %swap3A_294 : vector<1x1x16xf32> to vector<16xf32>
        %swap3A_296 = vector.shape_cast %add3A_289 : vector<16xf32> to vector<1x1x16xf32>
        tpu.vector_store %arg9[%swap3A_291, %swap3A_292, %swap3A_293], %swap3A_296 {strides = array<i32>} : memref<2x32x256xf32, #tpu.memory_space<vmem>>, vector<1x1x16xf32>,
        %mul3A_297 = arith.constant 3 : i32
        %mul3A_298 = arith.muli %scan3A_151, %mul3A_297 : i32
        %add3A_299 = arith.constant 0 : i32
        %add3A_300 = arith.addi %mul3A_298, %add3A_299 : i32
        %get3A_301 = arith.constant 1 : i32
        %get3A_302 = arith.index_cast %get3A_301 : i32 to index
        %get3A_303 = arith.index_cast %add3A_300 : i32 to index
        %get3A_304 = arith.constant 48 : index
        %get3A_305 = tpu.vector_load %arg8[%get3A_302, %get3A_303, %get3A_304] {strides = array<i32>} : memref<2x96x256xf32, #tpu.memory_space<vmem>>, vector<1x1x16xf32>,
        %get3A_306 = vector.shape_cast %get3A_305 : vector<1x1x16xf32> to vector<16xf32>
        %mul3A_307 = vector.broadcast %squeeze3A : f32 to vector<16xf32>
        %mul3A_308 = arith.mulf %get3A_306, %mul3A_307 : vector<16xf32>
        %mul3A_309 = arith.constant 3 : i32
        %mul3A_310 = arith.muli %scan3A_151, %mul3A_309 : i32
        %add3A_311 = arith.constant 1 : i32
        %add3A_312 = arith.addi %mul3A_310, %add3A_311 : i32
        %get3A_313 = arith.constant 1 : i32
        %get3A_314 = arith.index_cast %get3A_313 : i32 to index
        %get3A_315 = arith.index_cast %add3A_312 : i32 to index
        %get3A_316 = arith.constant 48 : index
        %get3A_317 = tpu.vector_load %arg8[%get3A_314, %get3A_315, %get3A_316] {strides = array<i32>} : memref<2x96x256xf32, #tpu.memory_space<vmem>>, vector<1x1x16xf32>,
        %get3A_318 = vector.shape_cast %get3A_317 : vector<1x1x16xf32> to vector<16xf32>
        %mul3A_319 = vector.broadcast %squeeze3A_160 : f32 to vector<16xf32>
        %mul3A_320 = arith.mulf %get3A_318, %mul3A_319 : vector<16xf32>
        %add3A_321 = arith.addf %mul3A_308, %mul3A_320 : vector<16xf32>
        %mul3A_322 = arith.constant 3 : i32
        %mul3A_323 = arith.muli %scan3A_151, %mul3A_322 : i32
        %add3A_324 = arith.constant 2 : i32
        %add3A_325 = arith.addi %mul3A_323, %add3A_324 : i32
        %get3A_326 = arith.constant 1 : i32
        %get3A_327 = arith.index_cast %get3A_326 : i32 to index
        %get3A_328 = arith.index_cast %add3A_325 : i32 to index
        %get3A_329 = arith.constant 48 : index
        %get3A_330 = tpu.vector_load %arg8[%get3A_327, %get3A_328, %get3A_329] {strides = array<i32>} : memref<2x96x256xf32, #tpu.memory_space<vmem>>, vector<1x1x16xf32>,
        %get3A_331 = vector.shape_cast %get3A_330 : vector<1x1x16xf32> to vector<16xf32>
        %mul3A_332 = vector.broadcast %squeeze3A_162 : f32 to vector<16xf32>
        %mul3A_333 = arith.mulf %get3A_331, %mul3A_332 : vector<16xf32>
        %add3A_334 = arith.addf %add3A_321, %mul3A_333 : vector<16xf32>
        %swap3A_335 = arith.constant 1 : i32
        %swap3A_336 = arith.index_cast %swap3A_335 : i32 to index
        %swap3A_337 = arith.index_cast %scan3A_151 : i32 to index
        %swap3A_338 = arith.constant 48 : index
        %swap3A_339 = tpu.vector_load %arg9[%swap3A_336, %swap3A_337, %swap3A_338] {strides = array<i32>} : memref<2x32x256xf32, #tpu.memory_space<vmem>>, vector<1x1x16xf32>,
        %swap3A_340 = vector.shape_cast %swap3A_339 : vector<1x1x16xf32> to vector<16xf32>
        %swap3A_341 = vector.shape_cast %add3A_334 : vector<16xf32> to vector<1x1x16xf32>
        tpu.vector_store %arg9[%swap3A_336, %swap3A_337, %swap3A_338], %swap3A_341 {strides = array<i32>} : memref<2x32x256xf32, #tpu.memory_space<vmem>>, vector<1x1x16xf32>,
        %mul3A_342 = arith.constant 3 : i32
        %mul3A_343 = arith.muli %scan3A_151, %mul3A_342 : i32
        %add3A_344 = arith.constant 0 : i32
        %add3A_345 = arith.addi %mul3A_343, %add3A_344 : i32
        %get3A_346 = arith.constant 1 : i32
        %get3A_347 = arith.index_cast %get3A_346 : i32 to index
        %get3A_348 = arith.index_cast %add3A_345 : i32 to index
        %get3A_349 = arith.constant 64 : index
        %get3A_350 = tpu.vector_load %arg8[%get3A_347, %get3A_348, %get3A_349] {strides = array<i32>} : memref<2x96x256xf32, #tpu.memory_space<vmem>>, vector<1x1x16xf32>,
        %get3A_351 = vector.shape_cast %get3A_350 : vector<1x1x16xf32> to vector<16xf32>
        %mul3A_352 = vector.broadcast %squeeze3A : f32 to vector<16xf32>
        %mul3A_353 = arith.mulf %get3A_351, %mul3A_352 : vector<16xf32>
        %mul3A_354 = arith.constant 3 : i32
        %mul3A_355 = arith.muli %scan3A_151, %mul3A_354 : i32
        %add3A_356 = arith.constant 1 : i32
        %add3A_357 = arith.addi %mul3A_355, %add3A_356 : i32
        %get3A_358 = arith.constant 1 : i32
        %get3A_359 = arith.index_cast %get3A_358 : i32 to index
        %get3A_360 = arith.index_cast %add3A_357 : i32 to index
        %get3A_361 = arith.constant 64 : index
        %get3A_362 = tpu.vector_load %arg8[%get3A_359, %get3A_360, %get3A_361] {strides = array<i32>} : memref<2x96x256xf32, #tpu.memory_space<vmem>>, vector<1x1x16xf32>,
        %get3A_363 = vector.shape_cast %get3A_362 : vector<1x1x16xf32> to vector<16xf32>
        %mul3A_364 = vector.broadcast %squeeze3A_160 : f32 to vector<16xf32>
        %mul3A_365 = arith.mulf %get3A_363, %mul3A_364 : vector<16xf32>
        %add3A_366 = arith.addf %mul3A_353, %mul3A_365 : vector<16xf32>
        %mul3A_367 = arith.constant 3 : i32
        %mul3A_368 = arith.muli %scan3A_151, %mul3A_367 : i32
        %add3A_369 = arith.constant 2 : i32
        %add3A_370 = arith.addi %mul3A_368, %add3A_369 : i32
        %get3A_371 = arith.constant 1 : i32
        %get3A_372 = arith.index_cast %get3A_371 : i32 to index
        %get3A_373 = arith.index_cast %add3A_370 : i32 to index
        %get3A_374 = arith.constant 64 : index
        %get3A_375 = tpu.vector_load %arg8[%get3A_372, %get3A_373, %get3A_374] {strides = array<i32>} : memref<2x96x256xf32, #tpu.memory_space<vmem>>, vector<1x1x16xf32>,
        %get3A_376 = vector.shape_cast %get3A_375 : vector<1x1x16xf32> to vector<16xf32>
        %mul3A_377 = vector.broadcast %squeeze3A_162 : f32 to vector<16xf32>
        %mul3A_378 = arith.mulf %get3A_376, %mul3A_377 : vector<16xf32>
        %add3A_379 = arith.addf %add3A_366, %mul3A_378 : vector<16xf32>
        %swap3A_380 = arith.constant 1 : i32
        %swap3A_381 = arith.index_cast %swap3A_380 : i32 to index
        %swap3A_382 = arith.index_cast %scan3A_151 : i32 to index
        %swap3A_383 = arith.constant 64 : index
        %swap3A_384 = tpu.vector_load %arg9[%swap3A_381, %swap3A_382, %swap3A_383] {strides = array<i32>} : memref<2x32x256xf32, #tpu.memory_space<vmem>>, vector<1x1x16xf32>,
        %swap3A_385 = vector.shape_cast %swap3A_384 : vector<1x1x16xf32> to vector<16xf32>
        %swap3A_386 = vector.shape_cast %add3A_379 : vector<16xf32> to vector<1x1x16xf32>
        tpu.vector_store %arg9[%swap3A_381, %swap3A_382, %swap3A_383], %swap3A_386 {strides = array<i32>} : memref<2x32x256xf32, #tpu.memory_space<vmem>>, vector<1x1x16xf32>,
        %mul3A_387 = arith.constant 3 : i32
        %mul3A_388 = arith.muli %scan3A_151, %mul3A_387 : i32
        %add3A_389 = arith.constant 0 : i32
        %add3A_390 = arith.addi %mul3A_388, %add3A_389 : i32
        %get3A_391 = arith.constant 1 : i32
        %get3A_392 = arith.index_cast %get3A_391 : i32 to index
        %get3A_393 = arith.index_cast %add3A_390 : i32 to index
        %get3A_394 = arith.constant 80 : index
        %get3A_395 = tpu.vector_load %arg8[%get3A_392, %get3A_393, %get3A_394] {strides = array<i32>} : memref<2x96x256xf32, #tpu.memory_space<vmem>>, vector<1x1x16xf32>,
        %get3A_396 = vector.shape_cast %get3A_395 : vector<1x1x16xf32> to vector<16xf32>
        %mul3A_397 = vector.broadcast %squeeze3A : f32 to vector<16xf32>
        %mul3A_398 = arith.mulf %get3A_396, %mul3A_397 : vector<16xf32>
        %mul3A_399 = arith.constant 3 : i32
        %mul3A_400 = arith.muli %scan3A_151, %mul3A_399 : i32
        %add3A_401 = arith.constant 1 : i32
        %add3A_402 = arith.addi %mul3A_400, %add3A_401 : i32
        %get3A_403 = arith.constant 1 : i32
        %get3A_404 = arith.index_cast %get3A_403 : i32 to index
        %get3A_405 = arith.index_cast %add3A_402 : i32 to index
        %get3A_406 = arith.constant 80 : index
        %get3A_407 = tpu.vector_load %arg8[%get3A_404, %get3A_405, %get3A_406] {strides = array<i32>} : memref<2x96x256xf32, #tpu.memory_space<vmem>>, vector<1x1x16xf32>,
        %get3A_408 = vector.shape_cast %get3A_407 : vector<1x1x16xf32> to vector<16xf32>
        %mul3A_409 = vector.broadcast %squeeze3A_160 : f32 to vector<16xf32>
        %mul3A_410 = arith.mulf %get3A_408, %mul3A_409 : vector<16xf32>
        %add3A_411 = arith.addf %mul3A_398, %mul3A_410 : vector<16xf32>
        %mul3A_412 = arith.constant 3 : i32
        %mul3A_413 = arith.muli %scan3A_151, %mul3A_412 : i32
        %add3A_414 = arith.constant 2 : i32
        %add3A_415 = arith.addi %mul3A_413, %add3A_414 : i32
        %get3A_416 = arith.constant 1 : i32
        %get3A_417 = arith.index_cast %get3A_416 : i32 to index
        %get3A_418 = arith.index_cast %add3A_415 : i32 to index
        %get3A_419 = arith.constant 80 : index
        %get3A_420 = tpu.vector_load %arg8[%get3A_417, %get3A_418, %get3A_419] {strides = array<i32>} : memref<2x96x256xf32, #tpu.memory_space<vmem>>, vector<1x1x16xf32>,
        %get3A_421 = vector.shape_cast %get3A_420 : vector<1x1x16xf32> to vector<16xf32>
        %mul3A_422 = vector.broadcast %squeeze3A_162 : f32 to vector<16xf32>
        %mul3A_423 = arith.mulf %get3A_421, %mul3A_422 : vector<16xf32>
        %add3A_424 = arith.addf %add3A_411, %mul3A_423 : vector<16xf32>
        %swap3A_425 = arith.constant 1 : i32
        %swap3A_426 = arith.index_cast %swap3A_425 : i32 to index
        %swap3A_427 = arith.index_cast %scan3A_151 : i32 to index
        %swap3A_428 = arith.constant 80 : index
        %swap3A_429 = tpu.vector_load %arg9[%swap3A_426, %swap3A_427, %swap3A_428] {strides = array<i32>} : memref<2x32x256xf32, #tpu.memory_space<vmem>>, vector<1x1x16xf32>,
        %swap3A_430 = vector.shape_cast %swap3A_429 : vector<1x1x16xf32> to vector<16xf32>
        %swap3A_431 = vector.shape_cast %add3A_424 : vector<16xf32> to vector<1x1x16xf32>
        tpu.vector_store %arg9[%swap3A_426, %swap3A_427, %swap3A_428], %swap3A_431 {strides = array<i32>} : memref<2x32x256xf32, #tpu.memory_space<vmem>>, vector<1x1x16xf32>,
        %mul3A_432 = arith.constant 3 : i32
        %mul3A_433 = arith.muli %scan3A_151, %mul3A_432 : i32
        %add3A_434 = arith.constant 0 : i32
        %add3A_435 = arith.addi %mul3A_433, %add3A_434 : i32
        %get3A_436 = arith.constant 1 : i32
        %get3A_437 = arith.index_cast %get3A_436 : i32 to index
        %get3A_438 = arith.index_cast %add3A_435 : i32 to index
        %get3A_439 = arith.constant 96 : index
        %get3A_440 = tpu.vector_load %arg8[%get3A_437, %get3A_438, %get3A_439] {strides = array<i32>} : memref<2x96x256xf32, #tpu.memory_space<vmem>>, vector<1x1x16xf32>,
        %get3A_441 = vector.shape_cast %get3A_440 : vector<1x1x16xf32> to vector<16xf32>
        %mul3A_442 = vector.broadcast %squeeze3A : f32 to vector<16xf32>
        %mul3A_443 = arith.mulf %get3A_441, %mul3A_442 : vector<16xf32>
        %mul3A_444 = arith.constant 3 : i32
        %mul3A_445 = arith.muli %scan3A_151, %mul3A_444 : i32
        %add3A_446 = arith.constant 1 : i32
        %add3A_447 = arith.addi %mul3A_445, %add3A_446 : i32
        %get3A_448 = arith.constant 1 : i32
        %get3A_449 = arith.index_cast %get3A_448 : i32 to index
        %get3A_450 = arith.index_cast %add3A_447 : i32 to index
        %get3A_451 = arith.constant 96 : index
        %get3A_452 = tpu.vector_load %arg8[%get3A_449, %get3A_450, %get3A_451] {strides = array<i32>} : memref<2x96x256xf32, #tpu.memory_space<vmem>>, vector<1x1x16xf32>,
        %get3A_453 = vector.shape_cast %get3A_452 : vector<1x1x16xf32> to vector<16xf32>
        %mul3A_454 = vector.broadcast %squeeze3A_160 : f32 to vector<16xf32>
        %mul3A_455 = arith.mulf %get3A_453, %mul3A_454 : vector<16xf32>
        %add3A_456 = arith.addf %mul3A_443, %mul3A_455 : vector<16xf32>
        %mul3A_457 = arith.constant 3 : i32
        %mul3A_458 = arith.muli %scan3A_151, %mul3A_457 : i32
        %add3A_459 = arith.constant 2 : i32
        %add3A_460 = arith.addi %mul3A_458, %add3A_459 : i32
        %get3A_461 = arith.constant 1 : i32
        %get3A_462 = arith.index_cast %get3A_461 : i32 to index
        %get3A_463 = arith.index_cast %add3A_460 : i32 to index
        %get3A_464 = arith.constant 96 : index
        %get3A_465 = tpu.vector_load %arg8[%get3A_462, %get3A_463, %get3A_464] {strides = array<i32>} : memref<2x96x256xf32, #tpu.memory_space<vmem>>, vector<1x1x16xf32>,
        %get3A_466 = vector.shape_cast %get3A_465 : vector<1x1x16xf32> to vector<16xf32>
        %mul3A_467 = vector.broadcast %squeeze3A_162 : f32 to vector<16xf32>
        %mul3A_468 = arith.mulf %get3A_466, %mul3A_467 : vector<16xf32>
        %add3A_469 = arith.addf %add3A_456, %mul3A_468 : vector<16xf32>
        %swap3A_470 = arith.constant 1 : i32
        %swap3A_471 = arith.index_cast %swap3A_470 : i32 to index
        %swap3A_472 = arith.index_cast %scan3A_151 : i32 to index
        %swap3A_473 = arith.constant 96 : index
        %swap3A_474 = tpu.vector_load %arg9[%swap3A_471, %swap3A_472, %swap3A_473] {strides = array<i32>} : memref<2x32x256xf32, #tpu.memory_space<vmem>>, vector<1x1x16xf32>,
        %swap3A_475 = vector.shape_cast %swap3A_474 : vector<1x1x16xf32> to vector<16xf32>
        %swap3A_476 = vector.shape_cast %add3A_469 : vector<16xf32> to vector<1x1x16xf32>
        tpu.vector_store %arg9[%swap3A_471, %swap3A_472, %swap3A_473], %swap3A_476 {strides = array<i32>} : memref<2x32x256xf32, #tpu.memory_space<vmem>>, vector<1x1x16xf32>,
        %mul3A_477 = arith.constant 3 : i32
        %mul3A_478 = arith.muli %scan3A_151, %mul3A_477 : i32
        %add3A_479 = arith.constant 0 : i32
        %add3A_480 = arith.addi %mul3A_478, %add3A_479 : i32
        %get3A_481 = arith.constant 1 : i32
        %get3A_482 = arith.index_cast %get3A_481 : i32 to index
        %get3A_483 = arith.index_cast %add3A_480 : i32 to index
        %get3A_484 = arith.constant 112 : index
        %get3A_485 = tpu.vector_load %arg8[%get3A_482, %get3A_483, %get3A_484] {strides = array<i32>} : memref<2x96x256xf32, #tpu.memory_space<vmem>>, vector<1x1x16xf32>,
        %get3A_486 = vector.shape_cast %get3A_485 : vector<1x1x16xf32> to vector<16xf32>
        %mul3A_487 = vector.broadcast %squeeze3A : f32 to vector<16xf32>
        %mul3A_488 = arith.mulf %get3A_486, %mul3A_487 : vector<16xf32>
        %mul3A_489 = arith.constant 3 : i32
        %mul3A_490 = arith.muli %scan3A_151, %mul3A_489 : i32
        %add3A_491 = arith.constant 1 : i32
        %add3A_492 = arith.addi %mul3A_490, %add3A_491 : i32
        %get3A_493 = arith.constant 1 : i32
        %get3A_494 = arith.index_cast %get3A_493 : i32 to index
        %get3A_495 = arith.index_cast %add3A_492 : i32 to index
        %get3A_496 = arith.constant 112 : index
        %get3A_497 = tpu.vector_load %arg8[%get3A_494, %get3A_495, %get3A_496] {strides = array<i32>} : memref<2x96x256xf32, #tpu.memory_space<vmem>>, vector<1x1x16xf32>,
        %get3A_498 = vector.shape_cast %get3A_497 : vector<1x1x16xf32> to vector<16xf32>
        %mul3A_499 = vector.broadcast %squeeze3A_160 : f32 to vector<16xf32>
        %mul3A_500 = arith.mulf %get3A_498, %mul3A_499 : vector<16xf32>
        %add3A_501 = arith.addf %mul3A_488, %mul3A_500 : vector<16xf32>
        %mul3A_502 = arith.constant 3 : i32
        %mul3A_503 = arith.muli %scan3A_151, %mul3A_502 : i32
        %add3A_504 = arith.constant 2 : i32
        %add3A_505 = arith.addi %mul3A_503, %add3A_504 : i32
        %get3A_506 = arith.constant 1 : i32
        %get3A_507 = arith.index_cast %get3A_506 : i32 to index
        %get3A_508 = arith.index_cast %add3A_505 : i32 to index
        %get3A_509 = arith.constant 112 : index
        %get3A_510 = tpu.vector_load %arg8[%get3A_507, %get3A_508, %get3A_509] {strides = array<i32>} : memref<2x96x256xf32, #tpu.memory_space<vmem>>, vector<1x1x16xf32>,
        %get3A_511 = vector.shape_cast %get3A_510 : vector<1x1x16xf32> to vector<16xf32>
        %mul3A_512 = vector.broadcast %squeeze3A_162 : f32 to vector<16xf32>
        %mul3A_513 = arith.mulf %get3A_511, %mul3A_512 : vector<16xf32>
        %add3A_514 = arith.addf %add3A_501, %mul3A_513 : vector<16xf32>
        %swap3A_515 = arith.constant 1 : i32
        %swap3A_516 = arith.index_cast %swap3A_515 : i32 to index
        %swap3A_517 = arith.index_cast %scan3A_151 : i32 to index
        %swap3A_518 = arith.constant 112 : index
        %swap3A_519 = tpu.vector_load %arg9[%swap3A_516, %swap3A_517, %swap3A_518] {strides = array<i32>} : memref<2x32x256xf32, #tpu.memory_space<vmem>>, vector<1x1x16xf32>,
        %swap3A_520 = vector.shape_cast %swap3A_519 : vector<1x1x16xf32> to vector<16xf32>
        %swap3A_521 = vector.shape_cast %add3A_514 : vector<16xf32> to vector<1x1x16xf32>
        tpu.vector_store %arg9[%swap3A_516, %swap3A_517, %swap3A_518], %swap3A_521 {strides = array<i32>} : memref<2x32x256xf32, #tpu.memory_space<vmem>>, vector<1x1x16xf32>,
        %mul3A_522 = arith.constant 3 : i32
        %mul3A_523 = arith.muli %scan3A_151, %mul3A_522 : i32
        %add3A_524 = arith.constant 0 : i32
        %add3A_525 = arith.addi %mul3A_523, %add3A_524 : i32
        %get3A_526 = arith.constant 1 : i32
        %get3A_527 = arith.index_cast %get3A_526 : i32 to index
        %get3A_528 = arith.index_cast %add3A_525 : i32 to index
        %get3A_529 = arith.constant 128 : index
        %get3A_530 = tpu.vector_load %arg8[%get3A_527, %get3A_528, %get3A_529] {strides = array<i32>} : memref<2x96x256xf32, #tpu.memory_space<vmem>>, vector<1x1x16xf32>,
        %get3A_531 = vector.shape_cast %get3A_530 : vector<1x1x16xf32> to vector<16xf32>
        %mul3A_532 = vector.broadcast %squeeze3A : f32 to vector<16xf32>
        %mul3A_533 = arith.mulf %get3A_531, %mul3A_532 : vector<16xf32>
        %mul3A_534 = arith.constant 3 : i32
        %mul3A_535 = arith.muli %scan3A_151, %mul3A_534 : i32
        %add3A_536 = arith.constant 1 : i32
        %add3A_537 = arith.addi %mul3A_535, %add3A_536 : i32
        %get3A_538 = arith.constant 1 : i32
        %get3A_539 = arith.index_cast %get3A_538 : i32 to index
        %get3A_540 = arith.index_cast %add3A_537 : i32 to index
        %get3A_541 = arith.constant 128 : index
        %get3A_542 = tpu.vector_load %arg8[%get3A_539, %get3A_540, %get3A_541] {strides = array<i32>} : memref<2x96x256xf32, #tpu.memory_space<vmem>>, vector<1x1x16xf32>,
        %get3A_543 = vector.shape_cast %get3A_542 : vector<1x1x16xf32> to vector<16xf32>
        %mul3A_544 = vector.broadcast %squeeze3A_160 : f32 to vector<16xf32>
        %mul3A_545 = arith.mulf %get3A_543, %mul3A_544 : vector<16xf32>
        %add3A_546 = arith.addf %mul3A_533, %mul3A_545 : vector<16xf32>
        %mul3A_547 = arith.constant 3 : i32
        %mul3A_548 = arith.muli %scan3A_151, %mul3A_547 : i32
        %add3A_549 = arith.constant 2 : i32
        %add3A_550 = arith.addi %mul3A_548, %add3A_549 : i32
        %get3A_551 = arith.constant 1 : i32
        %get3A_552 = arith.index_cast %get3A_551 : i32 to index
        %get3A_553 = arith.index_cast %add3A_550 : i32 to index
        %get3A_554 = arith.constant 128 : index
        %get3A_555 = tpu.vector_load %arg8[%get3A_552, %get3A_553, %get3A_554] {strides = array<i32>} : memref<2x96x256xf32, #tpu.memory_space<vmem>>, vector<1x1x16xf32>,
        %get3A_556 = vector.shape_cast %get3A_555 : vector<1x1x16xf32> to vector<16xf32>
        %mul3A_557 = vector.broadcast %squeeze3A_162 : f32 to vector<16xf32>
        %mul3A_558 = arith.mulf %get3A_556, %mul3A_557 : vector<16xf32>
        %add3A_559 = arith.addf %add3A_546, %mul3A_558 : vector<16xf32>
        %swap3A_560 = arith.constant 1 : i32
        %swap3A_561 = arith.index_cast %swap3A_560 : i32 to index
        %swap3A_562 = arith.index_cast %scan3A_151 : i32 to index
        %swap3A_563 = arith.constant 128 : index
        %swap3A_564 = tpu.vector_load %arg9[%swap3A_561, %swap3A_562, %swap3A_563] {strides = array<i32>} : memref<2x32x256xf32, #tpu.memory_space<vmem>>, vector<1x1x16xf32>,
        %swap3A_565 = vector.shape_cast %swap3A_564 : vector<1x1x16xf32> to vector<16xf32>
        %swap3A_566 = vector.shape_cast %add3A_559 : vector<16xf32> to vector<1x1x16xf32>
        tpu.vector_store %arg9[%swap3A_561, %swap3A_562, %swap3A_563], %swap3A_566 {strides = array<i32>} : memref<2x32x256xf32, #tpu.memory_space<vmem>>, vector<1x1x16xf32>,
        %mul3A_567 = arith.constant 3 : i32
        %mul3A_568 = arith.muli %scan3A_151, %mul3A_567 : i32
        %add3A_569 = arith.constant 0 : i32
        %add3A_570 = arith.addi %mul3A_568, %add3A_569 : i32
        %get3A_571 = arith.constant 1 : i32
        %get3A_572 = arith.index_cast %get3A_571 : i32 to index
        %get3A_573 = arith.index_cast %add3A_570 : i32 to index
        %get3A_574 = arith.constant 144 : index
        %get3A_575 = tpu.vector_load %arg8[%get3A_572, %get3A_573, %get3A_574] {strides = array<i32>} : memref<2x96x256xf32, #tpu.memory_space<vmem>>, vector<1x1x16xf32>,
        %get3A_576 = vector.shape_cast %get3A_575 : vector<1x1x16xf32> to vector<16xf32>
        %mul3A_577 = vector.broadcast %squeeze3A : f32 to vector<16xf32>
        %mul3A_578 = arith.mulf %get3A_576, %mul3A_577 : vector<16xf32>
        %mul3A_579 = arith.constant 3 : i32
        %mul3A_580 = arith.muli %scan3A_151, %mul3A_579 : i32
        %add3A_581 = arith.constant 1 : i32
        %add3A_582 = arith.addi %mul3A_580, %add3A_581 : i32
        %get3A_583 = arith.constant 1 : i32
        %get3A_584 = arith.index_cast %get3A_583 : i32 to index
        %get3A_585 = arith.index_cast %add3A_582 : i32 to index
        %get3A_586 = arith.constant 144 : index
        %get3A_587 = tpu.vector_load %arg8[%get3A_584, %get3A_585, %get3A_586] {strides = array<i32>} : memref<2x96x256xf32, #tpu.memory_space<vmem>>, vector<1x1x16xf32>,
        %get3A_588 = vector.shape_cast %get3A_587 : vector<1x1x16xf32> to vector<16xf32>
        %mul3A_589 = vector.broadcast %squeeze3A_160 : f32 to vector<16xf32>
        %mul3A_590 = arith.mulf %get3A_588, %mul3A_589 : vector<16xf32>
        %add3A_591 = arith.addf %mul3A_578, %mul3A_590 : vector<16xf32>
        %mul3A_592 = arith.constant 3 : i32
        %mul3A_593 = arith.muli %scan3A_151, %mul3A_592 : i32
        %add3A_594 = arith.constant 2 : i32
        %add3A_595 = arith.addi %mul3A_593, %add3A_594 : i32
        %get3A_596 = arith.constant 1 : i32
        %get3A_597 = arith.index_cast %get3A_596 : i32 to index
        %get3A_598 = arith.index_cast %add3A_595 : i32 to index
        %get3A_599 = arith.constant 144 : index
        %get3A_600 = tpu.vector_load %arg8[%get3A_597, %get3A_598, %get3A_599] {strides = array<i32>} : memref<2x96x256xf32, #tpu.memory_space<vmem>>, vector<1x1x16xf32>,
        %get3A_601 = vector.shape_cast %get3A_600 : vector<1x1x16xf32> to vector<16xf32>
        %mul3A_602 = vector.broadcast %squeeze3A_162 : f32 to vector<16xf32>
        %mul3A_603 = arith.mulf %get3A_601, %mul3A_602 : vector<16xf32>
        %add3A_604 = arith.addf %add3A_591, %mul3A_603 : vector<16xf32>
        %swap3A_605 = arith.constant 1 : i32
        %swap3A_606 = arith.index_cast %swap3A_605 : i32 to index
        %swap3A_607 = arith.index_cast %scan3A_151 : i32 to index
        %swap3A_608 = arith.constant 144 : index
        %swap3A_609 = tpu.vector_load %arg9[%swap3A_606, %swap3A_607, %swap3A_608] {strides = array<i32>} : memref<2x32x256xf32, #tpu.memory_space<vmem>>, vector<1x1x16xf32>,
        %swap3A_610 = vector.shape_cast %swap3A_609 : vector<1x1x16xf32> to vector<16xf32>
        %swap3A_611 = vector.shape_cast %add3A_604 : vector<16xf32> to vector<1x1x16xf32>
        tpu.vector_store %arg9[%swap3A_606, %swap3A_607, %swap3A_608], %swap3A_611 {strides = array<i32>} : memref<2x32x256xf32, #tpu.memory_space<vmem>>, vector<1x1x16xf32>,
        %mul3A_612 = arith.constant 3 : i32
        %mul3A_613 = arith.muli %scan3A_151, %mul3A_612 : i32
        %add3A_614 = arith.constant 0 : i32
        %add3A_615 = arith.addi %mul3A_613, %add3A_614 : i32
        %get3A_616 = arith.constant 1 : i32
        %get3A_617 = arith.index_cast %get3A_616 : i32 to index
        %get3A_618 = arith.index_cast %add3A_615 : i32 to index
        %get3A_619 = arith.constant 160 : index
        %get3A_620 = tpu.vector_load %arg8[%get3A_617, %get3A_618, %get3A_619] {strides = array<i32>} : memref<2x96x256xf32, #tpu.memory_space<vmem>>, vector<1x1x16xf32>,
        %get3A_621 = vector.shape_cast %get3A_620 : vector<1x1x16xf32> to vector<16xf32>
        %mul3A_622 = vector.broadcast %squeeze3A : f32 to vector<16xf32>
        %mul3A_623 = arith.mulf %get3A_621, %mul3A_622 : vector<16xf32>
        %mul3A_624 = arith.constant 3 : i32
        %mul3A_625 = arith.muli %scan3A_151, %mul3A_624 : i32
        %add3A_626 = arith.constant 1 : i32
        %add3A_627 = arith.addi %mul3A_625, %add3A_626 : i32
        %get3A_628 = arith.constant 1 : i32
        %get3A_629 = arith.index_cast %get3A_628 : i32 to index
        %get3A_630 = arith.index_cast %add3A_627 : i32 to index
        %get3A_631 = arith.constant 160 : index
        %get3A_632 = tpu.vector_load %arg8[%get3A_629, %get3A_630, %get3A_631] {strides = array<i32>} : memref<2x96x256xf32, #tpu.memory_space<vmem>>, vector<1x1x16xf32>,
        %get3A_633 = vector.shape_cast %get3A_632 : vector<1x1x16xf32> to vector<16xf32>
        %mul3A_634 = vector.broadcast %squeeze3A_160 : f32 to vector<16xf32>
        %mul3A_635 = arith.mulf %get3A_633, %mul3A_634 : vector<16xf32>
        %add3A_636 = arith.addf %mul3A_623, %mul3A_635 : vector<16xf32>
        %mul3A_637 = arith.constant 3 : i32
        %mul3A_638 = arith.muli %scan3A_151, %mul3A_637 : i32
        %add3A_639 = arith.constant 2 : i32
        %add3A_640 = arith.addi %mul3A_638, %add3A_639 : i32
        %get3A_641 = arith.constant 1 : i32
        %get3A_642 = arith.index_cast %get3A_641 : i32 to index
        %get3A_643 = arith.index_cast %add3A_640 : i32 to index
        %get3A_644 = arith.constant 160 : index
        %get3A_645 = tpu.vector_load %arg8[%get3A_642, %get3A_643, %get3A_644] {strides = array<i32>} : memref<2x96x256xf32, #tpu.memory_space<vmem>>, vector<1x1x16xf32>,
        %get3A_646 = vector.shape_cast %get3A_645 : vector<1x1x16xf32> to vector<16xf32>
        %mul3A_647 = vector.broadcast %squeeze3A_162 : f32 to vector<16xf32>
        %mul3A_648 = arith.mulf %get3A_646, %mul3A_647 : vector<16xf32>
        %add3A_649 = arith.addf %add3A_636, %mul3A_648 : vector<16xf32>
        %swap3A_650 = arith.constant 1 : i32
        %swap3A_651 = arith.index_cast %swap3A_650 : i32 to index
        %swap3A_652 = arith.index_cast %scan3A_151 : i32 to index
        %swap3A_653 = arith.constant 160 : index
        %swap3A_654 = tpu.vector_load %arg9[%swap3A_651, %swap3A_652, %swap3A_653] {strides = array<i32>} : memref<2x32x256xf32, #tpu.memory_space<vmem>>, vector<1x1x16xf32>,
        %swap3A_655 = vector.shape_cast %swap3A_654 : vector<1x1x16xf32> to vector<16xf32>
        %swap3A_656 = vector.shape_cast %add3A_649 : vector<16xf32> to vector<1x1x16xf32>
        tpu.vector_store %arg9[%swap3A_651, %swap3A_652, %swap3A_653], %swap3A_656 {strides = array<i32>} : memref<2x32x256xf32, #tpu.memory_space<vmem>>, vector<1x1x16xf32>,
        %mul3A_657 = arith.constant 3 : i32
        %mul3A_658 = arith.muli %scan3A_151, %mul3A_657 : i32
        %add3A_659 = arith.constant 0 : i32
        %add3A_660 = arith.addi %mul3A_658, %add3A_659 : i32
        %get3A_661 = arith.constant 1 : i32
        %get3A_662 = arith.index_cast %get3A_661 : i32 to index
        %get3A_663 = arith.index_cast %add3A_660 : i32 to index
        %get3A_664 = arith.constant 176 : index
        %get3A_665 = tpu.vector_load %arg8[%get3A_662, %get3A_663, %get3A_664] {strides = array<i32>} : memref<2x96x256xf32, #tpu.memory_space<vmem>>, vector<1x1x16xf32>,
        %get3A_666 = vector.shape_cast %get3A_665 : vector<1x1x16xf32> to vector<16xf32>
        %mul3A_667 = vector.broadcast %squeeze3A : f32 to vector<16xf32>
        %mul3A_668 = arith.mulf %get3A_666, %mul3A_667 : vector<16xf32>
        %mul3A_669 = arith.constant 3 : i32
        %mul3A_670 = arith.muli %scan3A_151, %mul3A_669 : i32
        %add3A_671 = arith.constant 1 : i32
        %add3A_672 = arith.addi %mul3A_670, %add3A_671 : i32
        %get3A_673 = arith.constant 1 : i32
        %get3A_674 = arith.index_cast %get3A_673 : i32 to index
        %get3A_675 = arith.index_cast %add3A_672 : i32 to index
        %get3A_676 = arith.constant 176 : index
        %get3A_677 = tpu.vector_load %arg8[%get3A_674, %get3A_675, %get3A_676] {strides = array<i32>} : memref<2x96x256xf32, #tpu.memory_space<vmem>>, vector<1x1x16xf32>,
        %get3A_678 = vector.shape_cast %get3A_677 : vector<1x1x16xf32> to vector<16xf32>
        %mul3A_679 = vector.broadcast %squeeze3A_160 : f32 to vector<16xf32>
        %mul3A_680 = arith.mulf %get3A_678, %mul3A_679 : vector<16xf32>
        %add3A_681 = arith.addf %mul3A_668, %mul3A_680 : vector<16xf32>
        %mul3A_682 = arith.constant 3 : i32
        %mul3A_683 = arith.muli %scan3A_151, %mul3A_682 : i32
        %add3A_684 = arith.constant 2 : i32
        %add3A_685 = arith.addi %mul3A_683, %add3A_684 : i32
        %get3A_686 = arith.constant 1 : i32
        %get3A_687 = arith.index_cast %get3A_686 : i32 to index
        %get3A_688 = arith.index_cast %add3A_685 : i32 to index
        %get3A_689 = arith.constant 176 : index
        %get3A_690 = tpu.vector_load %arg8[%get3A_687, %get3A_688, %get3A_689] {strides = array<i32>} : memref<2x96x256xf32, #tpu.memory_space<vmem>>, vector<1x1x16xf32>,
        %get3A_691 = vector.shape_cast %get3A_690 : vector<1x1x16xf32> to vector<16xf32>
        %mul3A_692 = vector.broadcast %squeeze3A_162 : f32 to vector<16xf32>
        %mul3A_693 = arith.mulf %get3A_691, %mul3A_692 : vector<16xf32>
        %add3A_694 = arith.addf %add3A_681, %mul3A_693 : vector<16xf32>
        %swap3A_695 = arith.constant 1 : i32
        %swap3A_696 = arith.index_cast %swap3A_695 : i32 to index
        %swap3A_697 = arith.index_cast %scan3A_151 : i32 to index
        %swap3A_698 = arith.constant 176 : index
        %swap3A_699 = tpu.vector_load %arg9[%swap3A_696, %swap3A_697, %swap3A_698] {strides = array<i32>} : memref<2x32x256xf32, #tpu.memory_space<vmem>>, vector<1x1x16xf32>,
        %swap3A_700 = vector.shape_cast %swap3A_699 : vector<1x1x16xf32> to vector<16xf32>
        %swap3A_701 = vector.shape_cast %add3A_694 : vector<16xf32> to vector<1x1x16xf32>
        tpu.vector_store %arg9[%swap3A_696, %swap3A_697, %swap3A_698], %swap3A_701 {strides = array<i32>} : memref<2x32x256xf32, #tpu.memory_space<vmem>>, vector<1x1x16xf32>,
        %mul3A_702 = arith.constant 3 : i32
        %mul3A_703 = arith.muli %scan3A_151, %mul3A_702 : i32
        %add3A_704 = arith.constant 0 : i32
        %add3A_705 = arith.addi %mul3A_703, %add3A_704 : i32
        %get3A_706 = arith.constant 1 : i32
        %get3A_707 = arith.index_cast %get3A_706 : i32 to index
        %get3A_708 = arith.index_cast %add3A_705 : i32 to index
        %get3A_709 = arith.constant 192 : index
        %get3A_710 = tpu.vector_load %arg8[%get3A_707, %get3A_708, %get3A_709] {strides = array<i32>} : memref<2x96x256xf32, #tpu.memory_space<vmem>>, vector<1x1x16xf32>,
        %get3A_711 = vector.shape_cast %get3A_710 : vector<1x1x16xf32> to vector<16xf32>
        %mul3A_712 = vector.broadcast %squeeze3A : f32 to vector<16xf32>
        %mul3A_713 = arith.mulf %get3A_711, %mul3A_712 : vector<16xf32>
        %mul3A_714 = arith.constant 3 : i32
        %mul3A_715 = arith.muli %scan3A_151, %mul3A_714 : i32
        %add3A_716 = arith.constant 1 : i32
        %add3A_717 = arith.addi %mul3A_715, %add3A_716 : i32
        %get3A_718 = arith.constant 1 : i32
        %get3A_719 = arith.index_cast %get3A_718 : i32 to index
        %get3A_720 = arith.index_cast %add3A_717 : i32 to index
        %get3A_721 = arith.constant 192 : index
        %get3A_722 = tpu.vector_load %arg8[%get3A_719, %get3A_720, %get3A_721] {strides = array<i32>} : memref<2x96x256xf32, #tpu.memory_space<vmem>>, vector<1x1x16xf32>,
        %get3A_723 = vector.shape_cast %get3A_722 : vector<1x1x16xf32> to vector<16xf32>
        %mul3A_724 = vector.broadcast %squeeze3A_160 : f32 to vector<16xf32>
        %mul3A_725 = arith.mulf %get3A_723, %mul3A_724 : vector<16xf32>
        %add3A_726 = arith.addf %mul3A_713, %mul3A_725 : vector<16xf32>
        %mul3A_727 = arith.constant 3 : i32
        %mul3A_728 = arith.muli %scan3A_151, %mul3A_727 : i32
        %add3A_729 = arith.constant 2 : i32
        %add3A_730 = arith.addi %mul3A_728, %add3A_729 : i32
        %get3A_731 = arith.constant 1 : i32
        %get3A_732 = arith.index_cast %get3A_731 : i32 to index
        %get3A_733 = arith.index_cast %add3A_730 : i32 to index
        %get3A_734 = arith.constant 192 : index
        %get3A_735 = tpu.vector_load %arg8[%get3A_732, %get3A_733, %get3A_734] {strides = array<i32>} : memref<2x96x256xf32, #tpu.memory_space<vmem>>, vector<1x1x16xf32>,
        %get3A_736 = vector.shape_cast %get3A_735 : vector<1x1x16xf32> to vector<16xf32>
        %mul3A_737 = vector.broadcast %squeeze3A_162 : f32 to vector<16xf32>
        %mul3A_738 = arith.mulf %get3A_736, %mul3A_737 : vector<16xf32>
        %add3A_739 = arith.addf %add3A_726, %mul3A_738 : vector<16xf32>
        %swap3A_740 = arith.constant 1 : i32
        %swap3A_741 = arith.index_cast %swap3A_740 : i32 to index
        %swap3A_742 = arith.index_cast %scan3A_151 : i32 to index
        %swap3A_743 = arith.constant 192 : index
        %swap3A_744 = tpu.vector_load %arg9[%swap3A_741, %swap3A_742, %swap3A_743] {strides = array<i32>} : memref<2x32x256xf32, #tpu.memory_space<vmem>>, vector<1x1x16xf32>,
        %swap3A_745 = vector.shape_cast %swap3A_744 : vector<1x1x16xf32> to vector<16xf32>
        %swap3A_746 = vector.shape_cast %add3A_739 : vector<16xf32> to vector<1x1x16xf32>
        tpu.vector_store %arg9[%swap3A_741, %swap3A_742, %swap3A_743], %swap3A_746 {strides = array<i32>} : memref<2x32x256xf32, #tpu.memory_space<vmem>>, vector<1x1x16xf32>,
        %mul3A_747 = arith.constant 3 : i32
        %mul3A_748 = arith.muli %scan3A_151, %mul3A_747 : i32
        %add3A_749 = arith.constant 0 : i32
        %add3A_750 = arith.addi %mul3A_748, %add3A_749 : i32
        %get3A_751 = arith.constant 1 : i32
        %get3A_752 = arith.index_cast %get3A_751 : i32 to index
        %get3A_753 = arith.index_cast %add3A_750 : i32 to index
        %get3A_754 = arith.constant 208 : index
        %get3A_755 = tpu.vector_load %arg8[%get3A_752, %get3A_753, %get3A_754] {strides = array<i32>} : memref<2x96x256xf32, #tpu.memory_space<vmem>>, vector<1x1x16xf32>,
        %get3A_756 = vector.shape_cast %get3A_755 : vector<1x1x16xf32> to vector<16xf32>
        %mul3A_757 = vector.broadcast %squeeze3A : f32 to vector<16xf32>
        %mul3A_758 = arith.mulf %get3A_756, %mul3A_757 : vector<16xf32>
        %mul3A_759 = arith.constant 3 : i32
        %mul3A_760 = arith.muli %scan3A_151, %mul3A_759 : i32
        %add3A_761 = arith.constant 1 : i32
        %add3A_762 = arith.addi %mul3A_760, %add3A_761 : i32
        %get3A_763 = arith.constant 1 : i32
        %get3A_764 = arith.index_cast %get3A_763 : i32 to index
        %get3A_765 = arith.index_cast %add3A_762 : i32 to index
        %get3A_766 = arith.constant 208 : index
        %get3A_767 = tpu.vector_load %arg8[%get3A_764, %get3A_765, %get3A_766] {strides = array<i32>} : memref<2x96x256xf32, #tpu.memory_space<vmem>>, vector<1x1x16xf32>,
        %get3A_768 = vector.shape_cast %get3A_767 : vector<1x1x16xf32> to vector<16xf32>
        %mul3A_769 = vector.broadcast %squeeze3A_160 : f32 to vector<16xf32>
        %mul3A_770 = arith.mulf %get3A_768, %mul3A_769 : vector<16xf32>
        %add3A_771 = arith.addf %mul3A_758, %mul3A_770 : vector<16xf32>
        %mul3A_772 = arith.constant 3 : i32
        %mul3A_773 = arith.muli %scan3A_151, %mul3A_772 : i32
        %add3A_774 = arith.constant 2 : i32
        %add3A_775 = arith.addi %mul3A_773, %add3A_774 : i32
        %get3A_776 = arith.constant 1 : i32
        %get3A_777 = arith.index_cast %get3A_776 : i32 to index
        %get3A_778 = arith.index_cast %add3A_775 : i32 to index
        %get3A_779 = arith.constant 208 : index
        %get3A_780 = tpu.vector_load %arg8[%get3A_777, %get3A_778, %get3A_779] {strides = array<i32>} : memref<2x96x256xf32, #tpu.memory_space<vmem>>, vector<1x1x16xf32>,
        %get3A_781 = vector.shape_cast %get3A_780 : vector<1x1x16xf32> to vector<16xf32>
        %mul3A_782 = vector.broadcast %squeeze3A_162 : f32 to vector<16xf32>
        %mul3A_783 = arith.mulf %get3A_781, %mul3A_782 : vector<16xf32>
        %add3A_784 = arith.addf %add3A_771, %mul3A_783 : vector<16xf32>
        %swap3A_785 = arith.constant 1 : i32
        %swap3A_786 = arith.index_cast %swap3A_785 : i32 to index
        %swap3A_787 = arith.index_cast %scan3A_151 : i32 to index
        %swap3A_788 = arith.constant 208 : index
        %swap3A_789 = tpu.vector_load %arg9[%swap3A_786, %swap3A_787, %swap3A_788] {strides = array<i32>} : memref<2x32x256xf32, #tpu.memory_space<vmem>>, vector<1x1x16xf32>,
        %swap3A_790 = vector.shape_cast %swap3A_789 : vector<1x1x16xf32> to vector<16xf32>
        %swap3A_791 = vector.shape_cast %add3A_784 : vector<16xf32> to vector<1x1x16xf32>
        tpu.vector_store %arg9[%swap3A_786, %swap3A_787, %swap3A_788], %swap3A_791 {strides = array<i32>} : memref<2x32x256xf32, #tpu.memory_space<vmem>>, vector<1x1x16xf32>,
        %mul3A_792 = arith.constant 3 : i32
        %mul3A_793 = arith.muli %scan3A_151, %mul3A_792 : i32
        %add3A_794 = arith.constant 0 : i32
        %add3A_795 = arith.addi %mul3A_793, %add3A_794 : i32
        %get3A_796 = arith.constant 1 : i32
        %get3A_797 = arith.index_cast %get3A_796 : i32 to index
        %get3A_798 = arith.index_cast %add3A_795 : i32 to index
        %get3A_799 = arith.constant 224 : index
        %get3A_800 = tpu.vector_load %arg8[%get3A_797, %get3A_798, %get3A_799] {strides = array<i32>} : memref<2x96x256xf32, #tpu.memory_space<vmem>>, vector<1x1x16xf32>,
        %get3A_801 = vector.shape_cast %get3A_800 : vector<1x1x16xf32> to vector<16xf32>
        %mul3A_802 = vector.broadcast %squeeze3A : f32 to vector<16xf32>
        %mul3A_803 = arith.mulf %get3A_801, %mul3A_802 : vector<16xf32>
        %mul3A_804 = arith.constant 3 : i32
        %mul3A_805 = arith.muli %scan3A_151, %mul3A_804 : i32
        %add3A_806 = arith.constant 1 : i32
        %add3A_807 = arith.addi %mul3A_805, %add3A_806 : i32
        %get3A_808 = arith.constant 1 : i32
        %get3A_809 = arith.index_cast %get3A_808 : i32 to index
        %get3A_810 = arith.index_cast %add3A_807 : i32 to index
        %get3A_811 = arith.constant 224 : index
        %get3A_812 = tpu.vector_load %arg8[%get3A_809, %get3A_810, %get3A_811] {strides = array<i32>} : memref<2x96x256xf32, #tpu.memory_space<vmem>>, vector<1x1x16xf32>,
        %get3A_813 = vector.shape_cast %get3A_812 : vector<1x1x16xf32> to vector<16xf32>
        %mul3A_814 = vector.broadcast %squeeze3A_160 : f32 to vector<16xf32>
        %mul3A_815 = arith.mulf %get3A_813, %mul3A_814 : vector<16xf32>
        %add3A_816 = arith.addf %mul3A_803, %mul3A_815 : vector<16xf32>
        %mul3A_817 = arith.constant 3 : i32
        %mul3A_818 = arith.muli %scan3A_151, %mul3A_817 : i32
        %add3A_819 = arith.constant 2 : i32
        %add3A_820 = arith.addi %mul3A_818, %add3A_819 : i32
        %get3A_821 = arith.constant 1 : i32
        %get3A_822 = arith.index_cast %get3A_821 : i32 to index
        %get3A_823 = arith.index_cast %add3A_820 : i32 to index
        %get3A_824 = arith.constant 224 : index
        %get3A_825 = tpu.vector_load %arg8[%get3A_822, %get3A_823, %get3A_824] {strides = array<i32>} : memref<2x96x256xf32, #tpu.memory_space<vmem>>, vector<1x1x16xf32>,
        %get3A_826 = vector.shape_cast %get3A_825 : vector<1x1x16xf32> to vector<16xf32>
        %mul3A_827 = vector.broadcast %squeeze3A_162 : f32 to vector<16xf32>
        %mul3A_828 = arith.mulf %get3A_826, %mul3A_827 : vector<16xf32>
        %add3A_829 = arith.addf %add3A_816, %mul3A_828 : vector<16xf32>
        %swap3A_830 = arith.constant 1 : i32
        %swap3A_831 = arith.index_cast %swap3A_830 : i32 to index
        %swap3A_832 = arith.index_cast %scan3A_151 : i32 to index
        %swap3A_833 = arith.constant 224 : index
        %swap3A_834 = tpu.vector_load %arg9[%swap3A_831, %swap3A_832, %swap3A_833] {strides = array<i32>} : memref<2x32x256xf32, #tpu.memory_space<vmem>>, vector<1x1x16xf32>,
        %swap3A_835 = vector.shape_cast %swap3A_834 : vector<1x1x16xf32> to vector<16xf32>
        %swap3A_836 = vector.shape_cast %add3A_829 : vector<16xf32> to vector<1x1x16xf32>
        tpu.vector_store %arg9[%swap3A_831, %swap3A_832, %swap3A_833], %swap3A_836 {strides = array<i32>} : memref<2x32x256xf32, #tpu.memory_space<vmem>>, vector<1x1x16xf32>,
        %mul3A_837 = arith.constant 3 : i32
        %mul3A_838 = arith.muli %scan3A_151, %mul3A_837 : i32
        %add3A_839 = arith.constant 0 : i32
        %add3A_840 = arith.addi %mul3A_838, %add3A_839 : i32
        %get3A_841 = arith.constant 1 : i32
        %get3A_842 = arith.index_cast %get3A_841 : i32 to index
        %get3A_843 = arith.index_cast %add3A_840 : i32 to index
        %get3A_844 = arith.constant 240 : index
        %get3A_845 = tpu.vector_load %arg8[%get3A_842, %get3A_843, %get3A_844] {strides = array<i32>} : memref<2x96x256xf32, #tpu.memory_space<vmem>>, vector<1x1x16xf32>,
        %get3A_846 = vector.shape_cast %get3A_845 : vector<1x1x16xf32> to vector<16xf32>
        %mul3A_847 = vector.broadcast %squeeze3A : f32 to vector<16xf32>
        %mul3A_848 = arith.mulf %get3A_846, %mul3A_847 : vector<16xf32>
        %mul3A_849 = arith.constant 3 : i32
        %mul3A_850 = arith.muli %scan3A_151, %mul3A_849 : i32
        %add3A_851 = arith.constant 1 : i32
        %add3A_852 = arith.addi %mul3A_850, %add3A_851 : i32
        %get3A_853 = arith.constant 1 : i32
        %get3A_854 = arith.index_cast %get3A_853 : i32 to index
        %get3A_855 = arith.index_cast %add3A_852 : i32 to index
        %get3A_856 = arith.constant 240 : index
        %get3A_857 = tpu.vector_load %arg8[%get3A_854, %get3A_855, %get3A_856] {strides = array<i32>} : memref<2x96x256xf32, #tpu.memory_space<vmem>>, vector<1x1x16xf32>,
        %get3A_858 = vector.shape_cast %get3A_857 : vector<1x1x16xf32> to vector<16xf32>
        %mul3A_859 = vector.broadcast %squeeze3A_160 : f32 to vector<16xf32>
        %mul3A_860 = arith.mulf %get3A_858, %mul3A_859 : vector<16xf32>
        %add3A_861 = arith.addf %mul3A_848, %mul3A_860 : vector<16xf32>
        %mul3A_862 = arith.constant 3 : i32
        %mul3A_863 = arith.muli %scan3A_151, %mul3A_862 : i32
        %add3A_864 = arith.constant 2 : i32
        %add3A_865 = arith.addi %mul3A_863, %add3A_864 : i32
        %get3A_866 = arith.constant 1 : i32
        %get3A_867 = arith.index_cast %get3A_866 : i32 to index
        %get3A_868 = arith.index_cast %add3A_865 : i32 to index
        %get3A_869 = arith.constant 240 : index
        %get3A_870 = tpu.vector_load %arg8[%get3A_867, %get3A_868, %get3A_869] {strides = array<i32>} : memref<2x96x256xf32, #tpu.memory_space<vmem>>, vector<1x1x16xf32>,
        %get3A_871 = vector.shape_cast %get3A_870 : vector<1x1x16xf32> to vector<16xf32>
        %mul3A_872 = vector.broadcast %squeeze3A_162 : f32 to vector<16xf32>
        %mul3A_873 = arith.mulf %get3A_871, %mul3A_872 : vector<16xf32>
        %add3A_874 = arith.addf %add3A_861, %mul3A_873 : vector<16xf32>
        %swap3A_875 = arith.constant 1 : i32
        %swap3A_876 = arith.index_cast %swap3A_875 : i32 to index
        %swap3A_877 = arith.index_cast %scan3A_151 : i32 to index
        %swap3A_878 = arith.constant 240 : index
        %swap3A_879 = tpu.vector_load %arg9[%swap3A_876, %swap3A_877, %swap3A_878] {strides = array<i32>} : memref<2x32x256xf32, #tpu.memory_space<vmem>>, vector<1x1x16xf32>,
        %swap3A_880 = vector.shape_cast %swap3A_879 : vector<1x1x16xf32> to vector<16xf32>
        %swap3A_881 = vector.shape_cast %add3A_874 : vector<16xf32> to vector<1x1x16xf32>
        tpu.vector_store %arg9[%swap3A_876, %swap3A_877, %swap3A_878], %swap3A_881 {strides = array<i32>} : memref<2x32x256xf32, #tpu.memory_space<vmem>>, vector<1x1x16xf32>,
      }
      %scan3A_134 = arith.constant 32 : i32
      %mul3A_135 = arith.constant 32 : i32
      %mul3A_136 = arith.muli %add3A_101, %mul3A_135 : i32
      %add3A_137 = arith.addi %mul3A_2, %mul3A_136 : i32
      %dma_start3A_138 = arith.constant 1 : i32
      %dma_start3A_139 = arith.constant 0 : i32
      %dma_start3A_140 = arith.constant 0 : i32
      %dma_start3A_141 = tpu.memref_slice %arg9[%dma_start3A_138, %dma_start3A_139, %dma_start3A_140] : memref<2x32x256xf32, #tpu.memory_space<vmem>> -> memref<1x32x256xf32, #tpu.memory_space<vmem>>
      %dma_start3A_142 = tpu.memref_squeeze %dma_start3A_141 : memref<1x32x256xf32, #tpu.memory_space<vmem>> -> memref<32x256xf32, #tpu.memory_space<vmem>>
      %dma_start3A_143 = arith.constant 0 : i32
      %dma_start3A_144 = tpu.memref_slice %arg5[%add3A_137, %dma_start3A_143] : memref<16384x256xf32, #tpu.memory_space<hbm>> -> memref<32x256xf32, #tpu.memory_space<hbm>>
      %dma_start3A_145 = arith.constant 0 : i32
      %dma_start3A_146 = tpu.memref_slice %arg5[%add3A_137, %dma_start3A_145] : memref<16384x256xf32, #tpu.memory_space<hbm>> -> memref<32x256xf32, #tpu.memory_space<hbm>>
      %dma_start3A_147 = arith.constant 0 : i32
      %dma_start3A_148 = arith.constant 0 : i32
      %dma_start3A_149 = tpu.memref_slice %arg9[%dma_start3A_138, %dma_start3A_147, %dma_start3A_148] : memref<2x32x256xf32, #tpu.memory_space<vmem>> -> memref<1x32x256xf32, #tpu.memory_space<vmem>>
      %dma_start3A_150 = tpu.memref_squeeze %dma_start3A_149 : memref<1x32x256xf32, #tpu.memory_space<vmem>> -> memref<32x256xf32, #tpu.memory_space<vmem>>
      tpu.enqueue_dma source(%dma_start3A_150 : memref<32x256xf32, #tpu.memory_space<vmem>>) target(%dma_start3A_146 : memref<32x256xf32, #tpu.memory_space<hbm>>) target_semaphore(%arg13 : memref<!tpu.dma_semaphore, #tpu.memory_space<semaphore_mem>>)
    }
    %scan3A_18 = arith.constant 8 : i32
    %dma_wait3A = arith.constant 0 : i32
    %dma_wait3A_19 = arith.constant 0 : i32
    %dma_wait3A_20 = arith.constant 0 : i32
    %dma_wait3A_21 = tpu.memref_slice %arg9[%dma_wait3A, %dma_wait3A_19, %dma_wait3A_20] : memref<2x32x256xf32, #tpu.memory_space<vmem>> -> memref<1x32x256xf32, #tpu.memory_space<vmem>>
    %dma_wait3A_22 = tpu.memref_squeeze %dma_wait3A_21 : memref<1x32x256xf32, #tpu.memory_space<vmem>> -> memref<32x256xf32, #tpu.memory_space<vmem>>
    %dma_wait3A_23 = arith.constant 0 : i32
    %dma_wait3A_24 = arith.constant 0 : i32
    %dma_wait3A_25 = tpu.memref_slice %arg5[%dma_wait3A_23, %dma_wait3A_24] : memref<16384x256xf32, #tpu.memory_space<hbm>> -> memref<32x256xf32, #tpu.memory_space<hbm>>
    %dma_wait3A_26 = arith.constant 0 : i32
    %dma_wait3A_27 = arith.constant 0 : i32
    %dma_wait3A_28 = tpu.memref_slice %arg5[%dma_wait3A_26, %dma_wait3A_27] : memref<16384x256xf32, #tpu.memory_space<hbm>> -> memref<32x256xf32, #tpu.memory_space<hbm>>
    %dma_wait3A_29 = arith.constant 0 : i32
    %dma_wait3A_30 = arith.constant 0 : i32
    %dma_wait3A_31 = tpu.memref_slice %arg9[%dma_wait3A, %dma_wait3A_29, %dma_wait3A_30] : memref<2x32x256xf32, #tpu.memory_space<vmem>> -> memref<1x32x256xf32, #tpu.memory_space<vmem>>
    %dma_wait3A_32 = tpu.memref_squeeze %dma_wait3A_31 : memref<1x32x256xf32, #tpu.memory_space<vmem>> -> memref<32x256xf32, #tpu.memory_space<vmem>>
    tpu.wait_dma2 semaphore(%arg12 : memref<!tpu.dma_semaphore, #tpu.memory_space<semaphore_mem>>) src(%dma_wait3A_32 : memref<32x256xf32, #tpu.memory_space<vmem>>) dst(%dma_wait3A_28 : memref<32x256xf32, #tpu.memory_space<hbm>>)
    %dma_wait3A_33 = arith.constant 1 : i32
    %dma_wait3A_34 = arith.constant 0 : i32
    %dma_wait3A_35 = arith.constant 0 : i32
    %dma_wait3A_36 = tpu.memref_slice %arg9[%dma_wait3A_33, %dma_wait3A_34, %dma_wait3A_35] : memref<2x32x256xf32, #tpu.memory_space<vmem>> -> memref<1x32x256xf32, #tpu.memory_space<vmem>>
    %dma_wait3A_37 = tpu.memref_squeeze %dma_wait3A_36 : memref<1x32x256xf32, #tpu.memory_space<vmem>> -> memref<32x256xf32, #tpu.memory_space<vmem>>
    %dma_wait3A_38 = arith.constant 0 : i32
    %dma_wait3A_39 = arith.constant 0 : i32
    %dma_wait3A_40 = tpu.memref_slice %arg5[%dma_wait3A_38, %dma_wait3A_39] : memref<16384x256xf32, #tpu.memory_space<hbm>> -> memref<32x256xf32, #tpu.memory_space<hbm>>
    %dma_wait3A_41 = arith.constant 0 : i32
    %dma_wait3A_42 = arith.constant 0 : i32
    %dma_wait3A_43 = tpu.memref_slice %arg5[%dma_wait3A_41, %dma_wait3A_42] : memref<16384x256xf32, #tpu.memory_space<hbm>> -> memref<32x256xf32, #tpu.memory_space<hbm>>
    %dma_wait3A_44 = arith.constant 0 : i32
    %dma_wait3A_45 = arith.constant 0 : i32
    %dma_wait3A_46 = tpu.memref_slice %arg9[%dma_wait3A_33, %dma_wait3A_44, %dma_wait3A_45] : memref<2x32x256xf32, #tpu.memory_space<vmem>> -> memref<1x32x256xf32, #tpu.memory_space<vmem>>
    %dma_wait3A_47 = tpu.memref_squeeze %dma_wait3A_46 : memref<1x32x256xf32, #tpu.memory_space<vmem>> -> memref<32x256xf32, #tpu.memory_space<vmem>>
    tpu.wait_dma2 semaphore(%arg13 : memref<!tpu.dma_semaphore, #tpu.memory_space<semaphore_mem>>) src(%dma_wait3A_47 : memref<32x256xf32, #tpu.memory_space<vmem>>) dst(%dma_wait3A_43 : memref<32x256xf32, #tpu.memory_space<hbm>>)
    return
  }
}

module attributes {stable_mosaic.version = 14 : i64} {
  func.func @_top3_body(%arg0: i32, %arg1: i32, %arg2: memref<1x3x8192xf32, #tpu.memory_space<vmem>>, %arg3: memref<1x512x3xf32, #tpu.memory_space<vmem>>, %arg4: memref<1x512x8xi32, #tpu.memory_space<vmem>>, %arg5: memref<1x512x8xf32, #tpu.memory_space<vmem>>) attributes {dimension_semantics = [#tpu.dimension_semantics<arbitrary>, #tpu.dimension_semantics<arbitrary>], iteration_bounds = array<i64: 8, 4>, scalar_prefetch = 0 : i64, scratch_operands = 0 : i64, tpu.core_type = #tpu.core_type<tc>, window_params = [{transform_indices = @transform_0, window_bounds = array<i64: 1, 3, 8192>}, {transform_indices = @transform_1, window_bounds = array<i64: 1, 512, 3>}, {transform_indices = @transform_2, window_bounds = array<i64: 1, 512, 8>}, {transform_indices = @transform_3, window_bounds = array<i64: 1, 512, 8>}]} {
    %get3A = arith.constant 0 : index
    %get3A_0 = arith.constant 0 : index
    %get3A_1 = arith.constant 0 : index
    %get3A_2 = vector.load %arg2[%get3A, %get3A_0, %get3A_1] : memref<1x3x8192xf32, #tpu.memory_space<vmem>>, vector<1x3x8192xf32>
    %get3A_3 = vector.shape_cast %get3A_2 : vector<1x3x8192xf32> to vector<3x8192xf32>
    %get3A_4 = arith.constant 0 : index
    %get3A_5 = arith.constant 0 : index
    %get3A_6 = arith.constant 0 : index
    %get3A_7 = vector.load %arg3[%get3A_4, %get3A_5, %get3A_6] : memref<1x512x3xf32, #tpu.memory_space<vmem>>, vector<1x512x3xf32>
    %get3A_8 = vector.shape_cast %get3A_7 : vector<1x512x3xf32> to vector<512x3xf32>
    %mul3A = arith.mulf %get3A_8, %get3A_8 : vector<512x3xf32>
    %reduce_sum3A = arith.constant dense<0.000000e+00> : vector<512xf32>
    %reduce_sum3A_9 = vector.multi_reduction <add>, %mul3A, %reduce_sum3A [1] : vector<512x3xf32> to vector<512xf32>
    %broadcast_in_dim3A = vector.shape_cast %reduce_sum3A_9 : vector<512xf32> to vector<512x1xf32>
    %iota3A = tpu.iota {dimensions = array<i32: 1>} : vector<512x8192xi32>
    %convert_element_type3A = arith.sitofp %iota3A : vector<512x8192xi32> to vector<512x8192xf32>
    %dot_general3A = arith.constant dense<0.000000e+00> : vector<512x8192xf32>
    %dot_general3A_10 = tpu.matmul %get3A_8, %get3A_3, %dot_general3A {dimension_numbers = #tpu.dot_dimension_numbers<[1], [0], [0], [1], [0, 0, 1, 1], [], []>, transpose_lhs_hint = false} : vector<512x3xf32>, vector<3x8192xf32>, vector<512x8192xf32> -> vector<512x8192xf32>
    %mul3A_11 = arith.constant -2.000000e+00 : f32
    %mul3A_12 = vector.broadcast %mul3A_11 : f32 to vector<512x8192xf32>
    %mul3A_13 = arith.mulf %mul3A_12, %dot_general3A_10 : vector<512x8192xf32>
    %add3A = vector.broadcast %broadcast_in_dim3A : vector<512x1xf32> to vector<512x8192xf32>
    %add3A_14 = arith.addf %mul3A_13, %add3A : vector<512x8192xf32>
    %mul3A_15 = arith.mulf %get3A_3, %get3A_3 : vector<3x8192xf32>
    %slice3A = vector.extract_strided_slice %mul3A_15 {offsets = [0, 0], sizes = [1, 8192], strides = [1, 1]} : vector<3x8192xf32> to vector<1x8192xf32>
    %slice3A_16 = vector.extract_strided_slice %mul3A_15 {offsets = [1, 0], sizes = [1, 8192], strides = [1, 1]} : vector<3x8192xf32> to vector<1x8192xf32>
    %add3A_17 = arith.addf %slice3A, %slice3A_16 : vector<1x8192xf32>
    %slice3A_18 = vector.extract_strided_slice %mul3A_15 {offsets = [2, 0], sizes = [1, 8192], strides = [1, 1]} : vector<3x8192xf32> to vector<1x8192xf32>
    %add3A_19 = arith.addf %add3A_17, %slice3A_18 : vector<1x8192xf32>
    %add3A_20 = vector.broadcast %add3A_19 : vector<1x8192xf32> to vector<512x8192xf32>
    %add3A_21 = arith.addf %add3A_14, %add3A_20 : vector<512x8192xf32>
    %reduce_min3A = arith.constant dense<0x7F800000> : vector<512xf32>
    %reduce_min3A_22 = vector.multi_reduction <minimumf>, %add3A_21, %reduce_min3A [1] : vector<512x8192xf32> to vector<512xf32>
    %broadcast_in_dim3A_23 = vector.shape_cast %reduce_min3A_22 : vector<512xf32> to vector<512x1xf32>
    %eq3A = vector.broadcast %broadcast_in_dim3A_23 : vector<512x1xf32> to vector<512x8192xf32>
    %eq3A_24 = arith.cmpf oeq, %add3A_21, %eq3A : vector<512x8192xf32>
    %jit3A = arith.constant 8.192000e+03 : f32
    %broadcast_in_dim3A_25 = vector.broadcast %jit3A : f32 to vector<512x8192xf32>
    %select_n3A = arith.select %eq3A_24, %convert_element_type3A, %broadcast_in_dim3A_25 : vector<512x8192xi1>, vector<512x8192xf32>
    %reduce_min3A_26 = arith.constant dense<0x7F800000> : vector<512xf32>
    %reduce_min3A_27 = vector.multi_reduction <minimumf>, %select_n3A, %reduce_min3A_26 [1] : vector<512x8192xf32> to vector<512xf32>
    %broadcast_in_dim3A_28 = vector.shape_cast %reduce_min3A_27 : vector<512xf32> to vector<512x1xf32>
    %add3A_29 = arith.constant 0.000000e+00 : f32
    %add3A_30 = vector.broadcast %add3A_29 : f32 to vector<512x1xf32>
    %add3A_31 = arith.addf %broadcast_in_dim3A_28, %add3A_30 : vector<512x1xf32>
    %eq3A_32 = vector.broadcast %broadcast_in_dim3A_28 : vector<512x1xf32> to vector<512x8192xf32>
    %eq3A_33 = arith.cmpf oeq, %convert_element_type3A, %eq3A_32 : vector<512x8192xf32>
    %jit3A_34 = arith.constant 0x7F800000 : f32
    %broadcast_in_dim3A_35 = vector.broadcast %jit3A_34 : f32 to vector<512x8192xf32>
    %select_n3A_36 = arith.select %eq3A_33, %broadcast_in_dim3A_35, %add3A_21 : vector<512x8192xi1>, vector<512x8192xf32>
    %reduce_min3A_37 = arith.constant dense<0x7F800000> : vector<512xf32>
    %reduce_min3A_38 = vector.multi_reduction <minimumf>, %select_n3A_36, %reduce_min3A_37 [1] : vector<512x8192xf32> to vector<512xf32>
    %broadcast_in_dim3A_39 = vector.shape_cast %reduce_min3A_38 : vector<512xf32> to vector<512x1xf32>
    %eq3A_40 = vector.broadcast %broadcast_in_dim3A_39 : vector<512x1xf32> to vector<512x8192xf32>
    %eq3A_41 = arith.cmpf oeq, %select_n3A_36, %eq3A_40 : vector<512x8192xf32>
    %jit3A_42 = arith.constant 8.192000e+03 : f32
    %broadcast_in_dim3A_43 = vector.broadcast %jit3A_42 : f32 to vector<512x8192xf32>
    %select_n3A_44 = arith.select %eq3A_41, %convert_element_type3A, %broadcast_in_dim3A_43 : vector<512x8192xi1>, vector<512x8192xf32>
    %reduce_min3A_45 = arith.constant dense<0x7F800000> : vector<512xf32>
    %reduce_min3A_46 = vector.multi_reduction <minimumf>, %select_n3A_44, %reduce_min3A_45 [1] : vector<512x8192xf32> to vector<512xf32>
    %broadcast_in_dim3A_47 = vector.shape_cast %reduce_min3A_46 : vector<512xf32> to vector<512x1xf32>
    %add3A_48 = arith.constant 0.000000e+00 : f32
    %add3A_49 = vector.broadcast %add3A_48 : f32 to vector<512x1xf32>
    %add3A_50 = arith.addf %broadcast_in_dim3A_47, %add3A_49 : vector<512x1xf32>
    %eq3A_51 = vector.broadcast %broadcast_in_dim3A_47 : vector<512x1xf32> to vector<512x8192xf32>
    %eq3A_52 = arith.cmpf oeq, %convert_element_type3A, %eq3A_51 : vector<512x8192xf32>
    %jit3A_53 = arith.constant 0x7F800000 : f32
    %broadcast_in_dim3A_54 = vector.broadcast %jit3A_53 : f32 to vector<512x8192xf32>
    %select_n3A_55 = arith.select %eq3A_52, %broadcast_in_dim3A_54, %select_n3A_36 : vector<512x8192xi1>, vector<512x8192xf32>
    %reduce_min3A_56 = arith.constant dense<0x7F800000> : vector<512xf32>
    %reduce_min3A_57 = vector.multi_reduction <minimumf>, %select_n3A_55, %reduce_min3A_56 [1] : vector<512x8192xf32> to vector<512xf32>
    %broadcast_in_dim3A_58 = vector.shape_cast %reduce_min3A_57 : vector<512xf32> to vector<512x1xf32>
    %eq3A_59 = vector.broadcast %broadcast_in_dim3A_58 : vector<512x1xf32> to vector<512x8192xf32>
    %eq3A_60 = arith.cmpf oeq, %select_n3A_55, %eq3A_59 : vector<512x8192xf32>
    %jit3A_61 = arith.constant 8.192000e+03 : f32
    %broadcast_in_dim3A_62 = vector.broadcast %jit3A_61 : f32 to vector<512x8192xf32>
    %select_n3A_63 = arith.select %eq3A_60, %convert_element_type3A, %broadcast_in_dim3A_62 : vector<512x8192xi1>, vector<512x8192xf32>
    %reduce_min3A_64 = arith.constant dense<0x7F800000> : vector<512xf32>
    %reduce_min3A_65 = vector.multi_reduction <minimumf>, %select_n3A_63, %reduce_min3A_64 [1] : vector<512x8192xf32> to vector<512xf32>
    %broadcast_in_dim3A_66 = vector.shape_cast %reduce_min3A_65 : vector<512xf32> to vector<512x1xf32>
    %add3A_67 = arith.constant 0.000000e+00 : f32
    %add3A_68 = vector.broadcast %add3A_67 : f32 to vector<512x1xf32>
    %add3A_69 = arith.addf %broadcast_in_dim3A_66, %add3A_68 : vector<512x1xf32>
    %convert_element_type3A_70 = arith.fptosi %add3A_31 : vector<512x1xf32> to vector<512x1xi32>
    %convert_element_type3A_71 = arith.fptosi %add3A_50 : vector<512x1xf32> to vector<512x1xi32>
    %convert_element_type3A_72 = arith.fptosi %add3A_69 : vector<512x1xf32> to vector<512x1xi32>
    %add3A_73 = arith.constant 9.99999993E-9 : f32
    %add3A_74 = vector.broadcast %add3A_73 : f32 to vector<512x1xf32>
    %add3A_75 = arith.addf %broadcast_in_dim3A_23, %add3A_74 : vector<512x1xf32>
    %div3A = arith.constant 1.000000e+00 : f32
    %div3A_76 = vector.broadcast %div3A : f32 to vector<512x1xf32>
    %div3A_77 = arith.divf %div3A_76, %add3A_75 : vector<512x1xf32>
    %add3A_78 = arith.constant 9.99999993E-9 : f32
    %add3A_79 = vector.broadcast %add3A_78 : f32 to vector<512x1xf32>
    %add3A_80 = arith.addf %broadcast_in_dim3A_39, %add3A_79 : vector<512x1xf32>
    %div3A_81 = arith.constant 1.000000e+00 : f32
    %div3A_82 = vector.broadcast %div3A_81 : f32 to vector<512x1xf32>
    %div3A_83 = arith.divf %div3A_82, %add3A_80 : vector<512x1xf32>
    %add3A_84 = arith.constant 9.99999993E-9 : f32
    %add3A_85 = vector.broadcast %add3A_84 : f32 to vector<512x1xf32>
    %add3A_86 = arith.addf %broadcast_in_dim3A_58, %add3A_85 : vector<512x1xf32>
    %div3A_87 = arith.constant 1.000000e+00 : f32
    %div3A_88 = vector.broadcast %div3A_87 : f32 to vector<512x1xf32>
    %div3A_89 = arith.divf %div3A_88, %add3A_86 : vector<512x1xf32>
    %add3A_90 = arith.addf %div3A_77, %div3A_83 : vector<512x1xf32>
    %add3A_91 = arith.addf %add3A_90, %div3A_89 : vector<512x1xf32>
    %div3A_92 = arith.divf %div3A_77, %add3A_91 : vector<512x1xf32>
    %div3A_93 = arith.divf %div3A_83, %add3A_91 : vector<512x1xf32>
    %div3A_94 = arith.divf %div3A_89, %add3A_91 : vector<512x1xf32>
    %iota3A_95 = tpu.iota {dimensions = array<i32: 1>} : vector<512x8xi32>
    %mul3A_96 = arith.constant 8192 : i32
    %mul3A_97 = arith.muli %arg0, %mul3A_96 : i32
    %add3A_98 = vector.broadcast %mul3A_97 : i32 to vector<512x1xi32>
    %add3A_99 = arith.addi %convert_element_type3A_70, %add3A_98 : vector<512x1xi32>
    %broadcast_in_dim3A_100 = vector.shape_cast %add3A_99 : vector<512x1xi32> to vector<512x1xi32>
    %broadcast_in_dim3A_101 = vector.broadcast %broadcast_in_dim3A_100 : vector<512x1xi32> to vector<512x8xi32>
    %eq3A_102 = arith.constant 1 : i32
    %eq3A_103 = vector.broadcast %eq3A_102 : i32 to vector<512x8xi32>
    %eq3A_104 = arith.cmpi eq, %iota3A_95, %eq3A_103 : vector<512x8xi32>
    %add3A_105 = vector.broadcast %mul3A_97 : i32 to vector<512x1xi32>
    %add3A_106 = arith.addi %convert_element_type3A_71, %add3A_105 : vector<512x1xi32>
    %broadcast_in_dim3A_107 = vector.shape_cast %add3A_106 : vector<512x1xi32> to vector<512x1xi32>
    %broadcast_in_dim3A_108 = vector.broadcast %broadcast_in_dim3A_107 : vector<512x1xi32> to vector<512x8xi32>
    %select_n3A_109 = arith.select %eq3A_104, %broadcast_in_dim3A_108, %broadcast_in_dim3A_101 : vector<512x8xi1>, vector<512x8xi32>
    %eq3A_110 = arith.constant 2 : i32
    %eq3A_111 = vector.broadcast %eq3A_110 : i32 to vector<512x8xi32>
    %eq3A_112 = arith.cmpi eq, %iota3A_95, %eq3A_111 : vector<512x8xi32>
    %add3A_113 = vector.broadcast %mul3A_97 : i32 to vector<512x1xi32>
    %add3A_114 = arith.addi %convert_element_type3A_72, %add3A_113 : vector<512x1xi32>
    %broadcast_in_dim3A_115 = vector.shape_cast %add3A_114 : vector<512x1xi32> to vector<512x1xi32>
    %broadcast_in_dim3A_116 = vector.broadcast %broadcast_in_dim3A_115 : vector<512x1xi32> to vector<512x8xi32>
    %select_n3A_117 = arith.select %eq3A_112, %broadcast_in_dim3A_116, %select_n3A_109 : vector<512x8xi1>, vector<512x8xi32>
    %ge3A = arith.constant 3 : i32
    %ge3A_118 = vector.broadcast %ge3A : i32 to vector<512x8xi32>
    %ge3A_119 = arith.cmpi sge, %iota3A_95, %ge3A_118 : vector<512x8xi32>
    %jit3A_120 = arith.constant 0 : i32
    %broadcast_in_dim3A_121 = vector.broadcast %jit3A_120 : i32 to vector<512x8xi32>
    %select_n3A_122 = arith.select %ge3A_119, %broadcast_in_dim3A_121, %select_n3A_117 : vector<512x8xi1>, vector<512x8xi32>
    %swap3A = arith.constant 0 : index
    %swap3A_123 = arith.constant 0 : index
    %swap3A_124 = arith.constant 0 : index
    %swap3A_125 = vector.load %arg4[%swap3A, %swap3A_123, %swap3A_124] : memref<1x512x8xi32, #tpu.memory_space<vmem>>, vector<1x512x8xi32>
    %swap3A_126 = vector.shape_cast %swap3A_125 : vector<1x512x8xi32> to vector<512x8xi32>
    %swap3A_127 = vector.shape_cast %select_n3A_122 : vector<512x8xi32> to vector<1x512x8xi32>
    tpu.vector_store %arg4[%swap3A, %swap3A_123, %swap3A_124], %swap3A_127 {strides = array<i32>} : memref<1x512x8xi32, #tpu.memory_space<vmem>>, vector<1x512x8xi32>,
    %broadcast_in_dim3A_128 = vector.shape_cast %div3A_92 : vector<512x1xf32> to vector<512x1xf32>
    %broadcast_in_dim3A_129 = vector.broadcast %broadcast_in_dim3A_128 : vector<512x1xf32> to vector<512x8xf32>
    %eq3A_130 = arith.constant 1 : i32
    %eq3A_131 = vector.broadcast %eq3A_130 : i32 to vector<512x8xi32>
    %eq3A_132 = arith.cmpi eq, %iota3A_95, %eq3A_131 : vector<512x8xi32>
    %broadcast_in_dim3A_133 = vector.shape_cast %div3A_93 : vector<512x1xf32> to vector<512x1xf32>
    %broadcast_in_dim3A_134 = vector.broadcast %broadcast_in_dim3A_133 : vector<512x1xf32> to vector<512x8xf32>
    %select_n3A_135 = arith.select %eq3A_132, %broadcast_in_dim3A_134, %broadcast_in_dim3A_129 : vector<512x8xi1>, vector<512x8xf32>
    %eq3A_136 = arith.constant 2 : i32
    %eq3A_137 = vector.broadcast %eq3A_136 : i32 to vector<512x8xi32>
    %eq3A_138 = arith.cmpi eq, %iota3A_95, %eq3A_137 : vector<512x8xi32>
    %broadcast_in_dim3A_139 = vector.shape_cast %div3A_94 : vector<512x1xf32> to vector<512x1xf32>
    %broadcast_in_dim3A_140 = vector.broadcast %broadcast_in_dim3A_139 : vector<512x1xf32> to vector<512x8xf32>
    %select_n3A_141 = arith.select %eq3A_138, %broadcast_in_dim3A_140, %select_n3A_135 : vector<512x8xi1>, vector<512x8xf32>
    %ge3A_142 = arith.constant 3 : i32
    %ge3A_143 = vector.broadcast %ge3A_142 : i32 to vector<512x8xi32>
    %ge3A_144 = arith.cmpi sge, %iota3A_95, %ge3A_143 : vector<512x8xi32>
    %jit3A_145 = arith.constant 0.000000e+00 : f32
    %broadcast_in_dim3A_146 = vector.broadcast %jit3A_145 : f32 to vector<512x8xf32>
    %select_n3A_147 = arith.select %ge3A_144, %broadcast_in_dim3A_146, %select_n3A_141 : vector<512x8xi1>, vector<512x8xf32>
    %swap3A_148 = arith.constant 0 : index
    %swap3A_149 = arith.constant 0 : index
    %swap3A_150 = arith.constant 0 : index
    %swap3A_151 = vector.load %arg5[%swap3A_148, %swap3A_149, %swap3A_150] : memref<1x512x8xf32, #tpu.memory_space<vmem>>, vector<1x512x8xf32>
    %swap3A_152 = vector.shape_cast %swap3A_151 : vector<1x512x8xf32> to vector<512x8xf32>
    %swap3A_153 = vector.shape_cast %select_n3A_147 : vector<512x8xf32> to vector<1x512x8xf32>
    tpu.vector_store %arg5[%swap3A_148, %swap3A_149, %swap3A_150], %swap3A_153 {strides = array<i32>} : memref<1x512x8xf32, #tpu.memory_space<vmem>>, vector<1x512x8xf32>,
    return
  }
  func.func @transform_0(%arg0: i32, %arg1: i32) -> (i32, i32, i32) {
    %c0_i32 = arith.constant 0 : i32
    %c0_i32_0 = arith.constant 0 : i32
    %c0_i32_1 = arith.constant 0 : i32
    return %arg0, %c0_i32, %c0_i32_0 : i32, i32, i32
  }
  func.func @transform_1(%arg0: i32, %arg1: i32) -> (i32, i32, i32) {
    %c0_i32 = arith.constant 0 : i32
    %c0_i32_0 = arith.constant 0 : i32
    return %arg0, %arg1, %c0_i32 : i32, i32, i32
  }
  func.func @transform_2(%arg0: i32, %arg1: i32) -> (i32, i32, i32) {
    %c0_i32 = arith.constant 0 : i32
    %c0_i32_0 = arith.constant 0 : i32
    return %arg0, %arg1, %c0_i32 : i32, i32, i32
  }
  func.func @transform_3(%arg0: i32, %arg1: i32) -> (i32, i32, i32) {
    %c0_i32 = arith.constant 0 : i32
    %c0_i32_0 = arith.constant 0 : i32
    return %arg0, %arg1, %c0_i32 : i32, i32, i32
  }
}

</mosaic_0001>

<sc_bundles>
// kernel: kernel.4.cloned.1.call-start
scs
__scs_entry_jumppad:
0x0: {  	(pc) =	sbr.rel $0x88, $3  }
0x1: {  	(tag) =	ssettag $0x0;
	lr =	simm.s32 $0x1  }
0x2: {  	[smem:$0x3F9E] =	sst lr;
	_ =	strace $0xD0000000  }
0x3: {  	_ = 	snop  }
0x4: {  	_ = 	snop  }
0x5: {  	_ = 	snop  }
0x6: {  	_ = 	snop  }
0x7: {  	_ = 	snop  }
__scs_overlays_trampoline_lowered:
0x8: {  	[smem:$0x3FAD] =	sst s0  }
0x9: {  	[smem:$0x3FAE] =	sst s1  }
0xa: {  	[smem:$0x3FAF] =	sst s2  }
0xb: {  	[smem:$0x3FB0] =	sst s3  }
0xc: {  	[smem:$0x3FB1] =	sst s4  }
0xd: {  	[smem:$0x3FB2] =	sst s5  }
0xe: {  	[smem:$0x3FB3] =	sst s6  }
0xf: {  	[smem:$0x3FB4] =	sst s7  }
0x10: {  	[smem:$0x3FB5] =	sst s8  }
0x11: {  	[smem:$0x3FB6] =	sst s9;
	s0 =	simm.s32 @!p0 $0x0  }
0x12: {  	s1 =	sld [smem:$0x3F9C];
	s0 =	simm.s32 @p0 $0x1  }
0x13: {  	[smem:$0x3FB7] =	sst s0;
	s0 =	simm.s32 @!p1 $0x0  }
0x14: {  	s2 =	sld [smem:$0x3F9B];
	s0 =	simm.s32 @p1 $0x1  }
0x15: {  	[smem:$0x3FB8] =	sst s0;
	s0 =	simm.s32 @!p2 $0x0  }
0x16: {  	s3 =	sld [smem:$0x3FDB];
	s0 =	simm.s32 @p2 $0x1  }
0x17: {  	s4 =	simm.s32 $0x1BF5;
	[smem:$0x3FBA] =	sst s0  }
0x18: {  	s0 =	sld [smem:$0x3F9D];
	_ =	swait.ge [sflag:s4], $0x0  }
0x19: {  	s7 =	sld [smem:$0x3F9E]  }
0x1a: {  	s8 =	sadd.s32 $0xFFFFE003, lr  }
0x1b: {  	s9 =	sadd.s32 $0xFFFFFEF7, lr;
	s5 =	simm.s32 $0xFFFFFFFF;
	p2 =	slt.u32 s8, $0xFFFFF086  }
0x1c: {  	p1 =	slt.u32 s9, $0xF7A;
	s5 =	simm.s32 @!p2 $0x0  }
0x1d: {  	s5 =	simm.s32 @p1 $0x1;
	p0 =	seq.s32 s7, s2  }
0x1e: {  	s7 =	smul.u32 @!p0 $0xF7A, s2;
	p2 =	seq.s32 @!p0 s5, $0x0  }
0x1f: {  	s9 =	smul.u32 $0xF7A, s1;
	s8 =	simm.s32 @!p0 $0x1BF5;
	p2 =	por !p2, p0  }
0x20: {  	[sflag:s8] =	ssyncset.s32 @!p0 $0xFFFFF086;
	s6 =	sadd.s32 @!p0 s3, s7;
	s7 =	simm.s32 @!p0 $0x108  }
0x21: {  	s3 =	sadd.s32 s3, s9;
	s6 =	sadd.s32 @!p0 $0x88, s6;
	s7 =	simm.s32 @p2 $0x1082  }
0x22: {  	[simem:s7], [sflag:s8] =	dma.local @!p0 [hbm:s6], $0xF7A  }
0x23: {  	s9 =	sor.u32 $0xD0000000, s2;
	s6 =	simm.s32 $0x108;
	_ =	swait.ge @!p0 [sflag:s8], $0x0  }
0x24: {  	s3 =	sadd.s32 $0x88, s3;
	s6 =	simm.s32 @!p1 $0x1082;
	[sflag:s4] =	ssyncset.s32 $0xFFFFF086  }
0x25: {  	[simem:s6], [sflag:s4] =	dma.local [hbm:s3], $0xF7A  }
0x26: {  	[smem:$0x3F9E] =	sst s1;
	(tag) =	ssettag s2;
	_ =	strace s9  }
0x27: {  	s1 =	sld [smem:$0x3FAE]  }
0x28: {  	s2 =	sld [smem:$0x3FAF]  }
0x29: {  	s4 =	sld [smem:$0x3FB1]  }
0x2a: {  	p0 =	seq.s32 s5, $0x0;
	s5 =	sld [smem:$0x3FB2]  }
0x2b: {  	s6 =	sld [smem:$0x3FB3]  }
0x2c: {  	s7 =	sld [smem:$0x3FB4]  }
0x2d: {  	s3 =	simm.s32 $0x108;
	s8 =	sld [smem:$0x3FB5]  }
0x2e: {  	s3 =	simm.s32 @!p0 $0x1082;
	s9 =	sld [smem:$0x3FB6]  }
0x2f: {  	lr =	sadd.s32 s0, s3;
	s0 =	sld [smem:$0x3FAD]  }
0x30: {  	s3 =	sld [smem:$0x3FB0]  }
0x31: {  	[smem:$0x3FB9] =	sst s10  }
0x32: {  	s10 =	sld [smem:$0x3FB7];
	_ =	sdelay $0x3  }
0x33: {  	p0 =	seq.s32 s10, $0x1;
	s10 =	sld [smem:$0x3FB9];
	_ =	sdelay $0x3  }
0x34: {  	[smem:$0x3FB9] =	sst s10  }
0x35: {  	s10 =	sld [smem:$0x3FB8];
	_ =	sdelay $0x3  }
0x36: {  	p1 =	seq.s32 s10, $0x1;
	s10 =	sld [smem:$0x3FB9];
	_ =	sdelay $0x3  }
0x37: {  	[smem:$0x3FB9] =	sst s10  }
0x38: {  	s10 =	sld [smem:$0x3FBA]  }
0x39: {  	_ = 	snop;
	(pc) =	sbr.ind lr, $3  }
0x3a: {  	_ = 	snop  }
0x3b: {  	_ = 	snop  }
0x3c: {  	p2 =	seq.s32 s10, $0x1;
	s10 =	sld [smem:$0x3FB9]  }
0x3d: {  	_ =	shalt  }
0x3e: {  	_ =	shalt  }
0x3f: {  	_ =	shalt  }
0x40: {  	_ =	shalt  }
0x41: {  	_ =	shalt  }
0x42: {  	_ =	shalt  }
0x43: {  	_ =	shalt  }
0x44: {  	_ =	shalt  }
0x45: {  	_ =	shalt  }
0x46: {  	_ =	shalt  }
0x47: {  	_ =	shalt  }
0x48: {  	_ =	shalt  }
0x49: {  	_ =	shalt  }
0x4a: {  	_ =	shalt  }
0x4b: {  	_ =	shalt  }
0x4c: {  	_ =	shalt  }
0x4d: {  	_ =	shalt  }
0x4e: {  	_ =	shalt  }
0x4f: {  	_ =	shalt  }
0x50: {  	_ =	shalt  }
0x51: {  	_ =	shalt  }
0x52: {  	_ =	shalt  }
0x53: {  	_ =	shalt  }
0x54: {  	_ =	shalt  }
0x55: {  	_ =	shalt  }
0x56: {  	_ =	shalt  }
0x57: {  	_ =	shalt  }
0x58: {  	_ =	shalt  }
0x59: {  	_ =	shalt  }
0x5a: {  	_ =	shalt  }
0x5b: {  	_ =	shalt  }
0x5c: {  	_ =	shalt  }
0x5d: {  	_ =	shalt  }
0x5e: {  	_ =	shalt  }
0x5f: {  	_ =	shalt  }
0x60: {  	_ =	shalt  }
0x61: {  	_ =	shalt  }
0x62: {  	_ =	shalt  }
0x63: {  	_ =	shalt  }
0x64: {  	_ =	shalt  }
0x65: {  	_ =	shalt  }
0x66: {  	_ =	shalt  }
0x67: {  	_ =	shalt  }
0x68: {  	_ =	shalt  }
0x69: {  	_ =	shalt  }
0x6a: {  	_ =	shalt  }
0x6b: {  	_ =	shalt  }
0x6c: {  	_ =	shalt  }
0x6d: {  	_ =	shalt  }
0x6e: {  	_ =	shalt  }
0x6f: {  	_ =	shalt  }
0x70: {  	_ =	shalt  }
0x71: {  	_ =	shalt  }
0x72: {  	_ =	shalt  }
0x73: {  	_ =	shalt  }
0x74: {  	_ =	shalt  }
0x75: {  	_ =	shalt  }
0x76: {  	_ =	shalt  }
0x77: {  	_ =	shalt  }
0x78: {  	_ =	shalt  }
0x79: {  	_ =	shalt  }
0x7a: {  	_ =	shalt  }
0x7b: {  	_ =	shalt  }
0x7c: {  	_ =	shalt  }
0x7d: {  	_ =	shalt  }
0x7e: {  	_ =	shalt  }
0x7f: {  	_ =	shalt  }
0x80: {  	_ =	shalt  }
0x81: {  	_ =	shalt  }
0x82: {  	_ =	shalt  }
0x83: {  	_ =	shalt  }
0x84: {  	_ =	shalt  }
0x85: {  	_ =	shalt  }
0x86: {  	_ =	shalt  }
0x87: {  	_ =	shalt  }
.Lfunc_end0:
.L_simem_size_0:
called_computation.1_lowered:
.L_overlay_start_0:
0x88: {  	s2 =	sld [smem:$0x3FD9]  }
0x89: {  	s3 =	sld [smem:$0x3FFE];
	_ =	sdelay $0x1  }
0x8a: {  	s1 =	srdreg.scid  }
0x8b: {  	s0 =	sand.u32 $0x1, s1  }
0x8c: {  	s17 =	sshll.u32 s0, $0xA;
	s2 =	sadd.s32 s3, s2  }
0x8d: {  	s2 =	sadd.s32 s2, s17  }
0x8e: {  	[smem:$0x3FC5] =	sst s2  }
0x8f: {  	_ = 	snop  }
0x90: {  	s2 =	sld [smem:$0x3FD0];
	(tm) =	ssettm $0x1  }
0x91: {  	s18 =	sld [smem:$0x3FFB];
	_ =	sdelay $0x3  }
0x92: {  	_ =	strace s18  }
0x93: {  	s3 =	sld [smem:$0x3FFC];
	_ =	sdelay $0x3  }
0x94: {  	_ =	strace s3  }
0x95: {  	s3 =	sld [smem:$0x3FFD];
	_ =	sdelay $0x3  }
0x96: {  	_ =	strace s3  }
0x97: {  	_ =	strace $0x8FFFFFFF  }
0x98: {  	s19 =	sld [smem:$0x3FDB];
	_ =	sdelay $0x1  }
0x99: {  	s4 =	simm.s32 $_scs_section_size  }
0x9a: {  	s5 =	simm.s32 $_size__tile_overlayer_lowered;
	s6 =	simm.s32 $_tile_overlayer_lowered  }
0x9b: {  	s22 =	simm.s32 $0x1BFF;
	s21 =	sshll.u32 s6, $0x1;
	s3 =	sadd.s32 s4, s19  }
0x9c: {  	s7 =	simm.s32 $0x0;
	s20 =	sshll.u32 s5, $0x1;
	s5 =	sadd.s32 s21, s3  }
0x9d: {  	[timem:s7], [sflag:s22] =	dma.local [hbm:s5], s20  }
0x9e: {  	_ =	swait.ge [sflag:s22], s20  }
0x9f: {  	s4 =	ssub.s32 $0x0, s20;
	[sflag:s22] =	ssyncset.done $0x0  }
0xa0: {  	[sflag:s22] =	ssyncadd.s32 s4;
	_ =	sdelay $0x1  }
0xa1: {  	s23 =	simm.s32 $0x1B8B  }
0xa2: {  	_ =	swait.ge [sflag:s23], $0x1  }
0xa3: {  	[sflag:s23] =	ssyncset.done $0x0  }
0xa4: {  	s25 =	simm.s32 $0x1B8E;
	s24 =	sld [smem:$0x3FFE];
	[sflag:s23] =	ssyncadd.s32 $0xFFFFFFFF  }
0xa5: {  	s26 =	simm.s32 $execute0_lowered;
	[smem:$0x3FD2] =	sst s25  }
0xa6: {  	s5 =	sshll.u32 s26, $0x1;
	_ =	strace $0x80000049;
	[dreg:$0x1] =	wrdreg $0xFFFFFFFF  }
0xa7: {  	s28 =	simm.s32 $_size_execute0_lowered;
	s3 =	sadd.s32 s3, s5;
	[dreg:$0x0] =	wrdreg $0x0  }
0xa8: {  	s5 =	sshll.u32 s28, $0x1;
	[dreg:$0x2] =	wrdreg s3  }
0xa9: {  	[dreg:$0x3] =	wrdreg s5  }
0xaa: {  	[dreg:$0x4] =	wrdreg $0xC0  }
0xab: {  	_ =	task [dreg:s7], $0x5FFFF  }
0xac: {  	[dreg:$0x1] =	wrdreg $0xFFFFFFFF  }
0xad: {  	[dreg:$0x0] =	wrdreg $0x60  }
0xae: {  	[dreg:$0x2] =	wrdreg s24  }
0xaf: {  	[dreg:$0x3] =	wrdreg s2  }
0xb0: {  	[dreg:$0x4] =	wrdreg $0x9  }
0xb1: {  	_ =	task.clear_ibuf [dreg:s7], $0x5FFFF;
	_ =	strace $0x90000049  }
0xb2: {  	s29 =	simm.s32 $0x9;
	_ =	strace $0x8000004B  }
0xb3: {  	_ =	swait.ge [sflag:s29], $0x1  }
0xb4: {  	[sflag:s29] =	ssyncadd.s32 $0xFFFFFFFF  }
0xb5: {  	_ =	strace $0x9000004B  }
0xb6: {  	_ =	sfence  }
0xb7: {  	s30 =	sld [smem:$0x0];
	_ =	sdelay $0x2  }
0xb8: {  	s31 =	sshll.u32 s1, $0xD;
	s1 =	sshrl.u32 s1, $0x2  }
0xb9: {  	s3 =	sand.u32 $0x4000, s31;
	s1 =	sadd.s32 s1, s30  }
0xba: {  	s0 =	sor.u32 s3, s0;
	s1 =	sshll.u32 s1, $0x11  }
0xbb: {  	s0 =	sor.u32 s1, s0  }
0xbc: {  	s0 =	sadd.s32 $0x8F2B, s0  }
0xbd: {  	[sflag:s0] =	ssyncadd.remote.s32 $0x1  }
0xbe: {  	_ =	sfence.sel $0xFFFF  }
0xbf: {  	[dreg:$0x0] =	wrdreg $0xFFFFFFFF;
	(pc) =	sbr.abs _section_cstart, $3  }
0xc0: {  	[dreg:$0x1] =	wrdreg $0xFFFFFFFF  }
0xc1: {  	_ =	task.clear_ibuf [dreg:s7], $0x2FFFF;
	_ =	strace $0x9FFFFFFF  }
0xc2: {  	(tm) =	ssettm $0x7FFFFFFF  }
0xc3: {  	_ =	shalt  }
tec
execute0_lowered:
.L_overlay_start_1:
0x0: {  	(tag) =	ssettag $0x1  }
0x1: {  	s0 =	rddreg [dreg:$0x0]  }
0x2: {  	s1 =	rddreg [dreg:$0x1];
	s3 =	srdreg.scid  }
0x3: {  	s4 =	stileid.u32;
	s2 =	simm.s32 $0x0;
	s28 =	simm.s32 $0x9C80  }
0x4: {  	s29 =	simm.s32 $0xA480;
	s30 =	simm.s32 $0xAC80;
	s31 =	simm.s32 $0xB480  }
0x5: {  	s9 =	simm.s32 $0xEC80;
	s3 =	sand.u32 $0x1, s3;
	s4 =	sshll.u32 s4, $0x1  }
0x6: {  	s11 =	simm.s32 $0x0;
	[smem:$0x7FF] =	sst s2;
	s4 =	sor.u32 s3, s4  }
0x7: {  	_ =	strace $0x8000004A;
	s6 =	ssub.s32 $0x2, s3;
	s5 =	smul.u32 $0xC0, s4  }
0x8: {  	s3 =	sadd.s32 $0xE00, s0;
	s4 =	sshll.u32 s4, $0xE;
	s7 =	sshrl.u32 s6, $0x1  }
0x9: {  	s24 =	ssub.s32 s6, s7;
	s7 =	simm.s32 $0x2;
	s8 =	sadd.s32 s5, s0  }
0xa: {  	s0 =	sadd.s32 s4, s0;
	s1 =	sadd.s32 s1, s5;
	s26 =	smax.u32 s24, $0x1  }
0xb: {  	s4 =	simm.s32 $0x1;
	s5 =	simm.s32 $0xCC80;
	[dreg:$0x3] =	wrdreg s1  }
0xc: {  	v2 =	vlaneseq.u32;
	s25 =	sadd.s32 $0x200E00, s8;
	s6 =	sadd.s32 $0x202600, s0;
	[dreg:$0x5] =	wrdreg s26  }
0xd: {  	vm0 =	vmmov $0xffff;
	v1 =	vshrl.u32 v2, $0x3;
	s26 =	simm.s32 $0x9480;
	s0 =	simm.s32 $0xBC80;
	s1 =	simm.s32 $0xC480  }
0xe: {  	v0 =	vand.u32 $0x7, v2;
	v2 =	vor.u32 $0x8, v2;
	v1 =	vmul.u32 $0x8, v1;
	s8 =	simm.s32 $0x4;
	[dreg:$0x4] =	wrdreg s25;
	s25 =	simm.s32 $0x8C80  }
.LBB2_1:
0xf: {  	[dreg:$0x6] =	wrdreg s11  }
0x10: {  	s10 =	rddreg [dreg:$0x3];
	s12 =	simm.s32 $0x5  }
0x11: {  	[tilespmem:s2], [sflag:$0x5] =	stream.linear.gather [hbm4b:s10+s2], $0x600, $0x38;
	[tilespmem:$0x10C80] =	vst v63  }
0x12: {  	_ =	swait.ge [sflag:s12], $0x600  }
0x13: {  	[sflag:s12] =	ssyncset.done $0x0  }
0x14: {  	s10 =	simm.s32 $0x600;
	s24 =	rddreg [dreg:$0x4];
	[sflag:s12] =	ssyncadd.s32 $0xFFFFFA00  }
0x15: {  	[tilespmem:s10], [sflag:$0x5] =	stream.linear.gather [hbm4b:s24+s2], $0x600, $0x38;
	[tilespmem:$0x10C80] =	vst v63  }
0x16: {  	_ =	swait.ge [sflag:s12], $0x600  }
0x17: {  	[sflag:s12] =	ssyncset.done $0x0  }
0x18: {  	[sflag:s12] =	ssyncadd.s32 $0xFFFFFA00  }
0x19: {  	v3 =	vld [tilespmem:$0x0];
	_ =	sdelay $0x4  }
0x1a: {  	v4 =	vshll.u32 v3, $0x1  }
0x1b: {  	v3 =	vand.u32 $0x7, v3;
	v4 =	vand.u32 $0xFFFFFFF0, v4  }
0x1c: {  	v3 =	vor.u32 v3, v4  }
0x1d: {  	v4 =	vperm.xlane v3, v0;
	_ =	sdelay $0x1  }
0x1e: {  	v3 =	vperm.xlane v3, v2;
	v4 =	vadd.s32 v1, v4;
	_ =	sdelay $0x1  }
0x1f: {  	v3 =	vadd.s32 v1, v3;
	_ =	sdelay $0x1  }
0x20: {  	s13 =	simm.s32 $0xC80  }
0x21: {  	[tilespmem:s13], [sflag:$0x1] =	stream.indirect_vreg.gather [hbm4b:s3+s2], $0x80, v4, vm0, $0xb8;
	[tilespmem:$0x10C80] =	vst v63  }
0x22: {  	s14 =	simm.s32 $0x1480  }
0x23: {  	[tilespmem:s14], [sflag:$0x1] =	stream.indirect_vreg.gather [hbm4b:s3+s2], $0x80, v3, vm0, $0xb8;
	[tilespmem:$0x10C80] =	vst v63  }
0x24: {  	v3 =	vld [tilespmem:$0x10];
	_ =	sdelay $0x4  }
0x25: {  	v59 =	vshll.u32 v3, $0x1  }
0x26: {  	v3 =	vand.u32 $0x7, v3;
	v4 =	vand.u32 $0xFFFFFFF0, v59  }
0x27: {  	v3 =	vor.u32 v3, v4  }
0x28: {  	v4 =	vperm.xlane v3, v0;
	_ =	sdelay $0x1  }
0x29: {  	v3 =	vperm.xlane v3, v2;
	v4 =	vadd.s32 v1, v4;
	_ =	sdelay $0x1  }
0x2a: {  	v3 =	vadd.s32 v1, v3;
	_ =	sdelay $0x1  }
0x2b: {  	s15 =	simm.s32 $0x1C80  }
0x2c: {  	[tilespmem:s15], [sflag:$0x1] =	stream.indirect_vreg.gather [hbm4b:s3+s2], $0x80, v4, vm0, $0xb8;
	[tilespmem:$0x10C80] =	vst v63  }
0x2d: {  	s16 =	simm.s32 $0x2480  }
0x2e: {  	[tilespmem:s16], [sflag:$0x1] =	stream.indirect_vreg.gather [hbm4b:s3+s2], $0x80, v3, vm0, $0xb8;
	[tilespmem:$0x10C80] =	vst v63  }
0x2f: {  	v3 =	vld [tilespmem:$0x20];
	_ =	sdelay $0x4  }
0x30: {  	v60 =	vshll.u32 v3, $0x1  }
0x31: {  	v3 =	vand.u32 $0x7, v3;
	v4 =	vand.u32 $0xFFFFFFF0, v60  }
0x32: {  	v3 =	vor.u32 v3, v4  }
0x33: {  	v4 =	vperm.xlane v3, v0;
	_ =	sdelay $0x1  }
0x34: {  	v3 =	vperm.xlane v3, v2;
	v4 =	vadd.s32 v1, v4;
	_ =	sdelay $0x1  }
0x35: {  	v3 =	vadd.s32 v1, v3;
	_ =	sdelay $0x1  }
0x36: {  	s17 =	simm.s32 $0x2C80  }
0x37: {  	[tilespmem:s17], [sflag:$0x1] =	stream.indirect_vreg.gather [hbm4b:s3+s2], $0x80, v4, vm0, $0xb8;
	[tilespmem:$0x10C80] =	vst v63  }
0x38: {  	s18 =	simm.s32 $0x3480  }
0x39: {  	[tilespmem:s18], [sflag:$0x1] =	stream.indirect_vreg.gather [hbm4b:s3+s2], $0x80, v3, vm0, $0xb8;
	[tilespmem:$0x10C80] =	vst v63  }
0x3a: {  	v3 =	vld [tilespmem:$0x30];
	_ =	sdelay $0x4  }
0x3b: {  	v61 =	vshll.u32 v3, $0x1  }
0x3c: {  	v3 =	vand.u32 $0x7, v3;
	v4 =	vand.u32 $0xFFFFFFF0, v61  }
0x3d: {  	v3 =	vor.u32 v3, v4  }
0x3e: {  	v4 =	vperm.xlane v3, v0;
	_ =	sdelay $0x1  }
0x3f: {  	v3 =	vperm.xlane v3, v2;
	v4 =	vadd.s32 v1, v4;
	_ =	sdelay $0x1  }
0x40: {  	v3 =	vadd.s32 v1, v3;
	_ =	sdelay $0x1  }
0x41: {  	s19 =	simm.s32 $0x3C80  }
0x42: {  	[tilespmem:s19], [sflag:$0x1] =	stream.indirect_vreg.gather [hbm4b:s3+s2], $0x80, v4, vm0, $0xb8;
	[tilespmem:$0x10C80] =	vst v63  }
0x43: {  	s20 =	simm.s32 $0x4480  }
0x44: {  	[tilespmem:s20], [sflag:$0x1] =	stream.indirect_vreg.gather [hbm4b:s3+s2], $0x80, v3, vm0, $0xb8;
	[tilespmem:$0x10C80] =	vst v63  }
0x45: {  	v3 =	vld [tilespmem:$0x40];
	_ =	sdelay $0x4  }
0x46: {  	v62 =	vshll.u32 v3, $0x1  }
0x47: {  	v3 =	vand.u32 $0x7, v3;
	v4 =	vand.u32 $0xFFFFFFF0, v62  }
0x48: {  	v3 =	vor.u32 v3, v4  }
0x49: {  	v4 =	vperm.xlane v3, v0;
	_ =	sdelay $0x1  }
0x4a: {  	v3 =	vperm.xlane v3, v2;
	v4 =	vadd.s32 v1, v4;
	_ =	sdelay $0x1  }
0x4b: {  	v3 =	vadd.s32 v1, v3;
	_ =	sdelay $0x1  }
0x4c: {  	s21 =	simm.s32 $0x4C80  }
0x4d: {  	[tilespmem:s21], [sflag:$0x1] =	stream.indirect_vreg.gather [hbm4b:s3+s2], $0x80, v4, vm0, $0xb8;
	[tilespmem:$0x10C80] =	vst v63  }
0x4e: {  	s22 =	simm.s32 $0x5480  }
0x4f: {  	[tilespmem:s22], [sflag:$0x1] =	stream.indirect_vreg.gather [hbm4b:s3+s2], $0x80, v3, vm0, $0xb8;
	[tilespmem:$0x10C80] =	vst v63  }
0x50: {  	v3 =	vld [tilespmem:$0x50];
	_ =	sdelay $0x4  }
0x51: {  	v63 =	vshll.u32 v3, $0x1  }
0x52: {  	v3 =	vand.u32 $0x7, v3;
	v4 =	vand.u32 $0xFFFFFFF0, v63  }
0x53: {  	v3 =	vor.u32 v3, v4  }
0x54: {  	v4 =	vperm.xlane v3, v0;
	_ =	sdelay $0x1  }
0x55: {  	v3 =	vperm.xlane v3, v2;
	v4 =	vadd.s32 v1, v4;
	_ =	sdelay $0x1  }
0x56: {  	v3 =	vadd.s32 v1, v3;
	_ =	sdelay $0x1  }
0x57: {  	s23 =	simm.s32 $0x5C80  }
0x58: {  	[tilespmem:s23], [sflag:$0x1] =	stream.indirect_vreg.gather [hbm4b:s3+s2], $0x80, v4, vm0, $0xb8;
	[tilespmem:$0x10C80] =	vst v63  }
0x59: {  	s11 =	simm.s32 $0x660;
	s24 =	simm.s32 $0x6480;
	s12 =	simm.s32 $0x0  }
0x5a: {  	[tilespmem:s24], [sflag:$0x1] =	stream.indirect_vreg.gather [hbm4b:s3+s2], $0x80, v3, vm0, $0xb8;
	[tilespmem:$0x10C80] =	vst v63  }
.LBB2_2:
0x5b: {  	s13 =	sshllo.u32 s12, $0x1  }
0x5c: {  	s14 =	smul.u32 $0x180, s13;
	_ =	sdelay $0x1  }
0x5d: {  	s14 =	sshra.s32 s14, $0x2  }
0x5e: {  	v3 =	vld [tilespmem:s14+$0x0];
	_ =	sdelay $0x4  }
0x5f: {  	v4 =	vshll.u32 v3, $0x1  }
0x60: {  	v3 =	vand.u32 $0x7, v3;
	v4 =	vand.u32 $0xFFFFFFF0, v4  }
0x61: {  	v3 =	vor.u32 v3, v4  }
0x62: {  	v4 =	vperm.xlane v3, v0;
	_ =	sdelay $0x1  }
0x63: {  	v3 =	vperm.xlane v3, v2;
	v4 =	vadd.s32 v1, v4;
	_ =	sdelay $0x1  }
0x64: {  	v3 =	vadd.s32 v1, v3;
	_ =	sdelay $0x1  }
0x65: {  	s15 =	simm.s32 $0x6C80  }
0x66: {  	[tilespmem:s15], [sflag:$0x2] =	stream.indirect_vreg.gather [hbm4b:s3+s2], $0x80, v4, vm0, $0xb8;
	[tilespmem:$0x10C80] =	vst v63  }
0x67: {  	s17 =	simm.s32 $0x7480  }
0x68: {  	[tilespmem:s17], [sflag:$0x2] =	stream.indirect_vreg.gather [hbm4b:s3+s2], $0x80, v3, vm0, $0xb8;
	[tilespmem:$0x10C80] =	vst v63  }
0x69: {  	v3 =	vld [tilespmem:s14+$0x10];
	_ =	sdelay $0x4  }
0x6a: {  	v4 =	vshll.u32 v3, $0x1  }
0x6b: {  	v3 =	vand.u32 $0x7, v3;
	v4 =	vand.u32 $0xFFFFFFF0, v4  }
0x6c: {  	v3 =	vor.u32 v3, v4  }
0x6d: {  	v4 =	vperm.xlane v3, v0;
	_ =	sdelay $0x1  }
0x6e: {  	v3 =	vperm.xlane v3, v2;
	v4 =	vadd.s32 v1, v4;
	_ =	sdelay $0x1  }
0x6f: {  	v3 =	vadd.s32 v1, v3;
	_ =	sdelay $0x1  }
0x70: {  	s18 =	simm.s32 $0x7C80  }
0x71: {  	[tilespmem:s18], [sflag:$0x2] =	stream.indirect_vreg.gather [hbm4b:s3+s2], $0x80, v4, vm0, $0xb8;
	[tilespmem:$0x10C80] =	vst v63  }
0x72: {  	s19 =	simm.s32 $0x8480  }
0x73: {  	[tilespmem:s19], [sflag:$0x2] =	stream.indirect_vreg.gather [hbm4b:s3+s2], $0x80, v3, vm0, $0xb8;
	[tilespmem:$0x10C80] =	vst v63  }
0x74: {  	v3 =	vld [tilespmem:s14+$0x20];
	_ =	sdelay $0x4  }
0x75: {  	v4 =	vshll.u32 v3, $0x1  }
0x76: {  	v3 =	vand.u32 $0x7, v3;
	v4 =	vand.u32 $0xFFFFFFF0, v4  }
0x77: {  	v3 =	vor.u32 v3, v4  }
0x78: {  	v4 =	vperm.xlane v3, v0;
	_ =	sdelay $0x1  }
0x79: {  	v3 =	vperm.xlane v3, v2;
	v4 =	vadd.s32 v1, v4;
	_ =	sdelay $0x1  }
0x7a: {  	v3 =	vadd.s32 v1, v3;
	_ =	sdelay $0x2  }
0x7b: {  	[tilespmem:s25], [sflag:$0x2] =	stream.indirect_vreg.gather [hbm4b:s3+s2], $0x80, v4, vm0, $0xb8;
	[tilespmem:$0x10C80] =	vst v63  }
0x7c: {  	_ = 	snop  }
0x7d: {  	[tilespmem:s26], [sflag:$0x2] =	stream.indirect_vreg.gather [hbm4b:s3+s2], $0x80, v3, vm0, $0xb8;
	[tilespmem:$0x10C80] =	vst v63  }
0x7e: {  	v3 =	vld [tilespmem:s14+$0x30];
	_ =	sdelay $0x4  }
0x7f: {  	v4 =	vshll.u32 v3, $0x1  }
0x80: {  	v3 =	vand.u32 $0x7, v3;
	v4 =	vand.u32 $0xFFFFFFF0, v4  }
0x81: {  	v3 =	vor.u32 v3, v4  }
0x82: {  	v4 =	vperm.xlane v3, v0;
	_ =	sdelay $0x1  }
0x83: {  	v3 =	vperm.xlane v3, v2;
	v4 =	vadd.s32 v1, v4;
	_ =	sdelay $0x1  }
0x84: {  	v3 =	vadd.s32 v1, v3;
	_ =	sdelay $0x2  }
0x85: {  	[tilespmem:s28], [sflag:$0x2] =	stream.indirect_vreg.gather [hbm4b:s3+s2], $0x80, v4, vm0, $0xb8;
	[tilespmem:$0x10C80] =	vst v63  }
0x86: {  	_ = 	snop  }
0x87: {  	[tilespmem:s29], [sflag:$0x2] =	stream.indirect_vreg.gather [hbm4b:s3+s2], $0x80, v3, vm0, $0xb8;
	[tilespmem:$0x10C80] =	vst v63  }
0x88: {  	v3 =	vld [tilespmem:s14+$0x40];
	_ =	sdelay $0x4  }
0x89: {  	v4 =	vshll.u32 v3, $0x1  }
0x8a: {  	v3 =	vand.u32 $0x7, v3;
	v4 =	vand.u32 $0xFFFFFFF0, v4  }
0x8b: {  	v3 =	vor.u32 v3, v4  }
0x8c: {  	v4 =	vperm.xlane v3, v0;
	_ =	sdelay $0x1  }
0x8d: {  	v3 =	vperm.xlane v3, v2;
	v4 =	vadd.s32 v1, v4;
	_ =	sdelay $0x1  }
0x8e: {  	v3 =	vadd.s32 v1, v3;
	_ =	sdelay $0x2  }
0x8f: {  	[tilespmem:s30], [sflag:$0x2] =	stream.indirect_vreg.gather [hbm4b:s3+s2], $0x80, v4, vm0, $0xb8;
	[tilespmem:$0x10C80] =	vst v63  }
0x90: {  	_ = 	snop  }
0x91: {  	[tilespmem:s31], [sflag:$0x2] =	stream.indirect_vreg.gather [hbm4b:s3+s2], $0x80, v3, vm0, $0xb8;
	[tilespmem:$0x10C80] =	vst v63  }
0x92: {  	v3 =	vld [tilespmem:s14+$0x50];
	_ =	sdelay $0x4  }
0x93: {  	v4 =	vshll.u32 v3, $0x1  }
0x94: {  	v3 =	vand.u32 $0x7, v3;
	v4 =	vand.u32 $0xFFFFFFF0, v4  }
0x95: {  	v3 =	vor.u32 v3, v4  }
0x96: {  	v4 =	vperm.xlane v3, v0;
	_ =	sdelay $0x1  }
0x97: {  	v3 =	vperm.xlane v3, v2;
	v4 =	vadd.s32 v1, v4;
	_ =	sdelay $0x1  }
0x98: {  	v3 =	vadd.s32 v1, v3;
	_ =	sdelay $0x2  }
0x99: {  	[tilespmem:s0], [sflag:$0x2] =	stream.indirect_vreg.gather [hbm4b:s3+s2], $0x80, v4, vm0, $0xb8;
	[tilespmem:$0x10C80] =	vst v63  }
0x9a: {  	_ = 	snop  }
0x9b: {  	[tilespmem:s1], [sflag:$0x2] =	stream.indirect_vreg.gather [hbm4b:s3+s2], $0x80, v3, vm0, $0xb8;
	[tilespmem:$0x10C80] =	vst v63  }
0x9c: {  	_ =	swait.ge [sflag:s4], $0x6000  }
0x9d: {  	p0 =	seq.s32 s12, $0x0;
	[sflag:s4] =	ssyncset.done $0x0  }
0x9e: {  	s14 =	simm.s32 @!p0 $0x3;
	[sflag:s4] =	ssyncadd.s32 $0xFFFFA000  }
0x9f: {  	s20 =	simm.s32 $0x100;
	_ =	swait.ge @!p0 [sflag:s14], $0x2000  }
0xa0: {  	s16 =	simm.s32 $0x80;
	s15 =	sand.u32 $0xF800, s20;
	[sflag:s14] =	ssyncset.done @!p0 $0x0  }
0xa1: {  	s19 =	sand.u32 $0x380, s16;
	[sflag:s14] =	ssyncadd.s32 @!p0 $0xFFFFE000;
	s14 =	simm.s32 $0x0  }
0xa2: {  	s15 =	sor.u32 s19, s15;
	s17 =	sand.u32 $0x7800, s14;
	s18 =	sand.u32 $0x380, s14;
	v3 =	vld [tilespmem:s10+$0x0]  }
0xa3: {  	s21 =	simm.s32 $0x200;
	s22 =	simm.s32 $0x100;
	v7 =	vld [tilespmem:s15+$0xC80];
	s16 =	sor.u32 s18, s17  }
0xa4: {  	s17 =	sand.u32 $0xF800, s21;
	s18 =	sand.u32 $0x380, s22;
	v6 =	vld [tilespmem:s16+$0xC80]  }
0xa5: {  	s17 =	sor.u32 s18, s17  }
0xa6: {  	v8 =	vld [tilespmem:s17+$0xC80]  }
0xa7: {  	v5 =	vbroadcast v3, $0x0;
	v4 =	vbroadcast v3, $0x1  }
0xa8: {  	v3 =	vbroadcast v3, $0x2  }
0xa9: {  	v6 =	vmul.f32 v5, v6;
	v7 =	vmul.f32 v7, v4;
	_ =	sdelay $0x1  }
0xaa: {  	v6 =	vadd.f32 v7, v6;
	v7 =	vmul.f32 v8, v3;
	_ =	sdelay $0x1  }
0xab: {  	s23 =	sand.u32 $0x1800, s14;
	s24 =	sand.u32 $0x380, s14;
	v6 =	vadd.f32 v7, v6  }
0xac: {  	s18 =	sor.u32 s24, s23  }
0xad: {  	[tilespmem:s18+$0xCC80] =	vst v6  }
0xae: {  	v6 =	vld [tilespmem:s16+$0xC90]  }
0xaf: {  	v7 =	vld [tilespmem:s15+$0xC90];
	_ =	sdelay $0x1  }
0xb0: {  	v8 =	vld [tilespmem:s17+$0xC90];
	_ =	sdelay $0x2  }
0xb1: {  	v6 =	vmul.f32 v6, v5;
	v7 =	vmul.f32 v7, v4;
	_ =	sdelay $0x1  }
0xb2: {  	v6 =	vadd.f32 v7, v6;
	v7 =	vmul.f32 v8, v3;
	_ =	sdelay $0x1  }
0xb3: {  	v6 =	vadd.f32 v7, v6;
	_ =	sdelay $0x1  }
0xb4: {  	[tilespmem:s18+$0xCC90] =	vst v6  }
0xb5: {  	v6 =	vld [tilespmem:s16+$0xCA0]  }
0xb6: {  	v7 =	vld [tilespmem:s15+$0xCA0];
	_ =	sdelay $0x1  }
0xb7: {  	v8 =	vld [tilespmem:s17+$0xCA0];
	_ =	sdelay $0x2  }
0xb8: {  	v6 =	vmul.f32 v6, v5;
	v7 =	vmul.f32 v7, v4;
	_ =	sdelay $0x1  }
0xb9: {  	v8 =	vmul.f32 v8, v3;
	v6 =	vadd.f32 v7, v6;
	_ =	sdelay $0x1  }
0xba: {  	v6 =	vadd.f32 v8, v6;
	_ =	sdelay $0x1  }
0xbb: {  	[tilespmem:s18+$0xCCA0] =	vst v6  }
0xbc: {  	v6 =	vld [tilespmem:s16+$0xCB0]  }
0xbd: {  	v7 =	vld [tilespmem:s15+$0xCB0];
	_ =	sdelay $0x1  }
0xbe: {  	v8 =	vld [tilespmem:s17+$0xCB0];
	_ =	sdelay $0x2  }
0xbf: {  	v6 =	vmul.f32 v6, v5;
	v7 =	vmul.f32 v7, v4;
	_ =	sdelay $0x1  }
0xc0: {  	v6 =	vadd.f32 v7, v6;
	v7 =	vmul.f32 v8, v3;
	_ =	sdelay $0x1  }
0xc1: {  	v6 =	vadd.f32 v7, v6;
	_ =	sdelay $0x1  }
0xc2: {  	[tilespmem:s18+$0xCCB0] =	vst v6  }
0xc3: {  	v6 =	vld [tilespmem:s16+$0xCC0]  }
0xc4: {  	v7 =	vld [tilespmem:s15+$0xCC0];
	_ =	sdelay $0x1  }
0xc5: {  	v8 =	vld [tilespmem:s17+$0xCC0];
	_ =	sdelay $0x2  }
0xc6: {  	v6 =	vmul.f32 v6, v5;
	v7 =	vmul.f32 v7, v4;
	_ =	sdelay $0x1  }
0xc7: {  	v8 =	vmul.f32 v8, v3;
	v6 =	vadd.f32 v7, v6;
	_ =	sdelay $0x1  }
0xc8: {  	v6 =	vadd.f32 v8, v6;
	_ =	sdelay $0x1  }
0xc9: {  	[tilespmem:s18+$0xCCC0] =	vst v6  }
0xca: {  	v6 =	vld [tilespmem:s16+$0xCD0]  }
0xcb: {  	v7 =	vld [tilespmem:s15+$0xCD0];
	_ =	sdelay $0x1  }
0xcc: {  	v8 =	vld [tilespmem:s17+$0xCD0];
	_ =	sdelay $0x2  }
0xcd: {  	v6 =	vmul.f32 v6, v5;
	v7 =	vmul.f32 v7, v4;
	_ =	sdelay $0x1  }
0xce: {  	v8 =	vmul.f32 v8, v3;
	v6 =	vadd.f32 v7, v6;
	_ =	sdelay $0x1  }
0xcf: {  	v6 =	vadd.f32 v8, v6;
	_ =	sdelay $0x1  }
0xd0: {  	[tilespmem:s18+$0xCCD0] =	vst v6  }
0xd1: {  	v6 =	vld [tilespmem:s16+$0xCE0]  }
0xd2: {  	v7 =	vld [tilespmem:s15+$0xCE0];
	_ =	sdelay $0x1  }
0xd3: {  	v8 =	vld [tilespmem:s17+$0xCE0];
	_ =	sdelay $0x2  }
0xd4: {  	v6 =	vmul.f32 v6, v5;
	v7 =	vmul.f32 v7, v4;
	_ =	sdelay $0x1  }
0xd5: {  	v8 =	vmul.f32 v8, v3;
	v6 =	vadd.f32 v7, v6;
	_ =	sdelay $0x1  }
0xd6: {  	v6 =	vadd.f32 v8, v6;
	_ =	sdelay $0x1  }
0xd7: {  	[tilespmem:s18+$0xCCE0] =	vst v6  }
0xd8: {  	v6 =	vld [tilespmem:s16+$0xCF0]  }
0xd9: {  	v7 =	vld [tilespmem:s15+$0xCF0];
	_ =	sdelay $0x1  }
0xda: {  	v8 =	vld [tilespmem:s17+$0xCF0];
	_ =	sdelay $0x2  }
0xdb: {  	v6 =	vmul.f32 v6, v5;
	v7 =	vmul.f32 v7, v4;
	_ =	sdelay $0x1  }
0xdc: {  	v8 =	vmul.f32 v8, v3;
	v6 =	vadd.f32 v7, v6;
	_ =	sdelay $0x1  }
0xdd: {  	v6 =	vadd.f32 v8, v6;
	_ =	sdelay $0x1  }
0xde: {  	[tilespmem:s18+$0xCCF0] =	vst v6  }
0xdf: {  	v6 =	vld [tilespmem:s16+$0x1080]  }
0xe0: {  	v7 =	vld [tilespmem:s15+$0x1080];
	_ =	sdelay $0x1  }
0xe1: {  	v8 =	vld [tilespmem:s17+$0x1080];
	_ =	sdelay $0x2  }
0xe2: {  	v6 =	vmul.f32 v6, v5;
	v7 =	vmul.f32 v7, v4;
	_ =	sdelay $0x1  }
0xe3: {  	v8 =	vmul.f32 v8, v3;
	v6 =	vadd.f32 v7, v6;
	_ =	sdelay $0x1  }
0xe4: {  	v6 =	vadd.f32 v8, v6;
	_ =	sdelay $0x1  }
0xe5: {  	[tilespmem:s18+$0xD080] =	vst v6  }
0xe6: {  	v6 =	vld [tilespmem:s16+$0x1090]  }
0xe7: {  	v7 =	vld [tilespmem:s15+$0x1090];
	_ =	sdelay $0x1  }
0xe8: {  	v8 =	vld [tilespmem:s17+$0x1090];
	_ =	sdelay $0x2  }
0xe9: {  	v6 =	vmul.f32 v6, v5;
	v7 =	vmul.f32 v7, v4;
	_ =	sdelay $0x1  }
0xea: {  	v8 =	vmul.f32 v8, v3;
	v6 =	vadd.f32 v7, v6;
	_ =	sdelay $0x1  }
0xeb: {  	v6 =	vadd.f32 v8, v6;
	_ =	sdelay $0x1  }
0xec: {  	[tilespmem:s18+$0xD090] =	vst v6  }
0xed: {  	v6 =	vld [tilespmem:s16+$0x10A0]  }
0xee: {  	v7 =	vld [tilespmem:s15+$0x10A0];
	_ =	sdelay $0x1  }
0xef: {  	v8 =	vld [tilespmem:s17+$0x10A0];
	_ =	sdelay $0x2  }
0xf0: {  	v6 =	vmul.f32 v6, v5;
	v7 =	vmul.f32 v7, v4;
	_ =	sdelay $0x1  }
0xf1: {  	v8 =	vmul.f32 v8, v3;
	v6 =	vadd.f32 v7, v6;
	_ =	sdelay $0x1  }
0xf2: {  	v6 =	vadd.f32 v8, v6;
	_ =	sdelay $0x1  }
0xf3: {  	[tilespmem:s18+$0xD0A0] =	vst v6  }
0xf4: {  	v6 =	vld [tilespmem:s16+$0x10B0]  }
0xf5: {  	v7 =	vld [tilespmem:s15+$0x10B0];
	_ =	sdelay $0x1  }
0xf6: {  	v8 =	vld [tilespmem:s17+$0x10B0];
	_ =	sdelay $0x2  }
0xf7: {  	v6 =	vmul.f32 v6, v5;
	v7 =	vmul.f32 v7, v4;
	_ =	sdelay $0x1  }
0xf8: {  	v6 =	vadd.f32 v7, v6;
	v7 =	vmul.f32 v8, v3;
	_ =	sdelay $0x1  }
0xf9: {  	v6 =	vadd.f32 v7, v6;
	_ =	sdelay $0x1  }
0xfa: {  	[tilespmem:s18+$0xD0B0] =	vst v6  }
0xfb: {  	v6 =	vld [tilespmem:s15+$0x10C0]  }
0xfc: {  	v7 =	vld [tilespmem:s16+$0x10C0];
	_ =	sdelay $0x1  }
0xfd: {  	v8 =	vld [tilespmem:s17+$0x10C0];
	_ =	sdelay $0x2  }
0xfe: {  	v6 =	vmul.f32 v6, v4;
	v7 =	vmul.f32 v7, v5;
	_ =	sdelay $0x1  }
0xff: {  	v8 =	vmul.f32 v8, v3;
	v6 =	vadd.f32 v6, v7;
	_ =	sdelay $0x1  }
0x100: {  	v6 =	vadd.f32 v8, v6;
	_ =	sdelay $0x1  }
0x101: {  	[tilespmem:s18+$0xD0C0] =	vst v6  }
0x102: {  	v6 =	vld [tilespmem:s16+$0x10D0]  }
0x103: {  	v7 =	vld [tilespmem:s15+$0x10D0];
	_ =	sdelay $0x1  }
0x104: {  	v8 =	vld [tilespmem:s17+$0x10D0];
	_ =	sdelay $0x2  }
0x105: {  	v6 =	vmul.f32 v6, v5;
	v7 =	vmul.f32 v7, v4;
	_ =	sdelay $0x1  }
0x106: {  	v8 =	vmul.f32 v8, v3;
	v6 =	vadd.f32 v7, v6;
	_ =	sdelay $0x1  }
0x107: {  	v6 =	vadd.f32 v8, v6;
	_ =	sdelay $0x1  }
0x108: {  	[tilespmem:s18+$0xD0D0] =	vst v6  }
0x109: {  	v6 =	vld [tilespmem:s16+$0x10E0]  }
0x10a: {  	v7 =	vld [tilespmem:s15+$0x10E0]  }
0x10b: {  	s20 =	simm.s32 $0x180;
	s19 =	smul.u32 $0x300, s12;
	v8 =	vld [tilespmem:s17+$0x10E0]  }
0x10c: {  	s21 =	sadd.s32 $0x3, s10;
	s22 =	simm.s32 $0x0;
	s23 =	simm.s32 $0x0  }
.LBB2_3:
0x10d: {  	s14 =	sadd.s32 $0x80, s14;
	s22 =	sadd.s32 $0x100, s22;
	s23 =	sadd.s32 $0x300, s23  }
0x10e: {  	p1 =	sne.s32 s20, $0x2E80;
	s24 =	smov.u32 s20;
	s20 =	sadd.s32 $0x180, s20;
	v6 =	vmul.f32 v6, v5  }
0x10f: {  	v7 =	vmul.f32 v7, v4  }
0x110: {  	v8 =	vmul.f32 v8, v3  }
0x111: {  	v6 =	vadd.f32 v7, v6;
	_ =	sdelay $0x1  }
0x112: {  	v6 =	vadd.f32 v8, v6;
	_ =	sdelay $0x1  }
0x113: {  	[tilespmem:s18+$0xD0E0] =	vst v6  }
0x114: {  	v6 =	vld [tilespmem:s16+$0x10F0]  }
0x115: {  	v7 =	vld [tilespmem:s15+$0x10F0]  }
0x116: {  	v8 =	vld [tilespmem:s17+$0x10F0];
	_ =	sdelay $0x2  }
0x117: {  	v5 =	vmul.f32 v6, v5  }
0x118: {  	s16 =	sadd.s32 $0x80, s24;
	s15 =	sadd.s32 $0x100, s23;
	v4 =	vmul.f32 v7, v4  }
0x119: {  	s16 =	sand.u32 $0x380, s16;
	s15 =	sand.u32 $0xF800, s15;
	v3 =	vmul.f32 v8, v3  }
0x11a: {  	s15 =	sor.u32 s16, s15;
	v4 =	vadd.f32 v4, v5;
	_ =	sdelay $0x1  }
0x11b: {  	v3 =	vadd.f32 v3, v4;
	_ =	sdelay $0x1  }
0x11c: {  	s17 =	sand.u32 $0x380, s24;
	s16 =	sand.u32 $0x7800, s23;
	[tilespmem:s18+$0xD0F0] =	vst v3  }
0x11d: {  	s16 =	sor.u32 s17, s16;
	v3 =	vld [tilespmem:s21+$0x0]  }
0x11e: {  	s17 =	sadd.s32 $0x200, s23;
	s18 =	sadd.s32 $0x100, s24;
	v6 =	vld [tilespmem:s16+$0xC80]  }
0x11f: {  	s17 =	sand.u32 $0xF800, s17;
	s18 =	sand.u32 $0x380, s18;
	v7 =	vld [tilespmem:s15+$0xC80]  }
0x120: {  	s17 =	sor.u32 s18, s17  }
0x121: {  	v8 =	vld [tilespmem:s17+$0xC80]  }
0x122: {  	v5 =	vbroadcast v3, $0x0;
	v4 =	vbroadcast v3, $0x1  }
0x123: {  	v3 =	vbroadcast v3, $0x2  }
0x124: {  	v6 =	vmul.f32 v5, v6;
	v7 =	vmul.f32 v7, v4;
	_ =	sdelay $0x1  }
0x125: {  	v6 =	vadd.f32 v7, v6;
	v7 =	vmul.f32 v8, v3;
	_ =	sdelay $0x1  }
0x126: {  	s24 =	sand.u32 $0x380, s14;
	s18 =	sand.u32 $0x1800, s22;
	v6 =	vadd.f32 v7, v6  }
0x127: {  	s18 =	sor.u32 s24, s18  }
0x128: {  	[tilespmem:s18+$0xCC80] =	vst v6  }
0x129: {  	v6 =	vld [tilespmem:s16+$0xC90]  }
0x12a: {  	v7 =	vld [tilespmem:s15+$0xC90];
	_ =	sdelay $0x1  }
0x12b: {  	v8 =	vld [tilespmem:s17+$0xC90];
	_ =	sdelay $0x1  }
0x12c: {  	v6 =	vmul.f32 v6, v5  }
0x12d: {  	v7 =	vmul.f32 v7, v4;
	_ =	sdelay $0x1  }
0x12e: {  	v6 =	vadd.f32 v7, v6;
	v7 =	vmul.f32 v8, v3;
	_ =	sdelay $0x1  }
0x12f: {  	v6 =	vadd.f32 v7, v6;
	_ =	sdelay $0x1  }
0x130: {  	[tilespmem:s18+$0xCC90] =	vst v6  }
0x131: {  	v6 =	vld [tilespmem:s16+$0xCA0]  }
0x132: {  	v7 =	vld [tilespmem:s15+$0xCA0]  }
0x133: {  	v8 =	vld [tilespmem:s17+$0xCA0];
	_ =	sdelay $0x2  }
0x134: {  	v6 =	vmul.f32 v6, v5  }
0x135: {  	v7 =	vmul.f32 v7, v4  }
0x136: {  	v8 =	vmul.f32 v8, v3  }
0x137: {  	v6 =	vadd.f32 v7, v6;
	_ =	sdelay $0x1  }
0x138: {  	v6 =	vadd.f32 v8, v6;
	_ =	sdelay $0x1  }
0x139: {  	[tilespmem:s18+$0xCCA0] =	vst v6  }
0x13a: {  	v6 =	vld [tilespmem:s16+$0xCB0]  }
0x13b: {  	v7 =	vld [tilespmem:s15+$0xCB0];
	_ =	sdelay $0x1  }
0x13c: {  	v8 =	vld [tilespmem:s17+$0xCB0];
	_ =	sdelay $0x1  }
0x13d: {  	v6 =	vmul.f32 v6, v5  }
0x13e: {  	v7 =	vmul.f32 v7, v4;
	_ =	sdelay $0x1  }
0x13f: {  	v6 =	vadd.f32 v7, v6;
	v7 =	vmul.f32 v8, v3;
	_ =	sdelay $0x1  }
0x140: {  	v6 =	vadd.f32 v7, v6;
	_ =	sdelay $0x1  }
0x141: {  	[tilespmem:s18+$0xCCB0] =	vst v6  }
0x142: {  	v6 =	vld [tilespmem:s16+$0xCC0]  }
0x143: {  	v7 =	vld [tilespmem:s15+$0xCC0]  }
0x144: {  	v8 =	vld [tilespmem:s17+$0xCC0];
	_ =	sdelay $0x2  }
0x145: {  	v6 =	vmul.f32 v6, v5  }
0x146: {  	v7 =	vmul.f32 v7, v4  }
0x147: {  	v8 =	vmul.f32 v8, v3  }
0x148: {  	v6 =	vadd.f32 v7, v6;
	_ =	sdelay $0x1  }
0x149: {  	v6 =	vadd.f32 v8, v6;
	_ =	sdelay $0x1  }
0x14a: {  	[tilespmem:s18+$0xCCC0] =	vst v6  }
0x14b: {  	v6 =	vld [tilespmem:s16+$0xCD0]  }
0x14c: {  	v7 =	vld [tilespmem:s15+$0xCD0]  }
0x14d: {  	v8 =	vld [tilespmem:s17+$0xCD0];
	_ =	sdelay $0x2  }
0x14e: {  	v6 =	vmul.f32 v6, v5  }
0x14f: {  	v7 =	vmul.f32 v7, v4  }
0x150: {  	v8 =	vmul.f32 v8, v3  }
0x151: {  	v6 =	vadd.f32 v7, v6;
	_ =	sdelay $0x1  }
0x152: {  	v6 =	vadd.f32 v8, v6;
	_ =	sdelay $0x1  }
0x153: {  	[tilespmem:s18+$0xCCD0] =	vst v6  }
0x154: {  	v6 =	vld [tilespmem:s16+$0xCE0]  }
0x155: {  	v7 =	vld [tilespmem:s15+$0xCE0]  }
0x156: {  	v8 =	vld [tilespmem:s17+$0xCE0];
	_ =	sdelay $0x2  }
0x157: {  	v6 =	vmul.f32 v6, v5  }
0x158: {  	v7 =	vmul.f32 v7, v4  }
0x159: {  	v8 =	vmul.f32 v8, v3  }
0x15a: {  	v6 =	vadd.f32 v7, v6;
	_ =	sdelay $0x1  }
0x15b: {  	v6 =	vadd.f32 v8, v6;
	_ =	sdelay $0x1  }
0x15c: {  	[tilespmem:s18+$0xCCE0] =	vst v6  }
0x15d: {  	v6 =	vld [tilespmem:s16+$0xCF0]  }
0x15e: {  	v7 =	vld [tilespmem:s15+$0xCF0]  }
0x15f: {  	v8 =	vld [tilespmem:s17+$0xCF0];
	_ =	sdelay $0x2  }
0x160: {  	v6 =	vmul.f32 v6, v5  }
0x161: {  	v7 =	vmul.f32 v7, v4  }
0x162: {  	v8 =	vmul.f32 v8, v3  }
0x163: {  	v6 =	vadd.f32 v7, v6;
	_ =	sdelay $0x1  }
0x164: {  	v6 =	vadd.f32 v8, v6;
	_ =	sdelay $0x1  }
0x165: {  	[tilespmem:s18+$0xCCF0] =	vst v6  }
0x166: {  	v6 =	vld [tilespmem:s16+$0x1080]  }
0x167: {  	v7 =	vld [tilespmem:s15+$0x1080]  }
0x168: {  	v8 =	vld [tilespmem:s17+$0x1080];
	_ =	sdelay $0x2  }
0x169: {  	v6 =	vmul.f32 v6, v5  }
0x16a: {  	v7 =	vmul.f32 v7, v4  }
0x16b: {  	v8 =	vmul.f32 v8, v3  }
0x16c: {  	v6 =	vadd.f32 v7, v6;
	_ =	sdelay $0x1  }
0x16d: {  	v6 =	vadd.f32 v8, v6;
	_ =	sdelay $0x1  }
0x16e: {  	[tilespmem:s18+$0xD080] =	vst v6  }
0x16f: {  	v6 =	vld [tilespmem:s16+$0x1090]  }
0x170: {  	v7 =	vld [tilespmem:s15+$0x1090]  }
0x171: {  	v8 =	vld [tilespmem:s17+$0x1090];
	_ =	sdelay $0x2  }
0x172: {  	v6 =	vmul.f32 v6, v5  }
0x173: {  	v7 =	vmul.f32 v7, v4  }
0x174: {  	v8 =	vmul.f32 v8, v3  }
0x175: {  	v6 =	vadd.f32 v7, v6;
	_ =	sdelay $0x1  }
0x176: {  	v6 =	vadd.f32 v8, v6;
	_ =	sdelay $0x1  }
0x177: {  	[tilespmem:s18+$0xD090] =	vst v6  }
0x178: {  	v6 =	vld [tilespmem:s16+$0x10A0]  }
0x179: {  	v7 =	vld [tilespmem:s15+$0x10A0]  }
0x17a: {  	v8 =	vld [tilespmem:s17+$0x10A0];
	_ =	sdelay $0x2  }
0x17b: {  	v6 =	vmul.f32 v6, v5  }
0x17c: {  	v7 =	vmul.f32 v7, v4  }
0x17d: {  	v8 =	vmul.f32 v8, v3  }
0x17e: {  	v6 =	vadd.f32 v7, v6;
	_ =	sdelay $0x1  }
0x17f: {  	v6 =	vadd.f32 v8, v6;
	_ =	sdelay $0x1  }
0x180: {  	[tilespmem:s18+$0xD0A0] =	vst v6  }
0x181: {  	v6 =	vld [tilespmem:s16+$0x10B0]  }
0x182: {  	v7 =	vld [tilespmem:s15+$0x10B0]  }
0x183: {  	v8 =	vld [tilespmem:s17+$0x10B0];
	_ =	sdelay $0x2  }
0x184: {  	v6 =	vmul.f32 v6, v5  }
0x185: {  	v7 =	vmul.f32 v7, v4;
	_ =	sdelay $0x1  }
0x186: {  	v6 =	vadd.f32 v7, v6;
	v7 =	vmul.f32 v8, v3;
	_ =	sdelay $0x1  }
0x187: {  	v6 =	vadd.f32 v7, v6;
	_ =	sdelay $0x1  }
0x188: {  	[tilespmem:s18+$0xD0B0] =	vst v6  }
0x189: {  	v6 =	vld [tilespmem:s15+$0x10C0]  }
0x18a: {  	v7 =	vld [tilespmem:s16+$0x10C0]  }
0x18b: {  	v8 =	vld [tilespmem:s17+$0x10C0];
	_ =	sdelay $0x2  }
0x18c: {  	v6 =	vmul.f32 v6, v4  }
0x18d: {  	v7 =	vmul.f32 v7, v5  }
0x18e: {  	v8 =	vmul.f32 v8, v3  }
0x18f: {  	v6 =	vadd.f32 v6, v7;
	_ =	sdelay $0x1  }
0x190: {  	v6 =	vadd.f32 v8, v6;
	_ =	sdelay $0x1  }
0x191: {  	[tilespmem:s18+$0xD0C0] =	vst v6  }
0x192: {  	v6 =	vld [tilespmem:s16+$0x10D0]  }
0x193: {  	v7 =	vld [tilespmem:s15+$0x10D0]  }
0x194: {  	v8 =	vld [tilespmem:s17+$0x10D0];
	_ =	sdelay $0x2  }
0x195: {  	v6 =	vmul.f32 v6, v5  }
0x196: {  	v7 =	vmul.f32 v7, v4  }
0x197: {  	v8 =	vmul.f32 v8, v3  }
0x198: {  	v6 =	vadd.f32 v7, v6;
	_ =	sdelay $0x1  }
0x199: {  	v6 =	vadd.f32 v8, v6;
	_ =	sdelay $0x1  }
.Ltmp0:
0x19a: {  	[tilespmem:s18+$0xD0D0] =	vst v6;
	(pc) =	sbr.rel @p1 .LBB2_3-.Ltmp0, $4  }
0x19b: {  	v6 =	vld [tilespmem:s16+$0x10E0]  }
0x19c: {  	v7 =	vld [tilespmem:s15+$0x10E0]  }
0x19d: {  	v8 =	vld [tilespmem:s17+$0x10E0]  }
0x19e: {  	s21 =	sadd.s32 $0x3, s21  }
0x19f: {  	_ =	sdelay $0x1  }
0x1a0: {  	v6 =	vmul.f32 v6, v5;
	v7 =	vmul.f32 v7, v4;
	_ =	sdelay $0x1  }
0x1a1: {  	v8 =	vmul.f32 v8, v3;
	v6 =	vadd.f32 v7, v6;
	_ =	sdelay $0x1  }
0x1a2: {  	v6 =	vadd.f32 v8, v6;
	_ =	sdelay $0x1  }
0x1a3: {  	[tilespmem:s18+$0xD0E0] =	vst v6  }
0x1a4: {  	v6 =	vld [tilespmem:s16+$0x10F0]  }
0x1a5: {  	v60 =	vld [tilespmem:s15+$0x10F0];
	_ =	sdelay $0x1  }
0x1a6: {  	v61 =	vld [tilespmem:s17+$0x10F0];
	_ =	sdelay $0x2  }
0x1a7: {  	v62 =	vmul.f32 v6, v5;
	v63 =	vmul.f32 v60, v4;
	_ =	sdelay $0x1  }
0x1a8: {  	p1 =	sne.s32 s12, $0x7;
	v3 =	vmul.f32 v61, v3;
	v4 =	vadd.f32 v63, v62  }
.Ltmp1:
0x1a9: {  	_ = 	snop;
	(pc) =	sbr.rel @p1 .LBB2_6-.Ltmp1, $4  }
0x1aa: {  	v3 =	vadd.f32 v3, v4  }
0x1ab: {  	s14 =	sshll.u32 s12, $0xB  }
0x1ac: {  	s14 =	sadd.s32 s14, s6;
	[tilespmem:s18+$0xD0F0] =	vst v3  }
0x1ad: {  	[hbm4b:s14+s2] =	stream.linear.scatter [tilespmem:s5], [sflag:$0x3], $0x2000, $0x38;
	[tilespmem:$0x10C80] =	vst v63  }
.Ltmp2:
0x1ae: {  	(pc) =	sbr.rel .LBB2_7-.Ltmp2, $4  }
0x1af: {  	_ = 	snop  }
0x1b0: {  	_ =	swait.ge [sflag:s7], $0x6000  }
0x1b1: {  	[sflag:s7] =	ssyncset.done $0x0  }
0x1b2: {  	[sflag:s7] =	ssyncadd.s32 $0xFFFFA000  }
.LBB2_6:
0x1b3: {  	s14 =	sshra.s32 s19, $0x2  }
0x1b4: {  	v3 =	vld [tilespmem:s14+$0xC0];
	_ =	sdelay $0x4  }
0x1b5: {  	v4 =	vshll.u32 v3, $0x1  }
0x1b6: {  	v3 =	vand.u32 $0x7, v3;
	v4 =	vand.u32 $0xFFFFFFF0, v4  }
0x1b7: {  	v3 =	vor.u32 v3, v4  }
0x1b8: {  	v4 =	vperm.xlane v3, v0;
	_ =	sdelay $0x1  }
0x1b9: {  	v3 =	vperm.xlane v3, v2;
	v4 =	vadd.s32 v1, v4;
	_ =	sdelay $0x1  }
0x1ba: {  	v3 =	vadd.s32 v1, v3;
	_ =	sdelay $0x1  }
0x1bb: {  	s15 =	simm.s32 $0xC80  }
0x1bc: {  	[tilespmem:s15], [sflag:$0x1] =	stream.indirect_vreg.gather [hbm4b:s3+s2], $0x80, v4, vm0, $0xb8;
	[tilespmem:$0x10C80] =	vst v63  }
0x1bd: {  	s23 =	simm.s32 $0x1480  }
0x1be: {  	[tilespmem:s23], [sflag:$0x1] =	stream.indirect_vreg.gather [hbm4b:s3+s2], $0x80, v3, vm0, $0xb8;
	[tilespmem:$0x10C80] =	vst v63  }
0x1bf: {  	v3 =	vld [tilespmem:s14+$0xD0];
	_ =	sdelay $0x4  }
0x1c0: {  	v59 =	vshll.u32 v3, $0x1  }
0x1c1: {  	v3 =	vand.u32 $0x7, v3;
	v4 =	vand.u32 $0xFFFFFFF0, v59  }
0x1c2: {  	v3 =	vor.u32 v3, v4  }
0x1c3: {  	v4 =	vperm.xlane v3, v0;
	_ =	sdelay $0x1  }
0x1c4: {  	v3 =	vperm.xlane v3, v2;
	v4 =	vadd.s32 v1, v4;
	_ =	sdelay $0x1  }
0x1c5: {  	v3 =	vadd.s32 v1, v3;
	_ =	sdelay $0x1  }
0x1c6: {  	s24 =	simm.s32 $0x1C80  }
0x1c7: {  	[tilespmem:s24], [sflag:$0x1] =	stream.indirect_vreg.gather [hbm4b:s3+s2], $0x80, v4, vm0, $0xb8;
	[tilespmem:$0x10C80] =	vst v63  }
0x1c8: {  	s16 =	simm.s32 $0x2480  }
0x1c9: {  	[tilespmem:s16], [sflag:$0x1] =	stream.indirect_vreg.gather [hbm4b:s3+s2], $0x80, v3, vm0, $0xb8;
	[tilespmem:$0x10C80] =	vst v63  }
0x1ca: {  	v3 =	vld [tilespmem:s14+$0xE0];
	_ =	sdelay $0x4  }
0x1cb: {  	v60 =	vshll.u32 v3, $0x1  }
0x1cc: {  	v3 =	vand.u32 $0x7, v3;
	v4 =	vand.u32 $0xFFFFFFF0, v60  }
0x1cd: {  	v3 =	vor.u32 v3, v4  }
0x1ce: {  	v4 =	vperm.xlane v3, v0;
	_ =	sdelay $0x1  }
0x1cf: {  	v3 =	vperm.xlane v3, v2;
	v4 =	vadd.s32 v1, v4;
	_ =	sdelay $0x1  }
0x1d0: {  	v3 =	vadd.s32 v1, v3;
	_ =	sdelay $0x1  }
0x1d1: {  	s17 =	simm.s32 $0x2C80  }
0x1d2: {  	[tilespmem:s17], [sflag:$0x1] =	stream.indirect_vreg.gather [hbm4b:s3+s2], $0x80, v4, vm0, $0xb8;
	[tilespmem:$0x10C80] =	vst v63  }
0x1d3: {  	s18 =	simm.s32 $0x3480  }
0x1d4: {  	[tilespmem:s18], [sflag:$0x1] =	stream.indirect_vreg.gather [hbm4b:s3+s2], $0x80, v3, vm0, $0xb8;
	[tilespmem:$0x10C80] =	vst v63  }
0x1d5: {  	v3 =	vld [tilespmem:s14+$0xF0];
	_ =	sdelay $0x4  }
0x1d6: {  	v61 =	vshll.u32 v3, $0x1  }
0x1d7: {  	v3 =	vand.u32 $0x7, v3;
	v4 =	vand.u32 $0xFFFFFFF0, v61  }
0x1d8: {  	v3 =	vor.u32 v3, v4  }
0x1d9: {  	v4 =	vperm.xlane v3, v0;
	_ =	sdelay $0x1  }
0x1da: {  	v3 =	vperm.xlane v3, v2;
	v4 =	vadd.s32 v1, v4;
	_ =	sdelay $0x1  }
0x1db: {  	v3 =	vadd.s32 v1, v3;
	_ =	sdelay $0x1  }
0x1dc: {  	s19 =	simm.s32 $0x3C80  }
0x1dd: {  	[tilespmem:s19], [sflag:$0x1] =	stream.indirect_vreg.gather [hbm4b:s3+s2], $0x80, v4, vm0, $0xb8;
	[tilespmem:$0x10C80] =	vst v63  }
0x1de: {  	s20 =	simm.s32 $0x4480  }
0x1df: {  	[tilespmem:s20], [sflag:$0x1] =	stream.indirect_vreg.gather [hbm4b:s3+s2], $0x80, v3, vm0, $0xb8;
	[tilespmem:$0x10C80] =	vst v63  }
0x1e0: {  	v3 =	vld [tilespmem:s14+$0x100];
	_ =	sdelay $0x4  }
0x1e1: {  	v62 =	vshll.u32 v3, $0x1  }
0x1e2: {  	v3 =	vand.u32 $0x7, v3;
	v4 =	vand.u32 $0xFFFFFFF0, v62  }
0x1e3: {  	v3 =	vor.u32 v3, v4  }
0x1e4: {  	v4 =	vperm.xlane v3, v0;
	_ =	sdelay $0x1  }
0x1e5: {  	v3 =	vperm.xlane v3, v2;
	v4 =	vadd.s32 v1, v4;
	_ =	sdelay $0x1  }
0x1e6: {  	v3 =	vadd.s32 v1, v3;
	_ =	sdelay $0x1  }
0x1e7: {  	s21 =	simm.s32 $0x4C80  }
0x1e8: {  	[tilespmem:s21], [sflag:$0x1] =	stream.indirect_vreg.gather [hbm4b:s3+s2], $0x80, v4, vm0, $0xb8;
	[tilespmem:$0x10C80] =	vst v63  }
0x1e9: {  	s22 =	simm.s32 $0x5480  }
0x1ea: {  	[tilespmem:s22], [sflag:$0x1] =	stream.indirect_vreg.gather [hbm4b:s3+s2], $0x80, v3, vm0, $0xb8;
	[tilespmem:$0x10C80] =	vst v63  }
0x1eb: {  	v3 =	vld [tilespmem:s14+$0x110];
	_ =	sdelay $0x4  }
0x1ec: {  	v63 =	vshll.u32 v3, $0x1  }
0x1ed: {  	v3 =	vand.u32 $0x7, v3;
	v4 =	vand.u32 $0xFFFFFFF0, v63  }
0x1ee: {  	v3 =	vor.u32 v3, v4  }
0x1ef: {  	v4 =	vperm.xlane v3, v0;
	_ =	sdelay $0x1  }
0x1f0: {  	v3 =	vperm.xlane v3, v2;
	v4 =	vadd.s32 v1, v4;
	_ =	sdelay $0x1  }
0x1f1: {  	v3 =	vadd.s32 v1, v3;
	_ =	sdelay $0x1  }
0x1f2: {  	s23 =	simm.s32 $0x5C80  }
0x1f3: {  	[tilespmem:s23], [sflag:$0x1] =	stream.indirect_vreg.gather [hbm4b:s3+s2], $0x80, v4, vm0, $0xb8;
	[tilespmem:$0x10C80] =	vst v63  }
.Ltmp3:
0x1f4: {  	s24 =	simm.s32 $0x6480;
	(pc) =	sbr.rel @p0 .LBB2_8-.Ltmp3, $4  }
0x1f5: {  	[tilespmem:s24], [sflag:$0x1] =	stream.indirect_vreg.gather [hbm4b:s3+s2], $0x80, v3, vm0, $0xb8;
	[tilespmem:$0x10C80] =	vst v63  }
0x1f6: {  	_ =	swait.ge [sflag:s7], $0x6000  }
0x1f7: {  	[sflag:s7] =	ssyncset.done $0x0  }
0x1f8: {  	[sflag:s7] =	ssyncadd.s32 $0xFFFFA000  }
.LBB2_7:
0x1f9: {  	_ =	swait.ge [sflag:s8], $0x2000  }
0x1fa: {  	[sflag:s8] =	ssyncset.done $0x0  }
0x1fb: {  	[sflag:s8] =	ssyncadd.s32 $0xFFFFE000  }
.LBB2_8:
0x1fc: {  	s14 =	simm.s32 $0x0;
	s15 =	simm.s32 $0x100  }
0x1fd: {  	s16 =	simm.s32 $0x80;
	s17 =	sand.u32 $0x7800, s14;
	s18 =	sand.u32 $0x380, s14  }
0x1fe: {  	v3 =	vld [tilespmem:s11+$0x0];
	s15 =	sand.u32 $0xF800, s15;
	s19 =	sand.u32 $0x380, s16;
	s16 =	sor.u32 s18, s17  }
0x1ff: {  	s21 =	simm.s32 $0x200;
	s22 =	simm.s32 $0x100;
	s15 =	sor.u32 s19, s15;
	v6 =	vld [tilespmem:s16+$0x6C80]  }
0x200: {  	s17 =	sand.u32 $0xF800, s21;
	s18 =	sand.u32 $0x380, s22;
	v7 =	vld [tilespmem:s15+$0x6C80]  }
0x201: {  	s17 =	sor.u32 s18, s17  }
0x202: {  	v8 =	vld [tilespmem:s17+$0x6C80]  }
0x203: {  	v5 =	vbroadcast v3, $0x0;
	v4 =	vbroadcast v3, $0x1  }
0x204: {  	v3 =	vbroadcast v3, $0x2  }
0x205: {  	v6 =	vmul.f32 v5, v6;
	v7 =	vmul.f32 v7, v4;
	_ =	sdelay $0x1  }
0x206: {  	v6 =	vadd.f32 v7, v6;
	v7 =	vmul.f32 v8, v3;
	_ =	sdelay $0x1  }
0x207: {  	s23 =	sand.u32 $0x1800, s14;
	s24 =	sand.u32 $0x380, s14;
	v6 =	vadd.f32 v7, v6  }
0x208: {  	s18 =	sor.u32 s24, s23  }
0x209: {  	[tilespmem:s18+$0xEC80] =	vst v6  }
0x20a: {  	v6 =	vld [tilespmem:s16+$0x6C90]  }
0x20b: {  	v7 =	vld [tilespmem:s15+$0x6C90];
	_ =	sdelay $0x1  }
0x20c: {  	v8 =	vld [tilespmem:s17+$0x6C90];
	_ =	sdelay $0x2  }
0x20d: {  	v6 =	vmul.f32 v6, v5;
	v7 =	vmul.f32 v7, v4;
	_ =	sdelay $0x1  }
0x20e: {  	v6 =	vadd.f32 v7, v6;
	v7 =	vmul.f32 v8, v3;
	_ =	sdelay $0x1  }
0x20f: {  	v6 =	vadd.f32 v7, v6;
	_ =	sdelay $0x1  }
0x210: {  	[tilespmem:s18+$0xEC90] =	vst v6  }
0x211: {  	v6 =	vld [tilespmem:s16+$0x6CA0]  }
0x212: {  	v7 =	vld [tilespmem:s15+$0x6CA0];
	_ =	sdelay $0x1  }
0x213: {  	v8 =	vld [tilespmem:s17+$0x6CA0];
	_ =	sdelay $0x2  }
0x214: {  	v6 =	vmul.f32 v6, v5;
	v7 =	vmul.f32 v7, v4;
	_ =	sdelay $0x1  }
0x215: {  	v8 =	vmul.f32 v8, v3;
	v6 =	vadd.f32 v7, v6;
	_ =	sdelay $0x1  }
0x216: {  	v6 =	vadd.f32 v8, v6;
	_ =	sdelay $0x1  }
0x217: {  	[tilespmem:s18+$0xECA0] =	vst v6  }
0x218: {  	v6 =	vld [tilespmem:s16+$0x6CB0]  }
0x219: {  	v7 =	vld [tilespmem:s15+$0x6CB0];
	_ =	sdelay $0x1  }
0x21a: {  	v8 =	vld [tilespmem:s17+$0x6CB0];
	_ =	sdelay $0x2  }
0x21b: {  	v6 =	vmul.f32 v6, v5;
	v7 =	vmul.f32 v7, v4;
	_ =	sdelay $0x1  }
0x21c: {  	v6 =	vadd.f32 v7, v6;
	v7 =	vmul.f32 v8, v3;
	_ =	sdelay $0x1  }
0x21d: {  	v6 =	vadd.f32 v7, v6;
	_ =	sdelay $0x1  }
0x21e: {  	[tilespmem:s18+$0xECB0] =	vst v6  }
0x21f: {  	v6 =	vld [tilespmem:s16+$0x6CC0]  }
0x220: {  	v7 =	vld [tilespmem:s15+$0x6CC0];
	_ =	sdelay $0x1  }
0x221: {  	v8 =	vld [tilespmem:s17+$0x6CC0];
	_ =	sdelay $0x2  }
0x222: {  	v6 =	vmul.f32 v6, v5;
	v7 =	vmul.f32 v7, v4;
	_ =	sdelay $0x1  }
0x223: {  	v8 =	vmul.f32 v8, v3;
	v6 =	vadd.f32 v7, v6;
	_ =	sdelay $0x1  }
0x224: {  	v6 =	vadd.f32 v8, v6;
	_ =	sdelay $0x1  }
0x225: {  	[tilespmem:s18+$0xECC0] =	vst v6  }
0x226: {  	v6 =	vld [tilespmem:s16+$0x6CD0]  }
0x227: {  	v7 =	vld [tilespmem:s15+$0x6CD0];
	_ =	sdelay $0x1  }
0x228: {  	v8 =	vld [tilespmem:s17+$0x6CD0];
	_ =	sdelay $0x2  }
0x229: {  	v6 =	vmul.f32 v6, v5;
	v7 =	vmul.f32 v7, v4;
	_ =	sdelay $0x1  }
0x22a: {  	v8 =	vmul.f32 v8, v3;
	v6 =	vadd.f32 v7, v6;
	_ =	sdelay $0x1  }
0x22b: {  	v6 =	vadd.f32 v8, v6;
	_ =	sdelay $0x1  }
0x22c: {  	[tilespmem:s18+$0xECD0] =	vst v6  }
0x22d: {  	v6 =	vld [tilespmem:s16+$0x6CE0]  }
0x22e: {  	v7 =	vld [tilespmem:s15+$0x6CE0];
	_ =	sdelay $0x1  }
0x22f: {  	v8 =	vld [tilespmem:s17+$0x6CE0];
	_ =	sdelay $0x2  }
0x230: {  	v6 =	vmul.f32 v6, v5;
	v7 =	vmul.f32 v7, v4;
	_ =	sdelay $0x1  }
0x231: {  	v8 =	vmul.f32 v8, v3;
	v6 =	vadd.f32 v7, v6;
	_ =	sdelay $0x1  }
0x232: {  	v6 =	vadd.f32 v8, v6;
	_ =	sdelay $0x1  }
0x233: {  	[tilespmem:s18+$0xECE0] =	vst v6  }
0x234: {  	v6 =	vld [tilespmem:s16+$0x6CF0]  }
0x235: {  	v7 =	vld [tilespmem:s15+$0x6CF0];
	_ =	sdelay $0x1  }
0x236: {  	v8 =	vld [tilespmem:s17+$0x6CF0];
	_ =	sdelay $0x2  }
0x237: {  	v6 =	vmul.f32 v6, v5;
	v7 =	vmul.f32 v7, v4;
	_ =	sdelay $0x1  }
0x238: {  	v8 =	vmul.f32 v8, v3;
	v6 =	vadd.f32 v7, v6;
	_ =	sdelay $0x1  }
0x239: {  	v6 =	vadd.f32 v8, v6;
	_ =	sdelay $0x1  }
0x23a: {  	[tilespmem:s18+$0xECF0] =	vst v6  }
0x23b: {  	v6 =	vld [tilespmem:s16+$0x7080]  }
0x23c: {  	v7 =	vld [tilespmem:s15+$0x7080];
	_ =	sdelay $0x1  }
0x23d: {  	v8 =	vld [tilespmem:s17+$0x7080];
	_ =	sdelay $0x2  }
0x23e: {  	v6 =	vmul.f32 v6, v5;
	v7 =	vmul.f32 v7, v4;
	_ =	sdelay $0x1  }
0x23f: {  	v8 =	vmul.f32 v8, v3;
	v6 =	vadd.f32 v7, v6;
	_ =	sdelay $0x1  }
0x240: {  	v6 =	vadd.f32 v8, v6;
	_ =	sdelay $0x1  }
0x241: {  	[tilespmem:s18+$0xF080] =	vst v6  }
0x242: {  	v6 =	vld [tilespmem:s16+$0x7090]  }
0x243: {  	v7 =	vld [tilespmem:s15+$0x7090];
	_ =	sdelay $0x1  }
0x244: {  	v8 =	vld [tilespmem:s17+$0x7090];
	_ =	sdelay $0x2  }
0x245: {  	v6 =	vmul.f32 v6, v5;
	v7 =	vmul.f32 v7, v4;
	_ =	sdelay $0x1  }
0x246: {  	v8 =	vmul.f32 v8, v3;
	v6 =	vadd.f32 v7, v6;
	_ =	sdelay $0x1  }
0x247: {  	v6 =	vadd.f32 v8, v6;
	_ =	sdelay $0x1  }
0x248: {  	[tilespmem:s18+$0xF090] =	vst v6  }
0x249: {  	v6 =	vld [tilespmem:s16+$0x70A0]  }
0x24a: {  	v7 =	vld [tilespmem:s15+$0x70A0];
	_ =	sdelay $0x1  }
0x24b: {  	v8 =	vld [tilespmem:s17+$0x70A0];
	_ =	sdelay $0x2  }
0x24c: {  	v6 =	vmul.f32 v6, v5;
	v7 =	vmul.f32 v7, v4;
	_ =	sdelay $0x1  }
0x24d: {  	v8 =	vmul.f32 v8, v3;
	v6 =	vadd.f32 v7, v6;
	_ =	sdelay $0x1  }
0x24e: {  	v6 =	vadd.f32 v8, v6;
	_ =	sdelay $0x1  }
0x24f: {  	[tilespmem:s18+$0xF0A0] =	vst v6  }
0x250: {  	v6 =	vld [tilespmem:s16+$0x70B0]  }
0x251: {  	v7 =	vld [tilespmem:s15+$0x70B0];
	_ =	sdelay $0x1  }
0x252: {  	v8 =	vld [tilespmem:s17+$0x70B0];
	_ =	sdelay $0x2  }
0x253: {  	v6 =	vmul.f32 v6, v5;
	v7 =	vmul.f32 v7, v4;
	_ =	sdelay $0x1  }
0x254: {  	v6 =	vadd.f32 v7, v6;
	v7 =	vmul.f32 v8, v3;
	_ =	sdelay $0x1  }
0x255: {  	v6 =	vadd.f32 v7, v6;
	_ =	sdelay $0x1  }
0x256: {  	[tilespmem:s18+$0xF0B0] =	vst v6  }
0x257: {  	v6 =	vld [tilespmem:s15+$0x70C0]  }
0x258: {  	v7 =	vld [tilespmem:s16+$0x70C0];
	_ =	sdelay $0x1  }
0x259: {  	v8 =	vld [tilespmem:s17+$0x70C0];
	_ =	sdelay $0x2  }
0x25a: {  	v6 =	vmul.f32 v6, v4;
	v7 =	vmul.f32 v7, v5;
	_ =	sdelay $0x1  }
0x25b: {  	v8 =	vmul.f32 v8, v3;
	v6 =	vadd.f32 v6, v7;
	_ =	sdelay $0x1  }
0x25c: {  	v6 =	vadd.f32 v8, v6;
	_ =	sdelay $0x1  }
0x25d: {  	[tilespmem:s18+$0xF0C0] =	vst v6  }
0x25e: {  	v6 =	vld [tilespmem:s16+$0x70D0]  }
0x25f: {  	v7 =	vld [tilespmem:s15+$0x70D0];
	_ =	sdelay $0x1  }
0x260: {  	v8 =	vld [tilespmem:s17+$0x70D0];
	_ =	sdelay $0x2  }
0x261: {  	v6 =	vmul.f32 v6, v5;
	v7 =	vmul.f32 v7, v4;
	_ =	sdelay $0x1  }
0x262: {  	v8 =	vmul.f32 v8, v3;
	v6 =	vadd.f32 v7, v6;
	_ =	sdelay $0x1  }
0x263: {  	v6 =	vadd.f32 v8, v6;
	_ =	sdelay $0x1  }
0x264: {  	[tilespmem:s18+$0xF0D0] =	vst v6  }
0x265: {  	v8 =	vld [tilespmem:s16+$0x70E0]  }
0x266: {  	v6 =	vld [tilespmem:s15+$0x70E0]  }
0x267: {  	s20 =	sadd.s32 $0x3, s11;
	v7 =	vld [tilespmem:s17+$0x70E0]  }
0x268: {  	s19 =	simm.s32 $0x180;
	s21 =	simm.s32 $0x0;
	s22 =	simm.s32 $0x0  }
.LBB2_9:
0x269: {  	s14 =	sadd.s32 $0x80, s14;
	s21 =	sadd.s32 $0x100, s21;
	s22 =	sadd.s32 $0x300, s22  }
0x26a: {  	p0 =	sne.s32 s19, $0x2E80;
	s23 =	smov.u32 s19;
	s19 =	sadd.s32 $0x180, s19;
	v8 =	vmul.f32 v8, v5  }
0x26b: {  	v6 =	vmul.f32 v6, v4  }
0x26c: {  	v7 =	vmul.f32 v7, v3  }
0x26d: {  	v6 =	vadd.f32 v6, v8;
	_ =	sdelay $0x1  }
0x26e: {  	v6 =	vadd.f32 v7, v6;
	_ =	sdelay $0x1  }
0x26f: {  	[tilespmem:s18+$0xF0E0] =	vst v6  }
0x270: {  	v6 =	vld [tilespmem:s16+$0x70F0]  }
0x271: {  	v7 =	vld [tilespmem:s15+$0x70F0]  }
0x272: {  	v8 =	vld [tilespmem:s17+$0x70F0];
	_ =	sdelay $0x2  }
0x273: {  	v5 =	vmul.f32 v6, v5  }
0x274: {  	s16 =	sadd.s32 $0x80, s23;
	s15 =	sadd.s32 $0x100, s22;
	v4 =	vmul.f32 v7, v4  }
0x275: {  	s16 =	sand.u32 $0x380, s16;
	s15 =	sand.u32 $0xF800, s15;
	v3 =	vmul.f32 v8, v3  }
0x276: {  	s15 =	sor.u32 s16, s15;
	v4 =	vadd.f32 v4, v5;
	_ =	sdelay $0x1  }
0x277: {  	v3 =	vadd.f32 v3, v4;
	_ =	sdelay $0x1  }
0x278: {  	s17 =	sand.u32 $0x380, s23;
	s16 =	sand.u32 $0x7800, s22;
	[tilespmem:s18+$0xF0F0] =	vst v3  }
0x279: {  	s16 =	sor.u32 s17, s16;
	v3 =	vld [tilespmem:s20+$0x0]  }
0x27a: {  	s17 =	sadd.s32 $0x200, s22;
	s18 =	sadd.s32 $0x100, s23;
	v6 =	vld [tilespmem:s16+$0x6C80]  }
0x27b: {  	s17 =	sand.u32 $0xF800, s17;
	s18 =	sand.u32 $0x380, s18;
	v7 =	vld [tilespmem:s15+$0x6C80]  }
0x27c: {  	s17 =	sor.u32 s18, s17  }
0x27d: {  	v8 =	vld [tilespmem:s17+$0x6C80]  }
0x27e: {  	v5 =	vbroadcast v3, $0x0;
	v4 =	vbroadcast v3, $0x1  }
0x27f: {  	v3 =	vbroadcast v3, $0x2  }
0x280: {  	v6 =	vmul.f32 v5, v6;
	v7 =	vmul.f32 v7, v4;
	_ =	sdelay $0x1  }
0x281: {  	v6 =	vadd.f32 v7, v6;
	v7 =	vmul.f32 v8, v3;
	_ =	sdelay $0x1  }
0x282: {  	s23 =	sand.u32 $0x380, s14;
	s18 =	sand.u32 $0x1800, s21;
	v6 =	vadd.f32 v7, v6  }
0x283: {  	s18 =	sor.u32 s23, s18  }
0x284: {  	[tilespmem:s18+$0xEC80] =	vst v6  }
0x285: {  	v6 =	vld [tilespmem:s16+$0x6C90]  }
0x286: {  	v7 =	vld [tilespmem:s15+$0x6C90];
	_ =	sdelay $0x1  }
0x287: {  	v8 =	vld [tilespmem:s17+$0x6C90];
	_ =	sdelay $0x1  }
0x288: {  	v6 =	vmul.f32 v6, v5  }
0x289: {  	v7 =	vmul.f32 v7, v4;
	_ =	sdelay $0x1  }
0x28a: {  	v6 =	vadd.f32 v7, v6;
	v7 =	vmul.f32 v8, v3;
	_ =	sdelay $0x1  }
0x28b: {  	v6 =	vadd.f32 v7, v6;
	_ =	sdelay $0x1  }
0x28c: {  	[tilespmem:s18+$0xEC90] =	vst v6  }
0x28d: {  	v6 =	vld [tilespmem:s16+$0x6CA0]  }
0x28e: {  	v7 =	vld [tilespmem:s15+$0x6CA0]  }
0x28f: {  	v8 =	vld [tilespmem:s17+$0x6CA0];
	_ =	sdelay $0x2  }
0x290: {  	v6 =	vmul.f32 v6, v5  }
0x291: {  	v7 =	vmul.f32 v7, v4  }
0x292: {  	v8 =	vmul.f32 v8, v3  }
0x293: {  	v6 =	vadd.f32 v7, v6;
	_ =	sdelay $0x1  }
0x294: {  	v6 =	vadd.f32 v8, v6;
	_ =	sdelay $0x1  }
0x295: {  	[tilespmem:s18+$0xECA0] =	vst v6  }
0x296: {  	v6 =	vld [tilespmem:s16+$0x6CB0]  }
0x297: {  	v7 =	vld [tilespmem:s15+$0x6CB0];
	_ =	sdelay $0x1  }
0x298: {  	v8 =	vld [tilespmem:s17+$0x6CB0];
	_ =	sdelay $0x1  }
0x299: {  	v6 =	vmul.f32 v6, v5  }
0x29a: {  	v7 =	vmul.f32 v7, v4;
	_ =	sdelay $0x1  }
0x29b: {  	v6 =	vadd.f32 v7, v6;
	v7 =	vmul.f32 v8, v3;
	_ =	sdelay $0x1  }
0x29c: {  	v6 =	vadd.f32 v7, v6;
	_ =	sdelay $0x1  }
0x29d: {  	[tilespmem:s18+$0xECB0] =	vst v6  }
0x29e: {  	v6 =	vld [tilespmem:s16+$0x6CC0]  }
0x29f: {  	v7 =	vld [tilespmem:s15+$0x6CC0]  }
0x2a0: {  	v8 =	vld [tilespmem:s17+$0x6CC0];
	_ =	sdelay $0x2  }
0x2a1: {  	v6 =	vmul.f32 v6, v5  }
0x2a2: {  	v7 =	vmul.f32 v7, v4  }
0x2a3: {  	v8 =	vmul.f32 v8, v3  }
0x2a4: {  	v6 =	vadd.f32 v7, v6;
	_ =	sdelay $0x1  }
0x2a5: {  	v6 =	vadd.f32 v8, v6;
	_ =	sdelay $0x1  }
0x2a6: {  	[tilespmem:s18+$0xECC0] =	vst v6  }
0x2a7: {  	v6 =	vld [tilespmem:s16+$0x6CD0]  }
0x2a8: {  	v7 =	vld [tilespmem:s15+$0x6CD0]  }
0x2a9: {  	v8 =	vld [tilespmem:s17+$0x6CD0];
	_ =	sdelay $0x2  }
0x2aa: {  	v6 =	vmul.f32 v6, v5  }
0x2ab: {  	v7 =	vmul.f32 v7, v4  }
0x2ac: {  	v8 =	vmul.f32 v8, v3  }
0x2ad: {  	v6 =	vadd.f32 v7, v6;
	_ =	sdelay $0x1  }
0x2ae: {  	v6 =	vadd.f32 v8, v6;
	_ =	sdelay $0x1  }
0x2af: {  	[tilespmem:s18+$0xECD0] =	vst v6  }
0x2b0: {  	v6 =	vld [tilespmem:s16+$0x6CE0]  }
0x2b1: {  	v7 =	vld [tilespmem:s15+$0x6CE0]  }
0x2b2: {  	v8 =	vld [tilespmem:s17+$0x6CE0];
	_ =	sdelay $0x2  }
0x2b3: {  	v6 =	vmul.f32 v6, v5  }
0x2b4: {  	v7 =	vmul.f32 v7, v4  }
0x2b5: {  	v8 =	vmul.f32 v8, v3  }
0x2b6: {  	v6 =	vadd.f32 v7, v6;
	_ =	sdelay $0x1  }
0x2b7: {  	v6 =	vadd.f32 v8, v6;
	_ =	sdelay $0x1  }
0x2b8: {  	[tilespmem:s18+$0xECE0] =	vst v6  }
0x2b9: {  	v6 =	vld [tilespmem:s16+$0x6CF0]  }
0x2ba: {  	v7 =	vld [tilespmem:s15+$0x6CF0]  }
0x2bb: {  	v8 =	vld [tilespmem:s17+$0x6CF0];
	_ =	sdelay $0x2  }
0x2bc: {  	v6 =	vmul.f32 v6, v5  }
0x2bd: {  	v7 =	vmul.f32 v7, v4  }
0x2be: {  	v8 =	vmul.f32 v8, v3  }
0x2bf: {  	v6 =	vadd.f32 v7, v6;
	_ =	sdelay $0x1  }
0x2c0: {  	v6 =	vadd.f32 v8, v6;
	_ =	sdelay $0x1  }
0x2c1: {  	[tilespmem:s18+$0xECF0] =	vst v6  }
0x2c2: {  	v6 =	vld [tilespmem:s16+$0x7080]  }
0x2c3: {  	v7 =	vld [tilespmem:s15+$0x7080]  }
0x2c4: {  	v8 =	vld [tilespmem:s17+$0x7080];
	_ =	sdelay $0x2  }
0x2c5: {  	v6 =	vmul.f32 v6, v5  }
0x2c6: {  	v7 =	vmul.f32 v7, v4  }
0x2c7: {  	v8 =	vmul.f32 v8, v3  }
0x2c8: {  	v6 =	vadd.f32 v7, v6;
	_ =	sdelay $0x1  }
0x2c9: {  	v6 =	vadd.f32 v8, v6;
	_ =	sdelay $0x1  }
0x2ca: {  	[tilespmem:s18+$0xF080] =	vst v6  }
0x2cb: {  	v6 =	vld [tilespmem:s16+$0x7090]  }
0x2cc: {  	v7 =	vld [tilespmem:s15+$0x7090]  }
0x2cd: {  	v8 =	vld [tilespmem:s17+$0x7090];
	_ =	sdelay $0x2  }
0x2ce: {  	v6 =	vmul.f32 v6, v5  }
0x2cf: {  	v7 =	vmul.f32 v7, v4  }
0x2d0: {  	v8 =	vmul.f32 v8, v3  }
0x2d1: {  	v6 =	vadd.f32 v7, v6;
	_ =	sdelay $0x1  }
0x2d2: {  	v6 =	vadd.f32 v8, v6;
	_ =	sdelay $0x1  }
0x2d3: {  	[tilespmem:s18+$0xF090] =	vst v6  }
0x2d4: {  	v6 =	vld [tilespmem:s16+$0x70A0]  }
0x2d5: {  	v7 =	vld [tilespmem:s15+$0x70A0]  }
0x2d6: {  	v8 =	vld [tilespmem:s17+$0x70A0];
	_ =	sdelay $0x2  }
0x2d7: {  	v6 =	vmul.f32 v6, v5  }
0x2d8: {  	v7 =	vmul.f32 v7, v4  }
0x2d9: {  	v8 =	vmul.f32 v8, v3  }
0x2da: {  	v6 =	vadd.f32 v7, v6;
	_ =	sdelay $0x1  }
0x2db: {  	v6 =	vadd.f32 v8, v6;
	_ =	sdelay $0x1  }
0x2dc: {  	[tilespmem:s18+$0xF0A0] =	vst v6  }
0x2dd: {  	v6 =	vld [tilespmem:s16+$0x70B0]  }
0x2de: {  	v7 =	vld [tilespmem:s15+$0x70B0]  }
0x2df: {  	v8 =	vld [tilespmem:s17+$0x70B0];
	_ =	sdelay $0x2  }
0x2e0: {  	v6 =	vmul.f32 v6, v5  }
0x2e1: {  	v7 =	vmul.f32 v7, v4;
	_ =	sdelay $0x1  }
0x2e2: {  	v6 =	vadd.f32 v7, v6;
	v7 =	vmul.f32 v8, v3;
	_ =	sdelay $0x1  }
0x2e3: {  	v6 =	vadd.f32 v7, v6;
	_ =	sdelay $0x1  }
0x2e4: {  	[tilespmem:s18+$0xF0B0] =	vst v6  }
0x2e5: {  	v6 =	vld [tilespmem:s15+$0x70C0]  }
0x2e6: {  	v7 =	vld [tilespmem:s16+$0x70C0]  }
0x2e7: {  	v8 =	vld [tilespmem:s17+$0x70C0];
	_ =	sdelay $0x2  }
0x2e8: {  	v6 =	vmul.f32 v6, v4  }
0x2e9: {  	v7 =	vmul.f32 v7, v5  }
0x2ea: {  	v8 =	vmul.f32 v8, v3  }
0x2eb: {  	v6 =	vadd.f32 v6, v7;
	_ =	sdelay $0x1  }
0x2ec: {  	v6 =	vadd.f32 v8, v6;
	_ =	sdelay $0x1  }
0x2ed: {  	[tilespmem:s18+$0xF0C0] =	vst v6  }
0x2ee: {  	v6 =	vld [tilespmem:s16+$0x70D0]  }
0x2ef: {  	v7 =	vld [tilespmem:s15+$0x70D0]  }
0x2f0: {  	v8 =	vld [tilespmem:s17+$0x70D0];
	_ =	sdelay $0x2  }
0x2f1: {  	v6 =	vmul.f32 v6, v5  }
0x2f2: {  	v7 =	vmul.f32 v7, v4  }
0x2f3: {  	v8 =	vmul.f32 v8, v3  }
0x2f4: {  	v6 =	vadd.f32 v7, v6;
	_ =	sdelay $0x1  }
0x2f5: {  	v6 =	vadd.f32 v8, v6;
	_ =	sdelay $0x1  }
.Ltmp4:
0x2f6: {  	[tilespmem:s18+$0xF0D0] =	vst v6;
	(pc) =	sbr.rel @p0 .LBB2_9-.Ltmp4, $4  }
0x2f7: {  	v8 =	vld [tilespmem:s16+$0x70E0]  }
0x2f8: {  	v6 =	vld [tilespmem:s15+$0x70E0]  }
0x2f9: {  	v7 =	vld [tilespmem:s17+$0x70E0]  }
0x2fa: {  	s20 =	sadd.s32 $0x3, s20  }
0x2fb: {  	_ =	sdelay $0x1  }
0x2fc: {  	v8 =	vmul.f32 v8, v5;
	v6 =	vmul.f32 v6, v4;
	_ =	sdelay $0x1  }
0x2fd: {  	v7 =	vmul.f32 v7, v3;
	v6 =	vadd.f32 v6, v8;
	_ =	sdelay $0x1  }
0x2fe: {  	v6 =	vadd.f32 v7, v6;
	_ =	sdelay $0x1  }
0x2ff: {  	[tilespmem:s18+$0xF0E0] =	vst v6  }
0x300: {  	v6 =	vld [tilespmem:s16+$0x70F0]  }
0x301: {  	v60 =	vld [tilespmem:s15+$0x70F0];
	_ =	sdelay $0x1  }
0x302: {  	v61 =	vld [tilespmem:s17+$0x70F0];
	_ =	sdelay $0x2  }
0x303: {  	v62 =	vmul.f32 v6, v5;
	v63 =	vmul.f32 v60, v4  }
0x304: {  	s12 =	sadd.s32 $0x1, s12  }
0x305: {  	p0 =	sne.s32 s12, $0x8;
	v3 =	vmul.f32 v61, v3;
	v4 =	vadd.f32 v63, v62  }
.Ltmp5:
0x306: {  	_ = 	snop;
	(pc) =	sbr.rel @p0 .LBB2_2-.Ltmp5, $4  }
0x307: {  	v3 =	vadd.f32 v3, v4  }
0x308: {  	s13 =	sshll.u32 s13, $0xA  }
0x309: {  	s10 =	sadd.s32 $0xC0, s10;
	s11 =	sadd.s32 $0xC0, s11;
	s13 =	sadd.s32 s13, s6;
	[tilespmem:s18+$0xF0F0] =	vst v3  }
0x30a: {  	[hbm4b:s13+s2] =	stream.linear.scatter [tilespmem:s9], [sflag:$0x4], $0x2000, $0x38;
	[tilespmem:$0x10C80] =	vst v63  }
0x30b: {  	s10 =	simm.s32 $0x3  }
0x30c: {  	_ =	swait.ge [sflag:s10], $0x2000  }
0x30d: {  	[sflag:s10] =	ssyncset.done $0x0  }
0x30e: {  	[sflag:s10] =	ssyncadd.s32 $0xFFFFE000  }
0x30f: {  	_ =	swait.ge [sflag:s8], $0x2000  }
0x310: {  	s11 =	rddreg [dreg:$0x6]  }
0x311: {  	s24 =	rddreg [dreg:$0x5];
	s11 =	sadd.s32 $0x1, s11  }
0x312: {  	p0 =	sne.s32 s11, s24  }
.Ltmp6:
0x313: {  	_ = 	snop;
	(pc) =	sbr.rel @p0 .LBB2_1-.Ltmp6, $3  }
0x314: {  	_ =	sdelay $0x1  }
0x315: {  	[sflag:s8] =	ssyncset.done $0x0  }
0x316: {  	[sflag:s8] =	ssyncadd.s32 $0xFFFFE000  }
0x317: {  	_ =	sfence.sel $0x180000  }
0x318: {  	[bflag:$0x0] =	sbarrier.arrive $0xFFFF  }
0x319: {  	_ =	strace $0x9000004A  }
0x31a: {  	s0 =	stileid.u32;
	[bflag:$0x2] =	sbarrier.arrive $0xFFFF  }
0x31b: {  	p0 =	sne.s32 s0, $0x0;
	s0 =	rddreg [dreg:$0x2]  }
0x31c: {  	s0 =	sadd.s32 @!p0 $0x100000, s0  }
0x31d: {  	[sflag:s0] =	ssyncadd.tile.s32 @!p0 $0x1;
	_ =	shalt  }
.Lfunc_end2:
_tile_overlayer_lowered:
.L_overlay_start_2:
0x31e: {  	(tag) =	ssettag $0x2  }
0x31f: {  	s0 =	rddreg [dreg:$0x0];
	s2 =	stileid.u32  }
0x320: {  	s1 =	rddreg [dreg:$0x1];
	p0 =	sne.s32 s2, $0x0  }
0x321: {  	s3 =	rddreg [dreg:$0x2];
	[bflag:$0x3] =	sbarrier.arrive $0xFFFF;
	s2 =	simm.s32 @!p0 $0x1C05  }
0x322: {  	[timem:s3], [sflag:s2] =	dma.local @!p0 [hbm:s0], s1  }
0x323: {  	s0 =	simm.s32 @!p0 $0x5  }
0x324: {  	_ =	swait.ge @!p0 [sflag:s0], s1  }
0x325: {  	s1 =	ssub.s32 @!p0 $0x0, s1;
	[sflag:s0] =	ssyncset.done @!p0 $0x0  }
0x326: {  	[sflag:s0] =	ssyncadd.s32 @!p0 s1  }
0x327: {  	[bflag:$0x3] =	sbarrier.arrive $0xFFFF  }
0x328: {  	_ =	shalt  }

// kernel: sparse-core-data-format-call.cloned.1.call-start
scs
called_computation_lowered:
.L_overlay_start_0:
0x0: {  	s2 =	sld [smem:$0x3FD9]  }
0x1: {  	s3 =	sld [smem:$0x3FFE];
	_ =	sdelay $0x1  }
0x2: {  	s1 =	srdreg.scid  }
0x3: {  	s0 =	sand.u32 $0x1, s1  }
0x4: {  	s18 =	sshll.u32 s0, $0xA;
	s2 =	sadd.s32 s3, s2  }
0x5: {  	s2 =	sadd.s32 s2, s18  }
0x6: {  	[smem:$0x3FC5] =	sst s2  }
0x7: {  	_ = 	snop  }
0x8: {  	s2 =	sld [smem:$0x3FC7];
	(tm) =	ssettm $0x1  }
0x9: {  	s19 =	sld [smem:$0x3FFB];
	_ =	sdelay $0x3  }
0xa: {  	_ =	strace s19  }
0xb: {  	s3 =	sld [smem:$0x3FFC];
	_ =	sdelay $0x3  }
0xc: {  	_ =	strace s3  }
0xd: {  	s3 =	sld [smem:$0x3FFD];
	_ =	sdelay $0x3  }
0xe: {  	_ =	strace s3  }
0xf: {  	_ =	strace $0x8FFFFFFF  }
0x10: {  	s20 =	sld [smem:$0x3FDB];
	_ =	sdelay $0x1  }
0x11: {  	s4 =	simm.s32 $_scs_section_size  }
0x12: {  	s5 =	simm.s32 $_size__tile_overlayer_lowered;
	s6 =	simm.s32 $_tile_overlayer_lowered  }
0x13: {  	s23 =	simm.s32 $0x1BFF;
	s22 =	sshll.u32 s6, $0x1;
	s3 =	sadd.s32 s4, s20  }
0x14: {  	s7 =	simm.s32 $0x0;
	s21 =	sshll.u32 s5, $0x1;
	s5 =	sadd.s32 s22, s3  }
0x15: {  	[timem:s7], [sflag:s23] =	dma.local [hbm:s5], s21  }
0x16: {  	_ =	swait.ge [sflag:s23], s21  }
0x17: {  	s4 =	ssub.s32 $0x0, s21;
	[sflag:s23] =	ssyncset.done $0x0  }
0x18: {  	[sflag:s23] =	ssyncadd.s32 s4;
	_ =	sdelay $0x1  }
0x19: {  	s24 =	simm.s32 $0x1B8B  }
0x1a: {  	_ =	swait.ge [sflag:s24], $0x1  }
0x1b: {  	[sflag:s24] =	ssyncset.done $0x0  }
0x1c: {  	s26 =	simm.s32 $0x1B8E;
	s25 =	sld [smem:$0x3FFE];
	[sflag:s24] =	ssyncadd.s32 $0xFFFFFFFF  }
0x1d: {  	s27 =	simm.s32 $execute0_lowered;
	[smem:$0x3FD2] =	sst s26  }
0x1e: {  	s5 =	sshll.u32 s27, $0x1;
	_ =	strace $0x80000046;
	[dreg:$0x1] =	wrdreg $0xFFFFFFFF  }
0x1f: {  	s28 =	simm.s32 $_size_execute0_lowered;
	s3 =	sadd.s32 s3, s5;
	[dreg:$0x0] =	wrdreg $0x0  }
0x20: {  	s5 =	sshll.u32 s28, $0x1;
	[dreg:$0x2] =	wrdreg s3  }
0x21: {  	[dreg:$0x3] =	wrdreg s5  }
0x22: {  	[dreg:$0x4] =	wrdreg $0xC0  }
0x23: {  	_ =	task [dreg:s7], $0x5FFFF  }
0x24: {  	[dreg:$0x1] =	wrdreg $0xFFFFFFFF  }
0x25: {  	[dreg:$0x0] =	wrdreg $0x60  }
0x26: {  	[dreg:$0x2] =	wrdreg s2  }
0x27: {  	[dreg:$0x3] =	wrdreg s25  }
0x28: {  	[dreg:$0x4] =	wrdreg $0x9  }
0x29: {  	_ =	task.clear_ibuf [dreg:s7], $0x5FFFF;
	_ =	strace $0x90000046  }
0x2a: {  	s29 =	simm.s32 $0x9;
	_ =	strace $0x80000048  }
0x2b: {  	_ =	swait.ge [sflag:s29], $0x1  }
0x2c: {  	[sflag:s29] =	ssyncadd.s32 $0xFFFFFFFF  }
0x2d: {  	_ =	strace $0x90000048  }
0x2e: {  	_ =	sfence  }
0x2f: {  	s30 =	sld [smem:$0x0];
	_ =	sdelay $0x2  }
0x30: {  	s31 =	sshll.u32 s1, $0xD;
	s1 =	sshrl.u32 s1, $0x2  }
0x31: {  	s3 =	sand.u32 $0x4000, s31;
	s1 =	sadd.s32 s1, s30  }
0x32: {  	s0 =	sor.u32 s3, s0;
	s1 =	sshll.u32 s1, $0x11  }
0x33: {  	s0 =	sor.u32 s1, s0  }
0x34: {  	s0 =	sadd.s32 $0x8F2B, s0  }
0x35: {  	[sflag:s0] =	ssyncadd.remote.s32 $0x1  }
0x36: {  	_ =	sfence.sel $0xFFFF  }
0x37: {  	[dreg:$0x0] =	wrdreg $0xFFFFFFFF;
	(pc) =	sbr.abs _section_cstart, $3  }
0x38: {  	[dreg:$0x1] =	wrdreg $0xFFFFFFFF  }
0x39: {  	_ =	task.clear_ibuf [dreg:s7], $0x2FFFF;
	_ =	strace $0x9FFFFFFF  }
0x3a: {  	(tm) =	ssettm $0x7FFFFFFF  }
0x3b: {  	_ =	shalt  }
tec
execute0_lowered:
.L_overlay_start_1:
0x0: {  	(tag) =	ssettag $0x1  }
0x1: {  	s0 =	stileid.u32;
	s1 =	srdreg.scid  }
0x2: {  	s7 =	rddreg [dreg:$0x1];
	s31 =	simm.s32 $0x2;
	s17 =	simm.s32 $0x0  }
0x3: {  	p0 =	por $0x0, $0x0;
	s10 =	simm.s32 $0x800;
	s15 =	simm.s32 $0x0  }
0x4: {  	s16 =	simm.s32 $0x0;
	s14 =	simm.s32 $0x0;
	s2 =	sshll.u32 s0, $0x4  }
0x5: {  	s3 =	sshll.u32 s1, $0x7;
	s1 =	rddreg [dreg:$0x0];
	s2 =	sand.u32 $0x80, s2  }
0x6: {  	s7 =	sadd.s32 $0xE00, s7;
	s4 =	sand.u32 $0x80, s3;
	s30 =	ssub.s32 $0x100, s2  }
0x7: {  	s5 =	ssub.s32 $0x2000, s4;
	s11 =	smov.u32 s4;
	s6 =	sshrl.u32 s30, $0x8  }
0x8: {  	s3 =	sshrl.u32 s30, $0x7;
	s8 =	sshrl.u32 s5, $0x7;
	s5 =	sshrl.u32 s5, $0x8  }
.Ltmp0:
0x9: {  	s9 =	sand.u32 $0x1, s3;
	s8 =	sand.u32 $0x1, s8;
	(pc) =	sbr.rel .LBB1_1-.Ltmp0, $4  }
0xa: {  	s3 =	rddreg [dreg:$0x2];
	s6 =	sadd.s32 s6, s9;
	s8 =	sadd.s32 s5, s8  }
0xb: {  	_ =	strace $0x80000047;
	s5 =	simm.s32 $0x1;
	s6 =	smul.u32 s6, s8  }
0xc: {  	s12 =	smov.u32 s2;
	[sflag:s5] =	ssyncpa.u1 $0x0;
	s8 =	sand.u32 $0x7, s0  }
0xd: {  	[sflag:s31] =	ssyncpa.u1 $0x0;
	s13 =	smov.u32 s8;
	s9 =	sadd.s32 $0x1, s6  }
.LBB1_4:
0xe: {  	v5 =	vld [tilespmem:s21+$0xFFFFFFD0]  }
0xf: {  	[tilespmem:s19+$0x2040 ss:$0x81] =	vst.msk $0xffff, v1;
	v58 =	vld [tilespmem:s21+$0xFFFFFFE0]  }
0x10: {  	[tilespmem:s19+$0x2850 ss:$0x81] =	vst.msk $0xffff, v2;
	v59 =	vld [tilespmem:s21+$0xFFFFFFF0]  }
0x11: {  	s22 =	sshra.s32 s22, $0x2;
	[tilespmem:s19+$0x3060 ss:$0x81] =	vst.msk $0xffff, v3;
	v60 =	vld [tilespmem:s21+$0x0]  }
0x12: {  	v61 =	vld [tilespmem:s21+$0x10];
	[tilespmem:s19+$0x0 ss:$0x81] =	vst.msk $0xffff, v0;
	s20 =	sadd.s32 s22, s20  }
0x13: {  	s25 =	sshll.u32 s17, $0x8;
	v62 =	vld [tilespmem:s21+$0x20];
	[tilespmem:s20+$0x3870 ss:$0x81] =	vst.msk $0xffff, v4  }
0x14: {  	s23 =	sshll.u32 s15, $0x3;
	v63 =	vld [tilespmem:s21+$0xFFFFFFC0];
	s30 =	sand.u32 $0x78, s15;
	s16 =	sshll.u32 s16, $0x12;
	[tilespmem:s20+$0x810 ss:$0x81] =	vst.msk $0xffff, v5  }
0x15: {  	s28 =	sshll.u32 s17, $0x7;
	s26 =	sand.u32 $0x1FF800, s25;
	s27 =	sand.u32 $0x1FFC00, s23;
	[tilespmem:s20+$0x1020 ss:$0x81] =	vst.msk $0xffff, v58  }
0x16: {  	s29 =	sand.u32 $0x300, s28;
	s17 =	sand.u32 $0x80, s28;
	s19 =	sadd.s32 s27, s26;
	[tilespmem:s20+$0x1830 ss:$0x81] =	vst.msk $0xffff, v59  }
0x17: {  	s31 =	sand.u32 $0x7, s15;
	s17 =	sor.u32 s30, s17;
	s19 =	sor.u32 s29, s19;
	[tilespmem:s20+$0x2040 ss:$0x81] =	vst.msk $0xffff, v60  }
0x18: {  	s16 =	sadd.s32 s7, s16;
	s17 =	sshrl.u32 s17, $0x3;
	s19 =	sshrl.u32 s19, $0x3;
	[tilespmem:s20+$0x2850 ss:$0x81] =	vst.msk $0xffff, v61  }
0x19: {  	s15 =	sshll.u32 s31, $0x12;
	s16 =	sadd.s32 s17, s16;
	[tilespmem:s20+$0x3060 ss:$0x81] =	vst.msk $0xffff, v62;
	s19 =	sand.u32 $0x3FFE0, s19  }
0x1a: {  	s15 =	sor.u32 $0x400, s15;
	[tilespmem:s20+$0x0 ss:$0x81] =	vst.msk $0xffff, v63;
	s16 =	sadd.s32 s19, s16  }
0x1b: {  	[hbm4b:s16+s15] =	stream.strided.scatter [tilespmem:s18], [sflag:$0x2], $0x4000, s10, s15, $0x20;
	[tilespmem:$0x10100] =	vst v63  }
.LBB1_5:
0x1c: {  	s18 =	sadd.s32 $0x100, s11  }
0x1d: {  	s15 =	sadd.s32 $0x100, s12;
	s19 =	smov.u32 s12;
	p2 =	sgt.s32 s18, $0x1FFF  }
0x1e: {  	s19 =	smov.u32 @p2 s15  }
0x1f: {  	s21 =	smov.u32 s13;
	s15 =	sadd.s32 $0x8, s13;
	p3 =	sgt.s32 s19, $0xFF  }
0x20: {  	s21 =	smov.u32 @p3 s15  }
0x21: {  	s18 =	smov.u32 @p2 s4;
	p2 =	sgt.s32 s21, $0x7  }
0x22: {  	p1 =	slt.u32 s14, $0x2;
	s21 =	smov.u32 @p2 s8;
	p2 =	sne.s32 s14, s9  }
.Ltmp1:
0x23: {  	s20 =	simm.s32 @!p1 $0x2;
	(pc) =	sbr.rel @!p2 .LBB1_6-.Ltmp1, $4  }
0x24: {  	s17 =	smov.u32 s11;
	s16 =	smov.u32 s13;
	_ =	swait.ge @!p1 [sflag:s20], $0x4000  }
0x25: {  	p0 =	por !p0, !p0;
	[sflag:s20] =	ssyncset.done @!p1 $0x0;
	s11 =	smov.u32 s18  }
0x26: {  	s19 =	smov.u32 @p3 s2;
	s15 =	smov.u32 s12;
	[sflag:s20] =	ssyncadd.s32 @!p1 $0xFFFFC000  }
0x27: {  	s12 =	smov.u32 s19;
	s14 =	sadd.s32 $0x1, s14;
	s13 =	smov.u32 s21  }
.LBB1_1:
0x28: {  	p1 =	sge.u32 s14, s6;
	s31 =	sadd.s32 $0xFFFFFFFF, s14  }
0x29: {  	s18 =	sxor.u32 @!p1 $0xFFFFFFFF, s14;
	s19 =	sand.u32 @!p1 $0x78, s11;
	s20 =	sshll.u32 @!p1 s12, $0xD  }
0x2a: {  	s21 =	sshll.u32 @!p1 s12, $0x7;
	s22 =	sshll.u32 @!p1 s11, $0x3;
	s18 =	sshll.u32 @!p1 s18, $0xE  }
0x2b: {  	s20 =	sand.u32 @!p1 $0x1F0000, s20;
	s21 =	sand.u32 @!p1 $0x380, s21;
	s18 =	sand.u32 @!p1 $0x4000, s18  }
0x2c: {  	s20 =	sadd.s32 @!p1 s20, s22;
	s22 =	sand.u32 @!p1 $0x1C00, s22;
	s19 =	sor.u32 @!p1 s21, s19  }
0x2d: {  	s21 =	sshll.u32 @!p1 s13, $0x12;
	s19 =	sor.u32 @!p1 s22, s19;
	s20 =	sshrl.u32 @!p1 s20, $0x3  }
0x2e: {  	s21 =	sadd.s32 @!p1 s1, s21;
	s22 =	sand.u32 @!p1 $0x7, s11;
	s20 =	sand.u32 @!p1 $0x3FC00, s20  }
0x2f: {  	s19 =	sshrl.u32 @!p1 s19, $0x3;
	s20 =	sadd.s32 @!p1 s20, s21;
	s21 =	sshll.u32 @!p1 s22, $0x12  }
0x30: {  	s19 =	sadd.s32 @!p1 s19, s20;
	s20 =	sor.u32 @!p1 $0x400, s21;
	s21 =	simm.s32 @!p1 $0x10000  }
0x31: {  	[tilespmem:s18], [sflag:$0x1] =	stream.strided.gather @!p1 [hbm4b:s19+s20], $0x4000, s21, s20, $0x38;
	[tilespmem:$0x10100] =	vst v63  }
0x32: {  	p1 =	sge.u32 s31, s6  }
.Ltmp2:
0x33: {  	_ = 	snop;
	(pc) =	sbr.rel @p1 .LBB1_5-.Ltmp2, $1  }
0x34: {  	_ =	sdelay $0x3  }
0x35: {  	s18 =	simm.s32 $0x1  }
0x36: {  	_ =	swait.ge [sflag:s5], $0x4000;
	s18 =	simm.s32 @!p0 $0x0  }
0x37: {  	[sflag:s5] =	ssyncset.done $0x0;
	s19 =	sshll.u32 s18, $0xE  }
0x38: {  	[sflag:s5] =	ssyncadd.s32 $0xFFFFC000;
	s21 =	sor.u32 $0x40, s19  }
0x39: {  	s18 =	smul.u32 $0x10200, s18;
	v0 =	vld [tilespmem:s21+$0x30]  }
0x3a: {  	v3 =	vld [tilespmem:s21+$0xFFFFFFD0]  }
0x3b: {  	s18 =	sshrl.u32 s18, $0x2;
	v4 =	vld [tilespmem:s21+$0xFFFFFFE0]  }
0x3c: {  	v5 =	vld [tilespmem:s21+$0xFFFFFFF0];
	s20 =	sor.u32 $0x8000, s18  }
0x3d: {  	s31 =	sand.u32 $0x1, s14;
	v1 =	vld [tilespmem:s21+$0x0];
	s19 =	sadd.s32 $0x0, s20  }
0x3e: {  	v2 =	vld [tilespmem:s21+$0x10];
	s18 =	smul.u32 $0x10200, s31;
	[tilespmem:s19+$0x3870 ss:$0x81] =	vst.msk $0xffff, v0  }
0x3f: {  	[tilespmem:s19+$0x810 ss:$0x81] =	vst.msk $0xffff, v3;
	v3 =	vld [tilespmem:s21+$0x20]  }
0x40: {  	s18 =	sshrl.u32 s18, $0x2;
	v0 =	vld [tilespmem:s21+$0xFFFFFFC0];
	[tilespmem:s19+$0x1020 ss:$0x81] =	vst.msk $0xffff, v4;
	s21 =	sadd.s32 $0x80, s21  }
0x41: {  	s22 =	simm.s32 $0x4;
	s23 =	simm.s32 $0x8;
	s18 =	sor.u32 $0x8000, s18;
	[tilespmem:s19+$0x1830 ss:$0x81] =	vst.msk $0xffff, v5;
	v4 =	vld [tilespmem:s21+$0x30]  }
.LBB1_3:
0x42: {  	p1 =	sne.s32 s23, $0x1FC;
	v5 =	vld [tilespmem:s21+$0xFFFFFFD0];
	[tilespmem:s19+$0x2040 ss:$0x81] =	vst.msk $0xffff, v1  }
0x43: {  	v6 =	vld [tilespmem:s21+$0xFFFFFFE0];
	[tilespmem:s19+$0x2850 ss:$0x81] =	vst.msk $0xffff, v2  }
0x44: {  	s24 =	sshra.s32 s22, $0x2;
	s22 =	smov.u32 s23;
	v7 =	vld [tilespmem:s21+$0xFFFFFFF0];
	[tilespmem:s19+$0x3060 ss:$0x81] =	vst.msk $0xffff, v3  }
.Ltmp3:
0x45: {  	v1 =	vld [tilespmem:s21+$0x0];
	[tilespmem:s19+$0x0 ss:$0x81] =	vst.msk $0xffff, v0;
	s19 =	sadd.s32 s24, s20;
	(pc) =	sbr.rel @p1 .LBB1_3-.Ltmp3, $4  }
0x46: {  	v2 =	vld [tilespmem:s21+$0x10];
	[tilespmem:s19+$0x3870 ss:$0x81] =	vst.msk $0xffff, v4  }
0x47: {  	[tilespmem:s19+$0x810 ss:$0x81] =	vst.msk $0xffff, v5;
	v3 =	vld [tilespmem:s21+$0x20]  }
0x48: {  	v0 =	vld [tilespmem:s21+$0xFFFFFFC0];
	[tilespmem:s19+$0x1020 ss:$0x81] =	vst.msk $0xffff, v6;
	s21 =	sadd.s32 $0x80, s21  }
0x49: {  	s23 =	sadd.s32 $0x4, s23;
	v4 =	vld [tilespmem:s21+$0x30];
	[tilespmem:s19+$0x1830 ss:$0x81] =	vst.msk $0xffff, v7  }
.Ltmp4:
0x4a: {  	_ = 	snop;
	(pc) =	sbr.rel .LBB1_4-.Ltmp4, $1  }
0x4b: {  	_ =	sdelay $0x3  }
.LBB1_6:
0x4c: {  	_ =	sfence.sel $0x180000  }
0x4d: {  	s1 =	simm.s32 $0x1;
	[bflag:$0x0] =	sbarrier.arrive $0xFFFF  }
0x4e: {  	s31 =	simm.s32 $0x2;
	[sflag:s1] =	ssyncpa.u1 $0x1  }
0x4f: {  	[sflag:s31] =	ssyncpa.u1 $0x1  }
0x50: {  	p0 =	sne.s32 s0, $0x0;
	_ =	strace $0x90000047  }
0x51: {  	s0 =	sadd.s32 @!p0 $0x100000, s3;
	[bflag:$0x2] =	sbarrier.arrive $0xFFFF  }
0x52: {  	[sflag:s0] =	ssyncadd.tile.s32 @!p0 $0x1;
	_ =	shalt  }
.Lfunc_end1:
_tile_overlayer_lowered:
.L_overlay_start_2:
0x53: {  	(tag) =	ssettag $0x2  }
0x54: {  	s0 =	rddreg [dreg:$0x0];
	s2 =	stileid.u32  }
0x55: {  	s1 =	rddreg [dreg:$0x1];
	p0 =	sne.s32 s2, $0x0  }
0x56: {  	s3 =	rddreg [dreg:$0x2];
	[bflag:$0x3] =	sbarrier.arrive $0xFFFF;
	s2 =	simm.s32 @!p0 $0x1C01  }
0x57: {  	[timem:s3], [sflag:s2] =	dma.local @!p0 [hbm:s0], s1  }
0x58: {  	s0 =	simm.s32 @!p0 $0x1  }
0x59: {  	_ =	swait.ge @!p0 [sflag:s0], s1  }
0x5a: {  	s1 =	ssub.s32 @!p0 $0x0, s1;
	[sflag:s0] =	ssyncset.done @!p0 $0x0  }
0x5b: {  	[sflag:s0] =	ssyncadd.s32 @!p0 s1  }
0x5c: {  	[bflag:$0x3] =	sbarrier.arrive $0xFFFF  }
0x5d: {  	_ =	shalt  }

</sc_bundles>
